<compile_context>
chip_gen: v7x
topology: tpu7x:2x2x1
jax: 0.10.2.dev20260603
libtpu: 0.0.44.dev20260713+nightly
codegen_flags: <defaults>
</compile_context>

<pallas_src>
import functools

import jax
import jax.numpy as jnp
from jax import lax
from jax.experimental import pallas as pl
from jax.experimental.pallas import tpu as pltpu
from jax.experimental.pallas import tpu_sc as plsc

N = 5000
NPAD = 5008
E = 160000
NSUB = 16
WIN = 128
NWIN = 80
ET = WIN * NWIN
NBUF = 8
EPAD = ET * NSUB
W = 8
F32 = jnp.float32


def _dense_body(xu_ref, xi_ref, wr1r_ref, wo1r_ref, wr1v_ref, wo1v_ref,
                wr2r_ref, wo2r_ref, wr2v_ref, wo2v_ref, wpost_ref,
                br1r_ref, br1v_ref, br2r_ref, br2v_ref, bpost_ref,
                eir_ref, eiv_ref, pads_ref, padd_ref, rel_ref,
                tab_ref, init_ref, src1_ref, src2_ref, dst_ref,
                ssrc_ref, sdst_ref, relm_ref):
    er = eir_ref[...]
    ev = eiv_ref[...]
    ps = pads_ref[...]
    pd = padd_ref[...]
    sr = jnp.concatenate([er[0], ps])
    dr = jnp.concatenate([er[1], pd])
    sv = jnp.concatenate([ev[0], ps])
    dv = jnp.concatenate([ev[1], pd])
    src1_ref[...] = jnp.stack([sr, sv + NPAD]).reshape(2, NSUB, NWIN, WIN)
    src2_ref[...] = jnp.stack([sr + NPAD, sv]).reshape(2, NSUB, NWIN, WIN)
    dst_ref[...] = jnp.stack([dr, dv]).reshape(2, NSUB, NWIN, WIN)
    ssrc_ref[...] = jnp.stack(
        [(sr + NPAD) * W, sv * W + 2]).reshape(2, NSUB, ET)
    sdst_ref[...] = jnp.stack(
        [dr * W + 2, (dv + NPAD) * W]).reshape(2, NSUB, ET)
    relm_ref[...] = jnp.broadcast_to(
        rel_ref[...][:, :, None], (2, 2, 16)).reshape(2, 32)

    dot = functools.partial(jnp.dot, precision=lax.Precision.HIGHEST,
                            preferred_element_type=F32)
    wp = wpost_ref[...]
    g = dot(wr2v_ref[...], wp)
    t = dot(wo2r_ref[...], wp)
    gp = dot(wr2r_ref[...], wp)
    tp = dot(wo2v_ref[...], wp)
    zpad = jnp.zeros((128, 4), F32)
    gt = jnp.concatenate([g, t, zpad], axis=1)
    tg = jnp.concatenate([tp, gp, zpad], axis=1)
    c_item = dot(br2r_ref[...], wp) + bpost_ref[...]
    c_user = dot(br2v_ref[...], wp) + bpost_ref[...]
    zero2 = jnp.zeros((1, 2), F32)
    zero4 = jnp.zeros((1, 4), F32)
    bias_i = dot(br1r_ref[...], gt) + jnp.concatenate(
        [zero2, c_item, zero4], axis=1)
    bias_u = dot(br1v_ref[...], tg) + jnp.concatenate(
        [c_user, zero2, zero4], axis=1)
    mu = jnp.concatenate([dot(wr1r_ref[...], gt),
                          dot(wo1v_ref[...], tg)], axis=1)
    mi = jnp.concatenate([dot(wr1v_ref[...], tg),
                          dot(wo1r_ref[...], gt)], axis=1)
    ou = dot(xu_ref[...], mu)
    oi = dot(xi_ref[...], mi)
    zrows = jnp.zeros((NPAD - N, W), F32)
    tab_ref[0:N] = ou[:, 0:W]
    tab_ref[N:NPAD] = zrows
    tab_ref[NPAD:NPAD + N] = oi[:, 0:W]
    tab_ref[NPAD + N:] = zrows
    init_ref[0:N] = oi[:, W:] + bias_i
    init_ref[N:NPAD] = zrows
    init_ref[NPAD:NPAD + N] = ou[:, W:] + bias_u
    init_ref[NPAD + N:] = zrows


def _dense(xu, xi, wr1r, wo1r, wr1v, wo1v, wr2r, wo2r, wr2v, wo2v, wpost,
           br1r, br1v, br2r, br2v, bpost, eir, eiv, pads, padd, rel):
    i32 = jnp.int32
    outs = [jax.ShapeDtypeStruct((2 * NPAD, W), F32),
            jax.ShapeDtypeStruct((2 * NPAD, W), F32),
            jax.ShapeDtypeStruct((2, NSUB, NWIN, WIN), i32),
            jax.ShapeDtypeStruct((2, NSUB, NWIN, WIN), i32),
            jax.ShapeDtypeStruct((2, NSUB, NWIN, WIN), i32),
            jax.ShapeDtypeStruct((2, NSUB, ET), i32),
            jax.ShapeDtypeStruct((2, NSUB, ET), i32),
            jax.ShapeDtypeStruct((2, 32), F32)]
    return pl.pallas_call(_dense_body, out_shape=outs)(
        xu, xi, wr1r, wo1r, wr1v, wo1v, wr2r, wo2r, wr2v, wo2v, wpost,
        br1r, br1v, br2r, br2v, bpost, eir, eiv, pads, padd, rel)


_MESH = plsc.VectorSubcoreMesh(core_axis_name="c", subcore_axis_name="s")
_SC_PARAMS = pltpu.CompilerParams(needs_layout_passes=False,
                                  use_tc_tiling_on_sc=False)


@functools.partial(
    pl.kernel, mesh=_MESH,
    out_type=jax.ShapeDtypeStruct((2 * NPAD, W), F32),
    scratch_types=[
        pltpu.VMEM_SHARED((NPAD, W), F32),
        pltpu.VMEM((NWIN, WIN), jnp.int32),
        pltpu.VMEM((NWIN, WIN), jnp.int32),
        pltpu.VMEM((NBUF, WIN, W), F32),
        pltpu.VMEM((NPAD, W), F32),
        pltpu.SemaphoreType.DMA((NBUF,)),
        pltpu.SemaphoreType.DMA((NBUF,)),
    ],
    compiler_params=_SC_PARAMS,
)
def _seg_pass(tab_hbm, init_hbm, src_hbm, dst_hbm, out_hbm,
              acc_sp, sidx_v, didx_v, rows_v, bounce_v, gsem, ssem):
    c = lax.axis_index("c")
    s = lax.axis_index("s")

    @pl.when(s == 0)
    def _stage_init():
        pltpu.sync_copy(init_hbm.at[pl.ds(c * NPAD, NPAD)], bounce_v)
        pltpu.sync_copy(bounce_v, acc_sp)

    pltpu.sync_copy(src_hbm.at[c, s], sidx_v)
    pltpu.sync_copy(dst_hbm.at[c, s], didx_v)
    plsc.subcore_barrier()

    def block(i, carry):
        base = i * NBUF
        gs = [pltpu.async_copy(tab_hbm.at[sidx_v.at[base + k]],
                               rows_v.at[k], gsem.at[k])
              for k in range(NBUF)]
        scs = []
        for k in range(NBUF):
            gs[k].wait()
            scs.append(pltpu.async_copy(
                rows_v.at[k], acc_sp.at[didx_v.at[base + k]], ssem.at[k],
                add=True))
        for cp in scs:
            cp.wait()
        return carry

    lax.fori_loop(0, NWIN // NBUF, block, 0)
    plsc.subcore_barrier()

    @pl.when(s == 0)
    def _flush():
        pltpu.sync_copy(acc_sp, bounce_v)
        pltpu.sync_copy(bounce_v, out_hbm.at[pl.ds(c * NPAD, NPAD)])


ETT = E - (NSUB - 1) * ET


@functools.partial(
    pl.kernel, mesh=_MESH,
    out_type=jax.ShapeDtypeStruct((2 * E,), F32),
    scratch_types=[
        pltpu.VMEM((2 * NPAD, W), F32),
        pltpu.VMEM((ET,), jnp.int32),
        pltpu.VMEM((ET,), jnp.int32),
        pltpu.VMEM((ET,), F32),
        pltpu.VMEM((32,), F32),
        pltpu.VMEM_SHARED((2 * NPAD, W), F32),
    ],
    compiler_params=_SC_PARAMS,
)
def _score(ptab_hbm, src_hbm, dst_hbm, rel_hbm, out_hbm,
           tab_v, sidx_v, didx_v, sbuf_v, rel_v, shr_sp):
    c = lax.axis_index("c")
    s = lax.axis_index("s")
    chunk = (2 * NPAD) // NSUB
    seg = pl.ds(s * chunk, chunk)
    pltpu.sync_copy(ptab_hbm.at[seg], tab_v.at[seg])
    pltpu.sync_copy(tab_v.at[seg], shr_sp.at[seg])
    pltpu.sync_copy(src_hbm.at[c, s], sidx_v)
    pltpu.sync_copy(dst_hbm.at[c, s], didx_v)
    pltpu.sync_copy(rel_hbm.at[c], rel_v)
    plsc.subcore_barrier()
    pltpu.sync_copy(shr_sp, tab_v)
    r0 = rel_v[pl.ds(0, 16)]
    r1 = rel_v[pl.ds(16, 16)]

    def group(g, carry):
        sl = pl.ds(g * 16, 16)
        si = sidx_v[sl]
        di = didx_v[sl]
        sro = lax.shift_right_logical(si, 3)
        sco = jnp.bitwise_and(si, 7)
        dro = lax.shift_right_logical(di, 3)
        dco = jnp.bitwise_and(di, 7)
        a0 = plsc.load_gather(tab_v, [sro, sco])
        a1 = plsc.load_gather(tab_v, [sro, sco + 1])
        b0 = plsc.load_gather(tab_v, [dro, dco])
        b1 = plsc.load_gather(tab_v, [dro, dco + 1])
        sbuf_v[sl] = a0 * b0 * r0 + a1 * b1 * r1
        return carry

    lax.fori_loop(0, ET // 16, group, 0)
    base = c * E + s * ET

    @pl.when(s < NSUB - 1)
    def _full():
        pltpu.sync_copy(sbuf_v, out_hbm.at[pl.ds(base, ET)])

    @pl.when(s == NSUB - 1)
    def _tail():
        pltpu.sync_copy(sbuf_v.at[pl.ds(0, ETT)], out_hbm.at[pl.ds(base, ETT)])


def kernel(x_user, x_item, edge_index_rates, edge_index_rev, snap,
           W_rel1_rates, b_rel1_rates, W_root1_rates,
           W_rel1_rev, b_rel1_rev, W_root1_rev,
           W_rel2_rates, b_rel2_rates, W_root2_rates,
           W_rel2_rev, b_rel2_rev, W_root2_rev,
           W_post, b_post, rel_emb):
    npe = EPAD - E
    pad_src = jnp.arange(npe, dtype=jnp.int32) % N
    pad_dst = N + (jnp.arange(npe, dtype=jnp.int32) % 8)

    (tab1, init1, src1, src2, dst, ssrc, sdst, relm) = _dense(
        x_user, x_item, W_rel1_rates, W_root1_rates, W_rel1_rev, W_root1_rev,
        W_rel2_rates, W_root2_rates, W_rel2_rev, W_root2_rev, W_post,
        b_rel1_rates.reshape(1, -1), b_rel1_rev.reshape(1, -1),
        b_rel2_rates.reshape(1, -1), b_rel2_rev.reshape(1, -1),
        b_post.reshape(1, -1),
        edge_index_rates, edge_index_rev, pad_src, pad_dst, rel_emb)

    q = _seg_pass(tab1, init1, src1, dst)
    p = _seg_pass(q, q, src2, dst)
    return _score(p, ssrc, sdst, relm)

# --- scband reference (transcript-rebuilt; emitter-appended) ---
"""Pipeline reference for scband-hetero-to-temporal-29231547417251 (READ-ONLY COPY).

The authoritative reference and input builder live on the scoring server;
editing this copy changes nothing except your own understanding.
"""

import jax, jax.numpy as jnp
import numpy as np

N_USER = 5000
N_ITEM = 5000
E = 160000
D_IN = 128
H1 = 128
H2 = 64

def _glorot(key, fan_in, fan_out):
    s = float(np.sqrt(6.0 / (fan_in + fan_out)))
    return jax.random.uniform(key, (fan_in, fan_out), jnp.float32, -s, s)

def setup_inputs(seed: int = 0):
    key = jax.random.key(seed)
    ks = jax.random.split(key, 16)
    inp = {}
    inp["x_user"] = jax.random.normal(ks[0], (N_USER, D_IN), jnp.float32)
    inp["x_item"] = jax.random.normal(ks[1], (N_ITEM, D_IN), jnp.float32)
    inp["edge_index_rates"] = jax.random.randint(ks[2], (2, E), 0, N_ITEM, jnp.int32)
    inp["edge_index_rev"] = jax.random.randint(ks[3], (2, E), 0, N_USER, jnp.int32)
    inp["snap"] = 0
    # HeteroConv layer 1: one GraphConv per edge type (lin_rel has bias, lin_root has no bias)
    inp["W_rel1_rates"] = _glorot(ks[4], D_IN, H1)
    inp["b_rel1_rates"] = jnp.zeros((H1,), jnp.float32)
    inp["W_root1_rates"] = _glorot(ks[5], D_IN, H1)
    inp["W_rel1_rev"] = _glorot(ks[6], D_IN, H1)
    inp["b_rel1_rev"] = jnp.zeros((H1,), jnp.float32)
    inp["W_root1_rev"] = _glorot(ks[7], D_IN, H1)
    # HeteroConv layer 2
    inp["W_rel2_rates"] = _glorot(ks[8], H1, H2)
    inp["b_rel2_rates"] = jnp.zeros((H2,), jnp.float32)
    inp["W_root2_rates"] = _glorot(ks[9], H1, H2)
    inp["W_rel2_rev"] = _glorot(ks[10], H1, H2)
    inp["b_rel2_rev"] = jnp.zeros((H2,), jnp.float32)
    inp["W_root2_rev"] = _glorot(ks[11], H1, H2)
    # post projection and relation embeddings
    inp["W_post"] = _glorot(ks[12], H2, 2)
    inp["b_post"] = jnp.zeros((2,), jnp.float32)
    inp["rel_emb"] = jax.random.normal(ks[13], (2, 2), jnp.float32)
    return inp

def _graph_conv(x_src, x_dst, ei, W_rel, b_rel, W_root, n_dst):
    # PyG GraphConv with aggr='add': out = lin_rel(sum_j x_j) + lin_root(x_dst)
    msg = jnp.take(x_src, ei[0], axis=0)
    agg = jax.ops.segment_sum(msg, ei[1], num_segments=n_dst)
    return agg @ W_rel + b_rel + x_dst @ W_root

def reference(x_user, x_item, edge_index_rates, edge_index_rev, snap,
              W_rel1_rates, b_rel1_rates, W_root1_rates,
              W_rel1_rev, b_rel1_rev, W_root1_rev,
              W_rel2_rates, b_rel2_rates, W_root2_rates,
              W_rel2_rev, b_rel2_rev, W_root2_rev,
              W_post, b_post, rel_emb):
    # conv1: HeteroConv(aggr='sum') -- each node type receives from exactly one edge type here
    h1_item = _graph_conv(x_user, x_item, edge_index_rates, W_rel1_rates, b_rel1_rates, W_root1_rates, N_ITEM)
    h1_user = _graph_conv(x_item, x_user, edge_index_rev, W_rel1_rev, b_rel1_rev, W_root1_rev, N_USER)
    # snap == 0 path: temporal GRU update skipped, current_dict = conv output
    h2_item = _graph_conv(h1_user, h1_item, edge_index_rates, W_rel2_rates, b_rel2_rates, W_root2_rates, N_ITEM)
    h2_user = _graph_conv(h1_item, h1_user, edge_index_rev, W_rel2_rev, b_rel2_rev, W_root2_rev, N_USER)
    # post projection + triple_dot link decode with per-relation embedding
    p_user = h2_user @ W_post + b_post
    p_item = h2_item @ W_post + b_post
    s_rates = (p_user[edge_index_rates[0]] * p_item[edge_index_rates[1]] * rel_emb[0]).sum(axis=-1)
    s_rev = (p_item[edge_index_rev[0]] * p_user[edge_index_rev[1]] * rel_emb[1]).sum(axis=-1)
    return jnp.concatenate([s_rates, s_rev], axis=0)

if __name__ == "__main__":
    import jax
    _d = setup_inputs()
    print(jax.jit(kernel)(*tuple(_d.values())))

</pallas_src>

<mosaic_0001>
#map = affine_map<(d0, d1) -> (0, 0)>
#map1 = affine_map<(d0, d1) -> (0, 0, 0, 0)>
module attributes {stable_mosaic.version = 14 : i64} {
  func.func @_seg_pass(%arg0: i32, %arg1: i32, %arg2: memref<10016x8xf32, #tpu.memory_space<hbm>>, %arg3: memref<10016x8xf32, #tpu.memory_space<hbm>>, %arg4: memref<2x16x80x128xi32, #tpu.memory_space<hbm>>, %arg5: memref<2x16x80x128xi32, #tpu.memory_space<hbm>>, %arg6: memref<10016x8xf32, #tpu.memory_space<hbm>>, %arg7: memref<5008x8xf32, #tpu.memory_space<vmem_shared>>, %arg8: memref<80x128xi32, #tpu.memory_space<vmem>>, %arg9: memref<80x128xi32, #tpu.memory_space<vmem>>, %arg10: memref<8x128x8xf32, #tpu.memory_space<vmem>>, %arg11: memref<5008x8xf32, #tpu.memory_space<vmem>>, %arg12: memref<8x!tpu.dma_semaphore, #tpu.memory_space<semaphore_mem>>, %arg13: memref<8x!tpu.dma_semaphore, #tpu.memory_space<semaphore_mem>>) attributes {dimension_semantics = [#tpu.dimension_semantics<core_parallel>, #tpu.dimension_semantics<subcore_parallel>], iteration_bounds = array<i64: 2, 16>, scalar_prefetch = 0 : i64, scratch_operands = 7 : i64, tpu.core_type = #tpu.core_type<sc_vector_subcore>, window_params = [{transform_indices = #map}, {transform_indices = #map}, {transform_indices = #map1}, {transform_indices = #map1}, {transform_indices = #map}]} {
    %eq3A = arith.constant 0 : i32
    %eq3A_0 = arith.cmpi eq, %arg1, %eq3A : i32
    %convert_element_type3A = arith.extui %eq3A_0 : i1 to i32
    %cond3A = arith.constant 0 : i32
    %cond3A_1 = arith.cmpi ne, %convert_element_type3A, %cond3A : i32
    scf.if %cond3A_1 {
      %mul3A = arith.constant 5008 : i32
      %mul3A_13 = arith.muli %arg0, %mul3A : i32
      "tpu.region"() ({
        %run_scoped3A = tpu.sem_alloc : memref<!tpu.dma_semaphore, #tpu.memory_space<semaphore_mem>>
        %dma_start3A = arith.constant 0 : i32
        %dma_start3A_14 = tpu.memref_slice %arg3[%mul3A_13, %dma_start3A] : memref<10016x8xf32, #tpu.memory_space<hbm>> -> memref<5008x8xf32, #tpu.memory_space<hbm>>
        %dma_start3A_15 = arith.constant 0 : i32
        %dma_start3A_16 = tpu.memref_slice %arg3[%mul3A_13, %dma_start3A_15] : memref<10016x8xf32, #tpu.memory_space<hbm>> -> memref<5008x8xf32, #tpu.memory_space<hbm>>
        tpu.enqueue_dma source(%dma_start3A_16 : memref<5008x8xf32, #tpu.memory_space<hbm>>) target(%arg11 : memref<5008x8xf32, #tpu.memory_space<vmem>>) target_semaphore(%run_scoped3A : memref<!tpu.dma_semaphore, #tpu.memory_space<semaphore_mem>>)
        %dma_wait3A = arith.constant 0 : i32
        %dma_wait3A_17 = tpu.memref_slice %arg3[%mul3A_13, %dma_wait3A] : memref<10016x8xf32, #tpu.memory_space<hbm>> -> memref<5008x8xf32, #tpu.memory_space<hbm>>
        %dma_wait3A_18 = arith.constant 0 : i32
        %dma_wait3A_19 = tpu.memref_slice %arg3[%mul3A_13, %dma_wait3A_18] : memref<10016x8xf32, #tpu.memory_space<hbm>> -> memref<5008x8xf32, #tpu.memory_space<hbm>>
        tpu.wait_dma2 semaphore(%run_scoped3A : memref<!tpu.dma_semaphore, #tpu.memory_space<semaphore_mem>>) src(%dma_wait3A_19 : memref<5008x8xf32, #tpu.memory_space<hbm>>) dst(%arg11 : memref<5008x8xf32, #tpu.memory_space<vmem>>)
        tpu.yield
      }) : () -> ()
      "tpu.region"() ({
        %run_scoped3A = tpu.sem_alloc : memref<!tpu.dma_semaphore, #tpu.memory_space<semaphore_mem>>
        tpu.enqueue_dma source(%arg11 : memref<5008x8xf32, #tpu.memory_space<vmem>>) target(%arg7 : memref<5008x8xf32, #tpu.memory_space<vmem_shared>>) target_semaphore(%run_scoped3A : memref<!tpu.dma_semaphore, #tpu.memory_space<semaphore_mem>>)
        tpu.wait_dma2 semaphore(%run_scoped3A : memref<!tpu.dma_semaphore, #tpu.memory_space<semaphore_mem>>) src(%arg11 : memref<5008x8xf32, #tpu.memory_space<vmem>>) dst(%arg7 : memref<5008x8xf32, #tpu.memory_space<vmem_shared>>)
        tpu.yield
      }) : () -> ()
    } else {
    }
    "tpu.region"() ({
      %run_scoped3A = tpu.sem_alloc : memref<!tpu.dma_semaphore, #tpu.memory_space<semaphore_mem>>
      %dma_start3A = arith.constant 0 : i32
      %dma_start3A_13 = arith.constant 0 : i32
      %dma_start3A_14 = tpu.memref_slice %arg4[%arg0, %arg1, %dma_start3A, %dma_start3A_13] : memref<2x16x80x128xi32, #tpu.memory_space<hbm>> -> memref<1x1x80x128xi32, #tpu.memory_space<hbm>>
      %dma_start3A_15 = tpu.memref_squeeze %dma_start3A_14 : memref<1x1x80x128xi32, #tpu.memory_space<hbm>> -> memref<80x128xi32, #tpu.memory_space<hbm>>
      %dma_start3A_16 = arith.constant 0 : i32
      %dma_start3A_17 = arith.constant 0 : i32
      %dma_start3A_18 = tpu.memref_slice %arg4[%arg0, %arg1, %dma_start3A_16, %dma_start3A_17] : memref<2x16x80x128xi32, #tpu.memory_space<hbm>> -> memref<1x1x80x128xi32, #tpu.memory_space<hbm>>
      %dma_start3A_19 = tpu.memref_squeeze %dma_start3A_18 : memref<1x1x80x128xi32, #tpu.memory_space<hbm>> -> memref<80x128xi32, #tpu.memory_space<hbm>>
      tpu.enqueue_dma source(%dma_start3A_19 : memref<80x128xi32, #tpu.memory_space<hbm>>) target(%arg8 : memref<80x128xi32, #tpu.memory_space<vmem>>) target_semaphore(%run_scoped3A : memref<!tpu.dma_semaphore, #tpu.memory_space<semaphore_mem>>)
      %dma_wait3A = arith.constant 0 : i32
      %dma_wait3A_20 = arith.constant 0 : i32
      %dma_wait3A_21 = tpu.memref_slice %arg4[%arg0, %arg1, %dma_wait3A, %dma_wait3A_20] : memref<2x16x80x128xi32, #tpu.memory_space<hbm>> -> memref<1x1x80x128xi32, #tpu.memory_space<hbm>>
      %dma_wait3A_22 = tpu.memref_squeeze %dma_wait3A_21 : memref<1x1x80x128xi32, #tpu.memory_space<hbm>> -> memref<80x128xi32, #tpu.memory_space<hbm>>
      %dma_wait3A_23 = arith.constant 0 : i32
      %dma_wait3A_24 = arith.constant 0 : i32
      %dma_wait3A_25 = tpu.memref_slice %arg4[%arg0, %arg1, %dma_wait3A_23, %dma_wait3A_24] : memref<2x16x80x128xi32, #tpu.memory_space<hbm>> -> memref<1x1x80x128xi32, #tpu.memory_space<hbm>>
      %dma_wait3A_26 = tpu.memref_squeeze %dma_wait3A_25 : memref<1x1x80x128xi32, #tpu.memory_space<hbm>> -> memref<80x128xi32, #tpu.memory_space<hbm>>
      tpu.wait_dma2 semaphore(%run_scoped3A : memref<!tpu.dma_semaphore, #tpu.memory_space<semaphore_mem>>) src(%dma_wait3A_26 : memref<80x128xi32, #tpu.memory_space<hbm>>) dst(%arg8 : memref<80x128xi32, #tpu.memory_space<vmem>>)
      tpu.yield
    }) : () -> ()
    "tpu.region"() ({
      %run_scoped3A = tpu.sem_alloc : memref<!tpu.dma_semaphore, #tpu.memory_space<semaphore_mem>>
      %dma_start3A = arith.constant 0 : i32
      %dma_start3A_13 = arith.constant 0 : i32
      %dma_start3A_14 = tpu.memref_slice %arg5[%arg0, %arg1, %dma_start3A, %dma_start3A_13] : memref<2x16x80x128xi32, #tpu.memory_space<hbm>> -> memref<1x1x80x128xi32, #tpu.memory_space<hbm>>
      %dma_start3A_15 = tpu.memref_squeeze %dma_start3A_14 : memref<1x1x80x128xi32, #tpu.memory_space<hbm>> -> memref<80x128xi32, #tpu.memory_space<hbm>>
      %dma_start3A_16 = arith.constant 0 : i32
      %dma_start3A_17 = arith.constant 0 : i32
      %dma_start3A_18 = tpu.memref_slice %arg5[%arg0, %arg1, %dma_start3A_16, %dma_start3A_17] : memref<2x16x80x128xi32, #tpu.memory_space<hbm>> -> memref<1x1x80x128xi32, #tpu.memory_space<hbm>>
      %dma_start3A_19 = tpu.memref_squeeze %dma_start3A_18 : memref<1x1x80x128xi32, #tpu.memory_space<hbm>> -> memref<80x128xi32, #tpu.memory_space<hbm>>
      tpu.enqueue_dma source(%dma_start3A_19 : memref<80x128xi32, #tpu.memory_space<hbm>>) target(%arg9 : memref<80x128xi32, #tpu.memory_space<vmem>>) target_semaphore(%run_scoped3A : memref<!tpu.dma_semaphore, #tpu.memory_space<semaphore_mem>>)
      %dma_wait3A = arith.constant 0 : i32
      %dma_wait3A_20 = arith.constant 0 : i32
      %dma_wait3A_21 = tpu.memref_slice %arg5[%arg0, %arg1, %dma_wait3A, %dma_wait3A_20] : memref<2x16x80x128xi32, #tpu.memory_space<hbm>> -> memref<1x1x80x128xi32, #tpu.memory_space<hbm>>
      %dma_wait3A_22 = tpu.memref_squeeze %dma_wait3A_21 : memref<1x1x80x128xi32, #tpu.memory_space<hbm>> -> memref<80x128xi32, #tpu.memory_space<hbm>>
      %dma_wait3A_23 = arith.constant 0 : i32
      %dma_wait3A_24 = arith.constant 0 : i32
      %dma_wait3A_25 = tpu.memref_slice %arg5[%arg0, %arg1, %dma_wait3A_23, %dma_wait3A_24] : memref<2x16x80x128xi32, #tpu.memory_space<hbm>> -> memref<1x1x80x128xi32, #tpu.memory_space<hbm>>
      %dma_wait3A_26 = tpu.memref_squeeze %dma_wait3A_25 : memref<1x1x80x128xi32, #tpu.memory_space<hbm>> -> memref<80x128xi32, #tpu.memory_space<hbm>>
      tpu.wait_dma2 semaphore(%run_scoped3A : memref<!tpu.dma_semaphore, #tpu.memory_space<semaphore_mem>>) src(%dma_wait3A_26 : memref<80x128xi32, #tpu.memory_space<hbm>>) dst(%arg9 : memref<80x128xi32, #tpu.memory_space<vmem>>)
      tpu.yield
    }) : () -> ()
    %barrier3A = arith.constant 0 : index
    tpu.barrier barrier_id(%barrier3A)
    %scan3A = arith.constant 0 : i32
    %scan3A_2 = arith.constant 0 : i32
    %scan3A_3 = arith.constant 10 : i32
    %scan3A_4 = arith.addi %scan3A_2, %scan3A_3 : i32
    %scan3A_5 = arith.constant 1 : i32
    scf.for %scan3A_13 = %scan3A_2 to %scan3A_4 step %scan3A_5  : i32 {
      %mul3A = arith.constant 8 : i32
      %mul3A_14 = arith.muli %scan3A_13, %mul3A : i32
      %add3A = arith.constant 0 : i32
      %add3A_15 = arith.addi %mul3A_14, %add3A : i32
      %dma_start3A = arith.constant 0 : i32
      %dma_start3A_16 = arith.constant 0 : i32
      %dma_start3A_17 = arith.constant 0 : i32
      %dma_start3A_18 = arith.constant 0 : i32
      %dma_start3A_19 = tpu.memref_slice %arg10[%dma_start3A, %dma_start3A_17, %dma_start3A_18] : memref<8x128x8xf32, #tpu.memory_space<vmem>> -> memref<1x128x8xf32, #tpu.memory_space<vmem>>
      %dma_start3A_20 = tpu.memref_squeeze %dma_start3A_19 : memref<1x128x8xf32, #tpu.memory_space<vmem>> -> memref<128x8xf32, #tpu.memory_space<vmem>>
      %dma_start3A_21 = arith.constant 0 : i32
      %dma_start3A_22 = tpu.memref_slice %arg8[%add3A_15, %dma_start3A_21] : memref<80x128xi32, #tpu.memory_space<vmem>> -> memref<1x128xi32, #tpu.memory_space<vmem>>
      %dma_start3A_23 = tpu.memref_squeeze %dma_start3A_22 : memref<1x128xi32, #tpu.memory_space<vmem>> -> memref<128xi32, #tpu.memory_space<vmem>>
      %dma_start3A_24 = arith.constant 0 : i32
      %dma_start3A_25 = arith.constant 0 : i32
      %dma_start3A_26 = tpu.memref_slice %arg2[%dma_start3A_24, %dma_start3A_25] : memref<10016x8xf32, #tpu.memory_space<hbm>> -> memref<10016x8xf32, #tpu.memory_space<hbm>>
      %dma_start3A_27 = tpu.memref_slice %arg12[%dma_start3A_16] : memref<8x!tpu.dma_semaphore, #tpu.memory_space<semaphore_mem>> -> memref<1x!tpu.dma_semaphore, #tpu.memory_space<semaphore_mem>>
      %dma_start3A_28 = tpu.memref_squeeze %dma_start3A_27 : memref<1x!tpu.dma_semaphore, #tpu.memory_space<semaphore_mem>> -> memref<!tpu.dma_semaphore, #tpu.memory_space<semaphore_mem>>
      tpu.enqueue_indirect_dma source(%dma_start3A_26 : memref<10016x8xf32, #tpu.memory_space<hbm>>) target(%dma_start3A_20 : memref<128x8xf32, #tpu.memory_space<vmem>>) offsets(%dma_start3A_23 : memref<128xi32, #tpu.memory_space<vmem>>) semaphore(%dma_start3A_28 : memref<!tpu.dma_semaphore, #tpu.memory_space<semaphore_mem>>)
      %add3A_29 = arith.constant 1 : i32
      %add3A_30 = arith.addi %mul3A_14, %add3A_29 : i32
      %dma_start3A_31 = arith.constant 1 : i32
      %dma_start3A_32 = arith.constant 1 : i32
      %dma_start3A_33 = arith.constant 0 : i32
      %dma_start3A_34 = arith.constant 0 : i32
      %dma_start3A_35 = tpu.memref_slice %arg10[%dma_start3A_31, %dma_start3A_33, %dma_start3A_34] : memref<8x128x8xf32, #tpu.memory_space<vmem>> -> memref<1x128x8xf32, #tpu.memory_space<vmem>>
      %dma_start3A_36 = tpu.memref_squeeze %dma_start3A_35 : memref<1x128x8xf32, #tpu.memory_space<vmem>> -> memref<128x8xf32, #tpu.memory_space<vmem>>
      %dma_start3A_37 = arith.constant 0 : i32
      %dma_start3A_38 = tpu.memref_slice %arg8[%add3A_30, %dma_start3A_37] : memref<80x128xi32, #tpu.memory_space<vmem>> -> memref<1x128xi32, #tpu.memory_space<vmem>>
      %dma_start3A_39 = tpu.memref_squeeze %dma_start3A_38 : memref<1x128xi32, #tpu.memory_space<vmem>> -> memref<128xi32, #tpu.memory_space<vmem>>
      %dma_start3A_40 = arith.constant 0 : i32
      %dma_start3A_41 = arith.constant 0 : i32
      %dma_start3A_42 = tpu.memref_slice %arg2[%dma_start3A_40, %dma_start3A_41] : memref<10016x8xf32, #tpu.memory_space<hbm>> -> memref<10016x8xf32, #tpu.memory_space<hbm>>
      %dma_start3A_43 = tpu.memref_slice %arg12[%dma_start3A_32] : memref<8x!tpu.dma_semaphore, #tpu.memory_space<semaphore_mem>> -> memref<1x!tpu.dma_semaphore, #tpu.memory_space<semaphore_mem>>
      %dma_start3A_44 = tpu.memref_squeeze %dma_start3A_43 : memref<1x!tpu.dma_semaphore, #tpu.memory_space<semaphore_mem>> -> memref<!tpu.dma_semaphore, #tpu.memory_space<semaphore_mem>>
      tpu.enqueue_indirect_dma source(%dma_start3A_42 : memref<10016x8xf32, #tpu.memory_space<hbm>>) target(%dma_start3A_36 : memref<128x8xf32, #tpu.memory_space<vmem>>) offsets(%dma_start3A_39 : memref<128xi32, #tpu.memory_space<vmem>>) semaphore(%dma_start3A_44 : memref<!tpu.dma_semaphore, #tpu.memory_space<semaphore_mem>>)
      %add3A_45 = arith.constant 2 : i32
      %add3A_46 = arith.addi %mul3A_14, %add3A_45 : i32
      %dma_start3A_47 = arith.constant 2 : i32
      %dma_start3A_48 = arith.constant 2 : i32
      %dma_start3A_49 = arith.constant 0 : i32
      %dma_start3A_50 = arith.constant 0 : i32
      %dma_start3A_51 = tpu.memref_slice %arg10[%dma_start3A_47, %dma_start3A_49, %dma_start3A_50] : memref<8x128x8xf32, #tpu.memory_space<vmem>> -> memref<1x128x8xf32, #tpu.memory_space<vmem>>
      %dma_start3A_52 = tpu.memref_squeeze %dma_start3A_51 : memref<1x128x8xf32, #tpu.memory_space<vmem>> -> memref<128x8xf32, #tpu.memory_space<vmem>>
      %dma_start3A_53 = arith.constant 0 : i32
      %dma_start3A_54 = tpu.memref_slice %arg8[%add3A_46, %dma_start3A_53] : memref<80x128xi32, #tpu.memory_space<vmem>> -> memref<1x128xi32, #tpu.memory_space<vmem>>
      %dma_start3A_55 = tpu.memref_squeeze %dma_start3A_54 : memref<1x128xi32, #tpu.memory_space<vmem>> -> memref<128xi32, #tpu.memory_space<vmem>>
      %dma_start3A_56 = arith.constant 0 : i32
      %dma_start3A_57 = arith.constant 0 : i32
      %dma_start3A_58 = tpu.memref_slice %arg2[%dma_start3A_56, %dma_start3A_57] : memref<10016x8xf32, #tpu.memory_space<hbm>> -> memref<10016x8xf32, #tpu.memory_space<hbm>>
      %dma_start3A_59 = tpu.memref_slice %arg12[%dma_start3A_48] : memref<8x!tpu.dma_semaphore, #tpu.memory_space<semaphore_mem>> -> memref<1x!tpu.dma_semaphore, #tpu.memory_space<semaphore_mem>>
      %dma_start3A_60 = tpu.memref_squeeze %dma_start3A_59 : memref<1x!tpu.dma_semaphore, #tpu.memory_space<semaphore_mem>> -> memref<!tpu.dma_semaphore, #tpu.memory_space<semaphore_mem>>
      tpu.enqueue_indirect_dma source(%dma_start3A_58 : memref<10016x8xf32, #tpu.memory_space<hbm>>) target(%dma_start3A_52 : memref<128x8xf32, #tpu.memory_space<vmem>>) offsets(%dma_start3A_55 : memref<128xi32, #tpu.memory_space<vmem>>) semaphore(%dma_start3A_60 : memref<!tpu.dma_semaphore, #tpu.memory_space<semaphore_mem>>)
      %add3A_61 = arith.constant 3 : i32
      %add3A_62 = arith.addi %mul3A_14, %add3A_61 : i32
      %dma_start3A_63 = arith.constant 3 : i32
      %dma_start3A_64 = arith.constant 3 : i32
      %dma_start3A_65 = arith.constant 0 : i32
      %dma_start3A_66 = arith.constant 0 : i32
      %dma_start3A_67 = tpu.memref_slice %arg10[%dma_start3A_63, %dma_start3A_65, %dma_start3A_66] : memref<8x128x8xf32, #tpu.memory_space<vmem>> -> memref<1x128x8xf32, #tpu.memory_space<vmem>>
      %dma_start3A_68 = tpu.memref_squeeze %dma_start3A_67 : memref<1x128x8xf32, #tpu.memory_space<vmem>> -> memref<128x8xf32, #tpu.memory_space<vmem>>
      %dma_start3A_69 = arith.constant 0 : i32
      %dma_start3A_70 = tpu.memref_slice %arg8[%add3A_62, %dma_start3A_69] : memref<80x128xi32, #tpu.memory_space<vmem>> -> memref<1x128xi32, #tpu.memory_space<vmem>>
      %dma_start3A_71 = tpu.memref_squeeze %dma_start3A_70 : memref<1x128xi32, #tpu.memory_space<vmem>> -> memref<128xi32, #tpu.memory_space<vmem>>
      %dma_start3A_72 = arith.constant 0 : i32
      %dma_start3A_73 = arith.constant 0 : i32
      %dma_start3A_74 = tpu.memref_slice %arg2[%dma_start3A_72, %dma_start3A_73] : memref<10016x8xf32, #tpu.memory_space<hbm>> -> memref<10016x8xf32, #tpu.memory_space<hbm>>
      %dma_start3A_75 = tpu.memref_slice %arg12[%dma_start3A_64] : memref<8x!tpu.dma_semaphore, #tpu.memory_space<semaphore_mem>> -> memref<1x!tpu.dma_semaphore, #tpu.memory_space<semaphore_mem>>
      %dma_start3A_76 = tpu.memref_squeeze %dma_start3A_75 : memref<1x!tpu.dma_semaphore, #tpu.memory_space<semaphore_mem>> -> memref<!tpu.dma_semaphore, #tpu.memory_space<semaphore_mem>>
      tpu.enqueue_indirect_dma source(%dma_start3A_74 : memref<10016x8xf32, #tpu.memory_space<hbm>>) target(%dma_start3A_68 : memref<128x8xf32, #tpu.memory_space<vmem>>) offsets(%dma_start3A_71 : memref<128xi32, #tpu.memory_space<vmem>>) semaphore(%dma_start3A_76 : memref<!tpu.dma_semaphore, #tpu.memory_space<semaphore_mem>>)
      %add3A_77 = arith.constant 4 : i32
      %add3A_78 = arith.addi %mul3A_14, %add3A_77 : i32
      %dma_start3A_79 = arith.constant 4 : i32
      %dma_start3A_80 = arith.constant 4 : i32
      %dma_start3A_81 = arith.constant 0 : i32
      %dma_start3A_82 = arith.constant 0 : i32
      %dma_start3A_83 = tpu.memref_slice %arg10[%dma_start3A_79, %dma_start3A_81, %dma_start3A_82] : memref<8x128x8xf32, #tpu.memory_space<vmem>> -> memref<1x128x8xf32, #tpu.memory_space<vmem>>
      %dma_start3A_84 = tpu.memref_squeeze %dma_start3A_83 : memref<1x128x8xf32, #tpu.memory_space<vmem>> -> memref<128x8xf32, #tpu.memory_space<vmem>>
      %dma_start3A_85 = arith.constant 0 : i32
      %dma_start3A_86 = tpu.memref_slice %arg8[%add3A_78, %dma_start3A_85] : memref<80x128xi32, #tpu.memory_space<vmem>> -> memref<1x128xi32, #tpu.memory_space<vmem>>
      %dma_start3A_87 = tpu.memref_squeeze %dma_start3A_86 : memref<1x128xi32, #tpu.memory_space<vmem>> -> memref<128xi32, #tpu.memory_space<vmem>>
      %dma_start3A_88 = arith.constant 0 : i32
      %dma_start3A_89 = arith.constant 0 : i32
      %dma_start3A_90 = tpu.memref_slice %arg2[%dma_start3A_88, %dma_start3A_89] : memref<10016x8xf32, #tpu.memory_space<hbm>> -> memref<10016x8xf32, #tpu.memory_space<hbm>>
      %dma_start3A_91 = tpu.memref_slice %arg12[%dma_start3A_80] : memref<8x!tpu.dma_semaphore, #tpu.memory_space<semaphore_mem>> -> memref<1x!tpu.dma_semaphore, #tpu.memory_space<semaphore_mem>>
      %dma_start3A_92 = tpu.memref_squeeze %dma_start3A_91 : memref<1x!tpu.dma_semaphore, #tpu.memory_space<semaphore_mem>> -> memref<!tpu.dma_semaphore, #tpu.memory_space<semaphore_mem>>
      tpu.enqueue_indirect_dma source(%dma_start3A_90 : memref<10016x8xf32, #tpu.memory_space<hbm>>) target(%dma_start3A_84 : memref<128x8xf32, #tpu.memory_space<vmem>>) offsets(%dma_start3A_87 : memref<128xi32, #tpu.memory_space<vmem>>) semaphore(%dma_start3A_92 : memref<!tpu.dma_semaphore, #tpu.memory_space<semaphore_mem>>)
      %add3A_93 = arith.constant 5 : i32
      %add3A_94 = arith.addi %mul3A_14, %add3A_93 : i32
      %dma_start3A_95 = arith.constant 5 : i32
      %dma_start3A_96 = arith.constant 5 : i32
      %dma_start3A_97 = arith.constant 0 : i32
      %dma_start3A_98 = arith.constant 0 : i32
      %dma_start3A_99 = tpu.memref_slice %arg10[%dma_start3A_95, %dma_start3A_97, %dma_start3A_98] : memref<8x128x8xf32, #tpu.memory_space<vmem>> -> memref<1x128x8xf32, #tpu.memory_space<vmem>>
      %dma_start3A_100 = tpu.memref_squeeze %dma_start3A_99 : memref<1x128x8xf32, #tpu.memory_space<vmem>> -> memref<128x8xf32, #tpu.memory_space<vmem>>
      %dma_start3A_101 = arith.constant 0 : i32
      %dma_start3A_102 = tpu.memref_slice %arg8[%add3A_94, %dma_start3A_101] : memref<80x128xi32, #tpu.memory_space<vmem>> -> memref<1x128xi32, #tpu.memory_space<vmem>>
      %dma_start3A_103 = tpu.memref_squeeze %dma_start3A_102 : memref<1x128xi32, #tpu.memory_space<vmem>> -> memref<128xi32, #tpu.memory_space<vmem>>
      %dma_start3A_104 = arith.constant 0 : i32
      %dma_start3A_105 = arith.constant 0 : i32
      %dma_start3A_106 = tpu.memref_slice %arg2[%dma_start3A_104, %dma_start3A_105] : memref<10016x8xf32, #tpu.memory_space<hbm>> -> memref<10016x8xf32, #tpu.memory_space<hbm>>
      %dma_start3A_107 = tpu.memref_slice %arg12[%dma_start3A_96] : memref<8x!tpu.dma_semaphore, #tpu.memory_space<semaphore_mem>> -> memref<1x!tpu.dma_semaphore, #tpu.memory_space<semaphore_mem>>
      %dma_start3A_108 = tpu.memref_squeeze %dma_start3A_107 : memref<1x!tpu.dma_semaphore, #tpu.memory_space<semaphore_mem>> -> memref<!tpu.dma_semaphore, #tpu.memory_space<semaphore_mem>>
      tpu.enqueue_indirect_dma source(%dma_start3A_106 : memref<10016x8xf32, #tpu.memory_space<hbm>>) target(%dma_start3A_100 : memref<128x8xf32, #tpu.memory_space<vmem>>) offsets(%dma_start3A_103 : memref<128xi32, #tpu.memory_space<vmem>>) semaphore(%dma_start3A_108 : memref<!tpu.dma_semaphore, #tpu.memory_space<semaphore_mem>>)
      %add3A_109 = arith.constant 6 : i32
      %add3A_110 = arith.addi %mul3A_14, %add3A_109 : i32
      %dma_start3A_111 = arith.constant 6 : i32
      %dma_start3A_112 = arith.constant 6 : i32
      %dma_start3A_113 = arith.constant 0 : i32
      %dma_start3A_114 = arith.constant 0 : i32
      %dma_start3A_115 = tpu.memref_slice %arg10[%dma_start3A_111, %dma_start3A_113, %dma_start3A_114] : memref<8x128x8xf32, #tpu.memory_space<vmem>> -> memref<1x128x8xf32, #tpu.memory_space<vmem>>
      %dma_start3A_116 = tpu.memref_squeeze %dma_start3A_115 : memref<1x128x8xf32, #tpu.memory_space<vmem>> -> memref<128x8xf32, #tpu.memory_space<vmem>>
      %dma_start3A_117 = arith.constant 0 : i32
      %dma_start3A_118 = tpu.memref_slice %arg8[%add3A_110, %dma_start3A_117] : memref<80x128xi32, #tpu.memory_space<vmem>> -> memref<1x128xi32, #tpu.memory_space<vmem>>
      %dma_start3A_119 = tpu.memref_squeeze %dma_start3A_118 : memref<1x128xi32, #tpu.memory_space<vmem>> -> memref<128xi32, #tpu.memory_space<vmem>>
      %dma_start3A_120 = arith.constant 0 : i32
      %dma_start3A_121 = arith.constant 0 : i32
      %dma_start3A_122 = tpu.memref_slice %arg2[%dma_start3A_120, %dma_start3A_121] : memref<10016x8xf32, #tpu.memory_space<hbm>> -> memref<10016x8xf32, #tpu.memory_space<hbm>>
      %dma_start3A_123 = tpu.memref_slice %arg12[%dma_start3A_112] : memref<8x!tpu.dma_semaphore, #tpu.memory_space<semaphore_mem>> -> memref<1x!tpu.dma_semaphore, #tpu.memory_space<semaphore_mem>>
      %dma_start3A_124 = tpu.memref_squeeze %dma_start3A_123 : memref<1x!tpu.dma_semaphore, #tpu.memory_space<semaphore_mem>> -> memref<!tpu.dma_semaphore, #tpu.memory_space<semaphore_mem>>
      tpu.enqueue_indirect_dma source(%dma_start3A_122 : memref<10016x8xf32, #tpu.memory_space<hbm>>) target(%dma_start3A_116 : memref<128x8xf32, #tpu.memory_space<vmem>>) offsets(%dma_start3A_119 : memref<128xi32, #tpu.memory_space<vmem>>) semaphore(%dma_start3A_124 : memref<!tpu.dma_semaphore, #tpu.memory_space<semaphore_mem>>)
      %add3A_125 = arith.constant 7 : i32
      %add3A_126 = arith.addi %mul3A_14, %add3A_125 : i32
      %dma_start3A_127 = arith.constant 7 : i32
      %dma_start3A_128 = arith.constant 7 : i32
      %dma_start3A_129 = arith.constant 0 : i32
      %dma_start3A_130 = arith.constant 0 : i32
      %dma_start3A_131 = tpu.memref_slice %arg10[%dma_start3A_127, %dma_start3A_129, %dma_start3A_130] : memref<8x128x8xf32, #tpu.memory_space<vmem>> -> memref<1x128x8xf32, #tpu.memory_space<vmem>>
      %dma_start3A_132 = tpu.memref_squeeze %dma_start3A_131 : memref<1x128x8xf32, #tpu.memory_space<vmem>> -> memref<128x8xf32, #tpu.memory_space<vmem>>
      %dma_start3A_133 = arith.constant 0 : i32
      %dma_start3A_134 = tpu.memref_slice %arg8[%add3A_126, %dma_start3A_133] : memref<80x128xi32, #tpu.memory_space<vmem>> -> memref<1x128xi32, #tpu.memory_space<vmem>>
      %dma_start3A_135 = tpu.memref_squeeze %dma_start3A_134 : memref<1x128xi32, #tpu.memory_space<vmem>> -> memref<128xi32, #tpu.memory_space<vmem>>
      %dma_start3A_136 = arith.constant 0 : i32
      %dma_start3A_137 = arith.constant 0 : i32
      %dma_start3A_138 = tpu.memref_slice %arg2[%dma_start3A_136, %dma_start3A_137] : memref<10016x8xf32, #tpu.memory_space<hbm>> -> memref<10016x8xf32, #tpu.memory_space<hbm>>
      %dma_start3A_139 = tpu.memref_slice %arg12[%dma_start3A_128] : memref<8x!tpu.dma_semaphore, #tpu.memory_space<semaphore_mem>> -> memref<1x!tpu.dma_semaphore, #tpu.memory_space<semaphore_mem>>
      %dma_start3A_140 = tpu.memref_squeeze %dma_start3A_139 : memref<1x!tpu.dma_semaphore, #tpu.memory_space<semaphore_mem>> -> memref<!tpu.dma_semaphore, #tpu.memory_space<semaphore_mem>>
      tpu.enqueue_indirect_dma source(%dma_start3A_138 : memref<10016x8xf32, #tpu.memory_space<hbm>>) target(%dma_start3A_132 : memref<128x8xf32, #tpu.memory_space<vmem>>) offsets(%dma_start3A_135 : memref<128xi32, #tpu.memory_space<vmem>>) semaphore(%dma_start3A_140 : memref<!tpu.dma_semaphore, #tpu.memory_space<semaphore_mem>>)
      %dma_wait3A = arith.constant 0 : i32
      %dma_wait3A_141 = arith.constant 0 : i32
      %dma_wait3A_142 = arith.constant 0 : i32
      %dma_wait3A_143 = arith.constant 0 : i32
      %dma_wait3A_144 = tpu.memref_slice %arg10[%dma_wait3A, %dma_wait3A_142, %dma_wait3A_143] : memref<8x128x8xf32, #tpu.memory_space<vmem>> -> memref<1x128x8xf32, #tpu.memory_space<vmem>>
      %dma_wait3A_145 = tpu.memref_squeeze %dma_wait3A_144 : memref<1x128x8xf32, #tpu.memory_space<vmem>> -> memref<128x8xf32, #tpu.memory_space<vmem>>
      %dma_wait3A_146 = arith.constant 0 : i32
      %dma_wait3A_147 = tpu.memref_slice %arg8[%add3A_15, %dma_wait3A_146] : memref<80x128xi32, #tpu.memory_space<vmem>> -> memref<1x128xi32, #tpu.memory_space<vmem>>
      %dma_wait3A_148 = tpu.memref_squeeze %dma_wait3A_147 : memref<1x128xi32, #tpu.memory_space<vmem>> -> memref<128xi32, #tpu.memory_space<vmem>>
      %dma_wait3A_149 = arith.constant 0 : i32
      %dma_wait3A_150 = arith.constant 0 : i32
      %dma_wait3A_151 = tpu.memref_slice %arg2[%dma_wait3A_149, %dma_wait3A_150] : memref<10016x8xf32, #tpu.memory_space<hbm>> -> memref<10016x8xf32, #tpu.memory_space<hbm>>
      %dma_wait3A_152 = tpu.memref_slice %arg12[%dma_wait3A_141] : memref<8x!tpu.dma_semaphore, #tpu.memory_space<semaphore_mem>> -> memref<1x!tpu.dma_semaphore, #tpu.memory_space<semaphore_mem>>
      %dma_wait3A_153 = tpu.memref_squeeze %dma_wait3A_152 : memref<1x!tpu.dma_semaphore, #tpu.memory_space<semaphore_mem>> -> memref<!tpu.dma_semaphore, #tpu.memory_space<semaphore_mem>>
      tpu.wait_indirect_dma semaphore(%dma_wait3A_153 : memref<!tpu.dma_semaphore, #tpu.memory_space<semaphore_mem>>) src(%dma_wait3A_151 : memref<10016x8xf32, #tpu.memory_space<hbm>>) dst(%dma_wait3A_145 : memref<128x8xf32, #tpu.memory_space<vmem>>)
      %add3A_154 = arith.constant 0 : i32
      %add3A_155 = arith.addi %mul3A_14, %add3A_154 : i32
      %dma_start3A_156 = arith.constant 0 : i32
      %dma_start3A_157 = arith.constant 0 : i32
      %dma_start3A_158 = arith.constant 0 : i32
      %dma_start3A_159 = arith.constant 0 : i32
      %dma_start3A_160 = tpu.memref_slice %arg10[%dma_start3A_156, %dma_start3A_158, %dma_start3A_159] : memref<8x128x8xf32, #tpu.memory_space<vmem>> -> memref<1x128x8xf32, #tpu.memory_space<vmem>>
      %dma_start3A_161 = tpu.memref_squeeze %dma_start3A_160 : memref<1x128x8xf32, #tpu.memory_space<vmem>> -> memref<128x8xf32, #tpu.memory_space<vmem>>
      %dma_start3A_162 = arith.constant 0 : i32
      %dma_start3A_163 = tpu.memref_slice %arg9[%add3A_155, %dma_start3A_162] : memref<80x128xi32, #tpu.memory_space<vmem>> -> memref<1x128xi32, #tpu.memory_space<vmem>>
      %dma_start3A_164 = tpu.memref_squeeze %dma_start3A_163 : memref<1x128xi32, #tpu.memory_space<vmem>> -> memref<128xi32, #tpu.memory_space<vmem>>
      %dma_start3A_165 = arith.constant 0 : i32
      %dma_start3A_166 = arith.constant 0 : i32
      %dma_start3A_167 = tpu.memref_slice %arg7[%dma_start3A_165, %dma_start3A_166] : memref<5008x8xf32, #tpu.memory_space<vmem_shared>> -> memref<5008x8xf32, #tpu.memory_space<vmem_shared>>
      %dma_start3A_168 = tpu.memref_slice %arg13[%dma_start3A_157] : memref<8x!tpu.dma_semaphore, #tpu.memory_space<semaphore_mem>> -> memref<1x!tpu.dma_semaphore, #tpu.memory_space<semaphore_mem>>
      %dma_start3A_169 = tpu.memref_squeeze %dma_start3A_168 : memref<1x!tpu.dma_semaphore, #tpu.memory_space<semaphore_mem>> -> memref<!tpu.dma_semaphore, #tpu.memory_space<semaphore_mem>>
      tpu.enqueue_indirect_dma source(%dma_start3A_161 : memref<128x8xf32, #tpu.memory_space<vmem>>) target(%dma_start3A_167 : memref<5008x8xf32, #tpu.memory_space<vmem_shared>>) offsets(%dma_start3A_164 : memref<128xi32, #tpu.memory_space<vmem>>) semaphore(%dma_start3A_169 : memref<!tpu.dma_semaphore, #tpu.memory_space<semaphore_mem>>) {add = true}
      %dma_wait3A_170 = arith.constant 1 : i32
      %dma_wait3A_171 = arith.constant 1 : i32
      %dma_wait3A_172 = arith.constant 0 : i32
      %dma_wait3A_173 = arith.constant 0 : i32
      %dma_wait3A_174 = tpu.memref_slice %arg10[%dma_wait3A_170, %dma_wait3A_172, %dma_wait3A_173] : memref<8x128x8xf32, #tpu.memory_space<vmem>> -> memref<1x128x8xf32, #tpu.memory_space<vmem>>
      %dma_wait3A_175 = tpu.memref_squeeze %dma_wait3A_174 : memref<1x128x8xf32, #tpu.memory_space<vmem>> -> memref<128x8xf32, #tpu.memory_space<vmem>>
      %dma_wait3A_176 = arith.constant 0 : i32
      %dma_wait3A_177 = tpu.memref_slice %arg8[%add3A_30, %dma_wait3A_176] : memref<80x128xi32, #tpu.memory_space<vmem>> -> memref<1x128xi32, #tpu.memory_space<vmem>>
      %dma_wait3A_178 = tpu.memref_squeeze %dma_wait3A_177 : memref<1x128xi32, #tpu.memory_space<vmem>> -> memref<128xi32, #tpu.memory_space<vmem>>
      %dma_wait3A_179 = arith.constant 0 : i32
      %dma_wait3A_180 = arith.constant 0 : i32
      %dma_wait3A_181 = tpu.memref_slice %arg2[%dma_wait3A_179, %dma_wait3A_180] : memref<10016x8xf32, #tpu.memory_space<hbm>> -> memref<10016x8xf32, #tpu.memory_space<hbm>>
      %dma_wait3A_182 = tpu.memref_slice %arg12[%dma_wait3A_171] : memref<8x!tpu.dma_semaphore, #tpu.memory_space<semaphore_mem>> -> memref<1x!tpu.dma_semaphore, #tpu.memory_space<semaphore_mem>>
      %dma_wait3A_183 = tpu.memref_squeeze %dma_wait3A_182 : memref<1x!tpu.dma_semaphore, #tpu.memory_space<semaphore_mem>> -> memref<!tpu.dma_semaphore, #tpu.memory_space<semaphore_mem>>
      tpu.wait_indirect_dma semaphore(%dma_wait3A_183 : memref<!tpu.dma_semaphore, #tpu.memory_space<semaphore_mem>>) src(%dma_wait3A_181 : memref<10016x8xf32, #tpu.memory_space<hbm>>) dst(%dma_wait3A_175 : memref<128x8xf32, #tpu.memory_space<vmem>>)
      %add3A_184 = arith.constant 1 : i32
      %add3A_185 = arith.addi %mul3A_14, %add3A_184 : i32
      %dma_start3A_186 = arith.constant 1 : i32
      %dma_start3A_187 = arith.constant 1 : i32
      %dma_start3A_188 = arith.constant 0 : i32
      %dma_start3A_189 = arith.constant 0 : i32
      %dma_start3A_190 = tpu.memref_slice %arg10[%dma_start3A_186, %dma_start3A_188, %dma_start3A_189] : memref<8x128x8xf32, #tpu.memory_space<vmem>> -> memref<1x128x8xf32, #tpu.memory_space<vmem>>
      %dma_start3A_191 = tpu.memref_squeeze %dma_start3A_190 : memref<1x128x8xf32, #tpu.memory_space<vmem>> -> memref<128x8xf32, #tpu.memory_space<vmem>>
      %dma_start3A_192 = arith.constant 0 : i32
      %dma_start3A_193 = tpu.memref_slice %arg9[%add3A_185, %dma_start3A_192] : memref<80x128xi32, #tpu.memory_space<vmem>> -> memref<1x128xi32, #tpu.memory_space<vmem>>
      %dma_start3A_194 = tpu.memref_squeeze %dma_start3A_193 : memref<1x128xi32, #tpu.memory_space<vmem>> -> memref<128xi32, #tpu.memory_space<vmem>>
      %dma_start3A_195 = arith.constant 0 : i32
      %dma_start3A_196 = arith.constant 0 : i32
      %dma_start3A_197 = tpu.memref_slice %arg7[%dma_start3A_195, %dma_start3A_196] : memref<5008x8xf32, #tpu.memory_space<vmem_shared>> -> memref<5008x8xf32, #tpu.memory_space<vmem_shared>>
      %dma_start3A_198 = tpu.memref_slice %arg13[%dma_start3A_187] : memref<8x!tpu.dma_semaphore, #tpu.memory_space<semaphore_mem>> -> memref<1x!tpu.dma_semaphore, #tpu.memory_space<semaphore_mem>>
      %dma_start3A_199 = tpu.memref_squeeze %dma_start3A_198 : memref<1x!tpu.dma_semaphore, #tpu.memory_space<semaphore_mem>> -> memref<!tpu.dma_semaphore, #tpu.memory_space<semaphore_mem>>
      tpu.enqueue_indirect_dma source(%dma_start3A_191 : memref<128x8xf32, #tpu.memory_space<vmem>>) target(%dma_start3A_197 : memref<5008x8xf32, #tpu.memory_space<vmem_shared>>) offsets(%dma_start3A_194 : memref<128xi32, #tpu.memory_space<vmem>>) semaphore(%dma_start3A_199 : memref<!tpu.dma_semaphore, #tpu.memory_space<semaphore_mem>>) {add = true}
      %dma_wait3A_200 = arith.constant 2 : i32
      %dma_wait3A_201 = arith.constant 2 : i32
      %dma_wait3A_202 = arith.constant 0 : i32
      %dma_wait3A_203 = arith.constant 0 : i32
      %dma_wait3A_204 = tpu.memref_slice %arg10[%dma_wait3A_200, %dma_wait3A_202, %dma_wait3A_203] : memref<8x128x8xf32, #tpu.memory_space<vmem>> -> memref<1x128x8xf32, #tpu.memory_space<vmem>>
      %dma_wait3A_205 = tpu.memref_squeeze %dma_wait3A_204 : memref<1x128x8xf32, #tpu.memory_space<vmem>> -> memref<128x8xf32, #tpu.memory_space<vmem>>
      %dma_wait3A_206 = arith.constant 0 : i32
      %dma_wait3A_207 = tpu.memref_slice %arg8[%add3A_46, %dma_wait3A_206] : memref<80x128xi32, #tpu.memory_space<vmem>> -> memref<1x128xi32, #tpu.memory_space<vmem>>
      %dma_wait3A_208 = tpu.memref_squeeze %dma_wait3A_207 : memref<1x128xi32, #tpu.memory_space<vmem>> -> memref<128xi32, #tpu.memory_space<vmem>>
      %dma_wait3A_209 = arith.constant 0 : i32
      %dma_wait3A_210 = arith.constant 0 : i32
      %dma_wait3A_211 = tpu.memref_slice %arg2[%dma_wait3A_209, %dma_wait3A_210] : memref<10016x8xf32, #tpu.memory_space<hbm>> -> memref<10016x8xf32, #tpu.memory_space<hbm>>
      %dma_wait3A_212 = tpu.memref_slice %arg12[%dma_wait3A_201] : memref<8x!tpu.dma_semaphore, #tpu.memory_space<semaphore_mem>> -> memref<1x!tpu.dma_semaphore, #tpu.memory_space<semaphore_mem>>
      %dma_wait3A_213 = tpu.memref_squeeze %dma_wait3A_212 : memref<1x!tpu.dma_semaphore, #tpu.memory_space<semaphore_mem>> -> memref<!tpu.dma_semaphore, #tpu.memory_space<semaphore_mem>>
      tpu.wait_indirect_dma semaphore(%dma_wait3A_213 : memref<!tpu.dma_semaphore, #tpu.memory_space<semaphore_mem>>) src(%dma_wait3A_211 : memref<10016x8xf32, #tpu.memory_space<hbm>>) dst(%dma_wait3A_205 : memref<128x8xf32, #tpu.memory_space<vmem>>)
      %add3A_214 = arith.constant 2 : i32
      %add3A_215 = arith.addi %mul3A_14, %add3A_214 : i32
      %dma_start3A_216 = arith.constant 2 : i32
      %dma_start3A_217 = arith.constant 2 : i32
      %dma_start3A_218 = arith.constant 0 : i32
      %dma_start3A_219 = arith.constant 0 : i32
      %dma_start3A_220 = tpu.memref_slice %arg10[%dma_start3A_216, %dma_start3A_218, %dma_start3A_219] : memref<8x128x8xf32, #tpu.memory_space<vmem>> -> memref<1x128x8xf32, #tpu.memory_space<vmem>>
      %dma_start3A_221 = tpu.memref_squeeze %dma_start3A_220 : memref<1x128x8xf32, #tpu.memory_space<vmem>> -> memref<128x8xf32, #tpu.memory_space<vmem>>
      %dma_start3A_222 = arith.constant 0 : i32
      %dma_start3A_223 = tpu.memref_slice %arg9[%add3A_215, %dma_start3A_222] : memref<80x128xi32, #tpu.memory_space<vmem>> -> memref<1x128xi32, #tpu.memory_space<vmem>>
      %dma_start3A_224 = tpu.memref_squeeze %dma_start3A_223 : memref<1x128xi32, #tpu.memory_space<vmem>> -> memref<128xi32, #tpu.memory_space<vmem>>
      %dma_start3A_225 = arith.constant 0 : i32
      %dma_start3A_226 = arith.constant 0 : i32
      %dma_start3A_227 = tpu.memref_slice %arg7[%dma_start3A_225, %dma_start3A_226] : memref<5008x8xf32, #tpu.memory_space<vmem_shared>> -> memref<5008x8xf32, #tpu.memory_space<vmem_shared>>
      %dma_start3A_228 = tpu.memref_slice %arg13[%dma_start3A_217] : memref<8x!tpu.dma_semaphore, #tpu.memory_space<semaphore_mem>> -> memref<1x!tpu.dma_semaphore, #tpu.memory_space<semaphore_mem>>
      %dma_start3A_229 = tpu.memref_squeeze %dma_start3A_228 : memref<1x!tpu.dma_semaphore, #tpu.memory_space<semaphore_mem>> -> memref<!tpu.dma_semaphore, #tpu.memory_space<semaphore_mem>>
      tpu.enqueue_indirect_dma source(%dma_start3A_221 : memref<128x8xf32, #tpu.memory_space<vmem>>) target(%dma_start3A_227 : memref<5008x8xf32, #tpu.memory_space<vmem_shared>>) offsets(%dma_start3A_224 : memref<128xi32, #tpu.memory_space<vmem>>) semaphore(%dma_start3A_229 : memref<!tpu.dma_semaphore, #tpu.memory_space<semaphore_mem>>) {add = true}
      %dma_wait3A_230 = arith.constant 3 : i32
      %dma_wait3A_231 = arith.constant 3 : i32
      %dma_wait3A_232 = arith.constant 0 : i32
      %dma_wait3A_233 = arith.constant 0 : i32
      %dma_wait3A_234 = tpu.memref_slice %arg10[%dma_wait3A_230, %dma_wait3A_232, %dma_wait3A_233] : memref<8x128x8xf32, #tpu.memory_space<vmem>> -> memref<1x128x8xf32, #tpu.memory_space<vmem>>
      %dma_wait3A_235 = tpu.memref_squeeze %dma_wait3A_234 : memref<1x128x8xf32, #tpu.memory_space<vmem>> -> memref<128x8xf32, #tpu.memory_space<vmem>>
      %dma_wait3A_236 = arith.constant 0 : i32
      %dma_wait3A_237 = tpu.memref_slice %arg8[%add3A_62, %dma_wait3A_236] : memref<80x128xi32, #tpu.memory_space<vmem>> -> memref<1x128xi32, #tpu.memory_space<vmem>>
      %dma_wait3A_238 = tpu.memref_squeeze %dma_wait3A_237 : memref<1x128xi32, #tpu.memory_space<vmem>> -> memref<128xi32, #tpu.memory_space<vmem>>
      %dma_wait3A_239 = arith.constant 0 : i32
      %dma_wait3A_240 = arith.constant 0 : i32
      %dma_wait3A_241 = tpu.memref_slice %arg2[%dma_wait3A_239, %dma_wait3A_240] : memref<10016x8xf32, #tpu.memory_space<hbm>> -> memref<10016x8xf32, #tpu.memory_space<hbm>>
      %dma_wait3A_242 = tpu.memref_slice %arg12[%dma_wait3A_231] : memref<8x!tpu.dma_semaphore, #tpu.memory_space<semaphore_mem>> -> memref<1x!tpu.dma_semaphore, #tpu.memory_space<semaphore_mem>>
      %dma_wait3A_243 = tpu.memref_squeeze %dma_wait3A_242 : memref<1x!tpu.dma_semaphore, #tpu.memory_space<semaphore_mem>> -> memref<!tpu.dma_semaphore, #tpu.memory_space<semaphore_mem>>
      tpu.wait_indirect_dma semaphore(%dma_wait3A_243 : memref<!tpu.dma_semaphore, #tpu.memory_space<semaphore_mem>>) src(%dma_wait3A_241 : memref<10016x8xf32, #tpu.memory_space<hbm>>) dst(%dma_wait3A_235 : memref<128x8xf32, #tpu.memory_space<vmem>>)
      %add3A_244 = arith.constant 3 : i32
      %add3A_245 = arith.addi %mul3A_14, %add3A_244 : i32
      %dma_start3A_246 = arith.constant 3 : i32
      %dma_start3A_247 = arith.constant 3 : i32
      %dma_start3A_248 = arith.constant 0 : i32
      %dma_start3A_249 = arith.constant 0 : i32
      %dma_start3A_250 = tpu.memref_slice %arg10[%dma_start3A_246, %dma_start3A_248, %dma_start3A_249] : memref<8x128x8xf32, #tpu.memory_space<vmem>> -> memref<1x128x8xf32, #tpu.memory_space<vmem>>
      %dma_start3A_251 = tpu.memref_squeeze %dma_start3A_250 : memref<1x128x8xf32, #tpu.memory_space<vmem>> -> memref<128x8xf32, #tpu.memory_space<vmem>>
      %dma_start3A_252 = arith.constant 0 : i32
      %dma_start3A_253 = tpu.memref_slice %arg9[%add3A_245, %dma_start3A_252] : memref<80x128xi32, #tpu.memory_space<vmem>> -> memref<1x128xi32, #tpu.memory_space<vmem>>
      %dma_start3A_254 = tpu.memref_squeeze %dma_start3A_253 : memref<1x128xi32, #tpu.memory_space<vmem>> -> memref<128xi32, #tpu.memory_space<vmem>>
      %dma_start3A_255 = arith.constant 0 : i32
      %dma_start3A_256 = arith.constant 0 : i32
      %dma_start3A_257 = tpu.memref_slice %arg7[%dma_start3A_255, %dma_start3A_256] : memref<5008x8xf32, #tpu.memory_space<vmem_shared>> -> memref<5008x8xf32, #tpu.memory_space<vmem_shared>>
      %dma_start3A_258 = tpu.memref_slice %arg13[%dma_start3A_247] : memref<8x!tpu.dma_semaphore, #tpu.memory_space<semaphore_mem>> -> memref<1x!tpu.dma_semaphore, #tpu.memory_space<semaphore_mem>>
      %dma_start3A_259 = tpu.memref_squeeze %dma_start3A_258 : memref<1x!tpu.dma_semaphore, #tpu.memory_space<semaphore_mem>> -> memref<!tpu.dma_semaphore, #tpu.memory_space<semaphore_mem>>
      tpu.enqueue_indirect_dma source(%dma_start3A_251 : memref<128x8xf32, #tpu.memory_space<vmem>>) target(%dma_start3A_257 : memref<5008x8xf32, #tpu.memory_space<vmem_shared>>) offsets(%dma_start3A_254 : memref<128xi32, #tpu.memory_space<vmem>>) semaphore(%dma_start3A_259 : memref<!tpu.dma_semaphore, #tpu.memory_space<semaphore_mem>>) {add = true}
      %dma_wait3A_260 = arith.constant 4 : i32
      %dma_wait3A_261 = arith.constant 4 : i32
      %dma_wait3A_262 = arith.constant 0 : i32
      %dma_wait3A_263 = arith.constant 0 : i32
      %dma_wait3A_264 = tpu.memref_slice %arg10[%dma_wait3A_260, %dma_wait3A_262, %dma_wait3A_263] : memref<8x128x8xf32, #tpu.memory_space<vmem>> -> memref<1x128x8xf32, #tpu.memory_space<vmem>>
      %dma_wait3A_265 = tpu.memref_squeeze %dma_wait3A_264 : memref<1x128x8xf32, #tpu.memory_space<vmem>> -> memref<128x8xf32, #tpu.memory_space<vmem>>
      %dma_wait3A_266 = arith.constant 0 : i32
      %dma_wait3A_267 = tpu.memref_slice %arg8[%add3A_78, %dma_wait3A_266] : memref<80x128xi32, #tpu.memory_space<vmem>> -> memref<1x128xi32, #tpu.memory_space<vmem>>
      %dma_wait3A_268 = tpu.memref_squeeze %dma_wait3A_267 : memref<1x128xi32, #tpu.memory_space<vmem>> -> memref<128xi32, #tpu.memory_space<vmem>>
      %dma_wait3A_269 = arith.constant 0 : i32
      %dma_wait3A_270 = arith.constant 0 : i32
      %dma_wait3A_271 = tpu.memref_slice %arg2[%dma_wait3A_269, %dma_wait3A_270] : memref<10016x8xf32, #tpu.memory_space<hbm>> -> memref<10016x8xf32, #tpu.memory_space<hbm>>
      %dma_wait3A_272 = tpu.memref_slice %arg12[%dma_wait3A_261] : memref<8x!tpu.dma_semaphore, #tpu.memory_space<semaphore_mem>> -> memref<1x!tpu.dma_semaphore, #tpu.memory_space<semaphore_mem>>
      %dma_wait3A_273 = tpu.memref_squeeze %dma_wait3A_272 : memref<1x!tpu.dma_semaphore, #tpu.memory_space<semaphore_mem>> -> memref<!tpu.dma_semaphore, #tpu.memory_space<semaphore_mem>>
      tpu.wait_indirect_dma semaphore(%dma_wait3A_273 : memref<!tpu.dma_semaphore, #tpu.memory_space<semaphore_mem>>) src(%dma_wait3A_271 : memref<10016x8xf32, #tpu.memory_space<hbm>>) dst(%dma_wait3A_265 : memref<128x8xf32, #tpu.memory_space<vmem>>)
      %add3A_274 = arith.constant 4 : i32
      %add3A_275 = arith.addi %mul3A_14, %add3A_274 : i32
      %dma_start3A_276 = arith.constant 4 : i32
      %dma_start3A_277 = arith.constant 4 : i32
      %dma_start3A_278 = arith.constant 0 : i32
      %dma_start3A_279 = arith.constant 0 : i32
      %dma_start3A_280 = tpu.memref_slice %arg10[%dma_start3A_276, %dma_start3A_278, %dma_start3A_279] : memref<8x128x8xf32, #tpu.memory_space<vmem>> -> memref<1x128x8xf32, #tpu.memory_space<vmem>>
      %dma_start3A_281 = tpu.memref_squeeze %dma_start3A_280 : memref<1x128x8xf32, #tpu.memory_space<vmem>> -> memref<128x8xf32, #tpu.memory_space<vmem>>
      %dma_start3A_282 = arith.constant 0 : i32
      %dma_start3A_283 = tpu.memref_slice %arg9[%add3A_275, %dma_start3A_282] : memref<80x128xi32, #tpu.memory_space<vmem>> -> memref<1x128xi32, #tpu.memory_space<vmem>>
      %dma_start3A_284 = tpu.memref_squeeze %dma_start3A_283 : memref<1x128xi32, #tpu.memory_space<vmem>> -> memref<128xi32, #tpu.memory_space<vmem>>
      %dma_start3A_285 = arith.constant 0 : i32
      %dma_start3A_286 = arith.constant 0 : i32
      %dma_start3A_287 = tpu.memref_slice %arg7[%dma_start3A_285, %dma_start3A_286] : memref<5008x8xf32, #tpu.memory_space<vmem_shared>> -> memref<5008x8xf32, #tpu.memory_space<vmem_shared>>
      %dma_start3A_288 = tpu.memref_slice %arg13[%dma_start3A_277] : memref<8x!tpu.dma_semaphore, #tpu.memory_space<semaphore_mem>> -> memref<1x!tpu.dma_semaphore, #tpu.memory_space<semaphore_mem>>
      %dma_start3A_289 = tpu.memref_squeeze %dma_start3A_288 : memref<1x!tpu.dma_semaphore, #tpu.memory_space<semaphore_mem>> -> memref<!tpu.dma_semaphore, #tpu.memory_space<semaphore_mem>>
      tpu.enqueue_indirect_dma source(%dma_start3A_281 : memref<128x8xf32, #tpu.memory_space<vmem>>) target(%dma_start3A_287 : memref<5008x8xf32, #tpu.memory_space<vmem_shared>>) offsets(%dma_start3A_284 : memref<128xi32, #tpu.memory_space<vmem>>) semaphore(%dma_start3A_289 : memref<!tpu.dma_semaphore, #tpu.memory_space<semaphore_mem>>) {add = true}
      %dma_wait3A_290 = arith.constant 5 : i32
      %dma_wait3A_291 = arith.constant 5 : i32
      %dma_wait3A_292 = arith.constant 0 : i32
      %dma_wait3A_293 = arith.constant 0 : i32
      %dma_wait3A_294 = tpu.memref_slice %arg10[%dma_wait3A_290, %dma_wait3A_292, %dma_wait3A_293] : memref<8x128x8xf32, #tpu.memory_space<vmem>> -> memref<1x128x8xf32, #tpu.memory_space<vmem>>
      %dma_wait3A_295 = tpu.memref_squeeze %dma_wait3A_294 : memref<1x128x8xf32, #tpu.memory_space<vmem>> -> memref<128x8xf32, #tpu.memory_space<vmem>>
      %dma_wait3A_296 = arith.constant 0 : i32
      %dma_wait3A_297 = tpu.memref_slice %arg8[%add3A_94, %dma_wait3A_296] : memref<80x128xi32, #tpu.memory_space<vmem>> -> memref<1x128xi32, #tpu.memory_space<vmem>>
      %dma_wait3A_298 = tpu.memref_squeeze %dma_wait3A_297 : memref<1x128xi32, #tpu.memory_space<vmem>> -> memref<128xi32, #tpu.memory_space<vmem>>
      %dma_wait3A_299 = arith.constant 0 : i32
      %dma_wait3A_300 = arith.constant 0 : i32
      %dma_wait3A_301 = tpu.memref_slice %arg2[%dma_wait3A_299, %dma_wait3A_300] : memref<10016x8xf32, #tpu.memory_space<hbm>> -> memref<10016x8xf32, #tpu.memory_space<hbm>>
      %dma_wait3A_302 = tpu.memref_slice %arg12[%dma_wait3A_291] : memref<8x!tpu.dma_semaphore, #tpu.memory_space<semaphore_mem>> -> memref<1x!tpu.dma_semaphore, #tpu.memory_space<semaphore_mem>>
      %dma_wait3A_303 = tpu.memref_squeeze %dma_wait3A_302 : memref<1x!tpu.dma_semaphore, #tpu.memory_space<semaphore_mem>> -> memref<!tpu.dma_semaphore, #tpu.memory_space<semaphore_mem>>
      tpu.wait_indirect_dma semaphore(%dma_wait3A_303 : memref<!tpu.dma_semaphore, #tpu.memory_space<semaphore_mem>>) src(%dma_wait3A_301 : memref<10016x8xf32, #tpu.memory_space<hbm>>) dst(%dma_wait3A_295 : memref<128x8xf32, #tpu.memory_space<vmem>>)
      %add3A_304 = arith.constant 5 : i32
      %add3A_305 = arith.addi %mul3A_14, %add3A_304 : i32
      %dma_start3A_306 = arith.constant 5 : i32
      %dma_start3A_307 = arith.constant 5 : i32
      %dma_start3A_308 = arith.constant 0 : i32
      %dma_start3A_309 = arith.constant 0 : i32
      %dma_start3A_310 = tpu.memref_slice %arg10[%dma_start3A_306, %dma_start3A_308, %dma_start3A_309] : memref<8x128x8xf32, #tpu.memory_space<vmem>> -> memref<1x128x8xf32, #tpu.memory_space<vmem>>
      %dma_start3A_311 = tpu.memref_squeeze %dma_start3A_310 : memref<1x128x8xf32, #tpu.memory_space<vmem>> -> memref<128x8xf32, #tpu.memory_space<vmem>>
      %dma_start3A_312 = arith.constant 0 : i32
      %dma_start3A_313 = tpu.memref_slice %arg9[%add3A_305, %dma_start3A_312] : memref<80x128xi32, #tpu.memory_space<vmem>> -> memref<1x128xi32, #tpu.memory_space<vmem>>
      %dma_start3A_314 = tpu.memref_squeeze %dma_start3A_313 : memref<1x128xi32, #tpu.memory_space<vmem>> -> memref<128xi32, #tpu.memory_space<vmem>>
      %dma_start3A_315 = arith.constant 0 : i32
      %dma_start3A_316 = arith.constant 0 : i32
      %dma_start3A_317 = tpu.memref_slice %arg7[%dma_start3A_315, %dma_start3A_316] : memref<5008x8xf32, #tpu.memory_space<vmem_shared>> -> memref<5008x8xf32, #tpu.memory_space<vmem_shared>>
      %dma_start3A_318 = tpu.memref_slice %arg13[%dma_start3A_307] : memref<8x!tpu.dma_semaphore, #tpu.memory_space<semaphore_mem>> -> memref<1x!tpu.dma_semaphore, #tpu.memory_space<semaphore_mem>>
      %dma_start3A_319 = tpu.memref_squeeze %dma_start3A_318 : memref<1x!tpu.dma_semaphore, #tpu.memory_space<semaphore_mem>> -> memref<!tpu.dma_semaphore, #tpu.memory_space<semaphore_mem>>
      tpu.enqueue_indirect_dma source(%dma_start3A_311 : memref<128x8xf32, #tpu.memory_space<vmem>>) target(%dma_start3A_317 : memref<5008x8xf32, #tpu.memory_space<vmem_shared>>) offsets(%dma_start3A_314 : memref<128xi32, #tpu.memory_space<vmem>>) semaphore(%dma_start3A_319 : memref<!tpu.dma_semaphore, #tpu.memory_space<semaphore_mem>>) {add = true}
      %dma_wait3A_320 = arith.constant 6 : i32
      %dma_wait3A_321 = arith.constant 6 : i32
      %dma_wait3A_322 = arith.constant 0 : i32
      %dma_wait3A_323 = arith.constant 0 : i32
      %dma_wait3A_324 = tpu.memref_slice %arg10[%dma_wait3A_320, %dma_wait3A_322, %dma_wait3A_323] : memref<8x128x8xf32, #tpu.memory_space<vmem>> -> memref<1x128x8xf32, #tpu.memory_space<vmem>>
      %dma_wait3A_325 = tpu.memref_squeeze %dma_wait3A_324 : memref<1x128x8xf32, #tpu.memory_space<vmem>> -> memref<128x8xf32, #tpu.memory_space<vmem>>
      %dma_wait3A_326 = arith.constant 0 : i32
      %dma_wait3A_327 = tpu.memref_slice %arg8[%add3A_110, %dma_wait3A_326] : memref<80x128xi32, #tpu.memory_space<vmem>> -> memref<1x128xi32, #tpu.memory_space<vmem>>
      %dma_wait3A_328 = tpu.memref_squeeze %dma_wait3A_327 : memref<1x128xi32, #tpu.memory_space<vmem>> -> memref<128xi32, #tpu.memory_space<vmem>>
      %dma_wait3A_329 = arith.constant 0 : i32
      %dma_wait3A_330 = arith.constant 0 : i32
      %dma_wait3A_331 = tpu.memref_slice %arg2[%dma_wait3A_329, %dma_wait3A_330] : memref<10016x8xf32, #tpu.memory_space<hbm>> -> memref<10016x8xf32, #tpu.memory_space<hbm>>
      %dma_wait3A_332 = tpu.memref_slice %arg12[%dma_wait3A_321] : memref<8x!tpu.dma_semaphore, #tpu.memory_space<semaphore_mem>> -> memref<1x!tpu.dma_semaphore, #tpu.memory_space<semaphore_mem>>
      %dma_wait3A_333 = tpu.memref_squeeze %dma_wait3A_332 : memref<1x!tpu.dma_semaphore, #tpu.memory_space<semaphore_mem>> -> memref<!tpu.dma_semaphore, #tpu.memory_space<semaphore_mem>>
      tpu.wait_indirect_dma semaphore(%dma_wait3A_333 : memref<!tpu.dma_semaphore, #tpu.memory_space<semaphore_mem>>) src(%dma_wait3A_331 : memref<10016x8xf32, #tpu.memory_space<hbm>>) dst(%dma_wait3A_325 : memref<128x8xf32, #tpu.memory_space<vmem>>)
      %add3A_334 = arith.constant 6 : i32
      %add3A_335 = arith.addi %mul3A_14, %add3A_334 : i32
      %dma_start3A_336 = arith.constant 6 : i32
      %dma_start3A_337 = arith.constant 6 : i32
      %dma_start3A_338 = arith.constant 0 : i32
      %dma_start3A_339 = arith.constant 0 : i32
      %dma_start3A_340 = tpu.memref_slice %arg10[%dma_start3A_336, %dma_start3A_338, %dma_start3A_339] : memref<8x128x8xf32, #tpu.memory_space<vmem>> -> memref<1x128x8xf32, #tpu.memory_space<vmem>>
      %dma_start3A_341 = tpu.memref_squeeze %dma_start3A_340 : memref<1x128x8xf32, #tpu.memory_space<vmem>> -> memref<128x8xf32, #tpu.memory_space<vmem>>
      %dma_start3A_342 = arith.constant 0 : i32
      %dma_start3A_343 = tpu.memref_slice %arg9[%add3A_335, %dma_start3A_342] : memref<80x128xi32, #tpu.memory_space<vmem>> -> memref<1x128xi32, #tpu.memory_space<vmem>>
      %dma_start3A_344 = tpu.memref_squeeze %dma_start3A_343 : memref<1x128xi32, #tpu.memory_space<vmem>> -> memref<128xi32, #tpu.memory_space<vmem>>
      %dma_start3A_345 = arith.constant 0 : i32
      %dma_start3A_346 = arith.constant 0 : i32
      %dma_start3A_347 = tpu.memref_slice %arg7[%dma_start3A_345, %dma_start3A_346] : memref<5008x8xf32, #tpu.memory_space<vmem_shared>> -> memref<5008x8xf32, #tpu.memory_space<vmem_shared>>
      %dma_start3A_348 = tpu.memref_slice %arg13[%dma_start3A_337] : memref<8x!tpu.dma_semaphore, #tpu.memory_space<semaphore_mem>> -> memref<1x!tpu.dma_semaphore, #tpu.memory_space<semaphore_mem>>
      %dma_start3A_349 = tpu.memref_squeeze %dma_start3A_348 : memref<1x!tpu.dma_semaphore, #tpu.memory_space<semaphore_mem>> -> memref<!tpu.dma_semaphore, #tpu.memory_space<semaphore_mem>>
      tpu.enqueue_indirect_dma source(%dma_start3A_341 : memref<128x8xf32, #tpu.memory_space<vmem>>) target(%dma_start3A_347 : memref<5008x8xf32, #tpu.memory_space<vmem_shared>>) offsets(%dma_start3A_344 : memref<128xi32, #tpu.memory_space<vmem>>) semaphore(%dma_start3A_349 : memref<!tpu.dma_semaphore, #tpu.memory_space<semaphore_mem>>) {add = true}
      %dma_wait3A_350 = arith.constant 7 : i32
      %dma_wait3A_351 = arith.constant 7 : i32
      %dma_wait3A_352 = arith.constant 0 : i32
      %dma_wait3A_353 = arith.constant 0 : i32
      %dma_wait3A_354 = tpu.memref_slice %arg10[%dma_wait3A_350, %dma_wait3A_352, %dma_wait3A_353] : memref<8x128x8xf32, #tpu.memory_space<vmem>> -> memref<1x128x8xf32, #tpu.memory_space<vmem>>
      %dma_wait3A_355 = tpu.memref_squeeze %dma_wait3A_354 : memref<1x128x8xf32, #tpu.memory_space<vmem>> -> memref<128x8xf32, #tpu.memory_space<vmem>>
      %dma_wait3A_356 = arith.constant 0 : i32
      %dma_wait3A_357 = tpu.memref_slice %arg8[%add3A_126, %dma_wait3A_356] : memref<80x128xi32, #tpu.memory_space<vmem>> -> memref<1x128xi32, #tpu.memory_space<vmem>>
      %dma_wait3A_358 = tpu.memref_squeeze %dma_wait3A_357 : memref<1x128xi32, #tpu.memory_space<vmem>> -> memref<128xi32, #tpu.memory_space<vmem>>
      %dma_wait3A_359 = arith.constant 0 : i32
      %dma_wait3A_360 = arith.constant 0 : i32
      %dma_wait3A_361 = tpu.memref_slice %arg2[%dma_wait3A_359, %dma_wait3A_360] : memref<10016x8xf32, #tpu.memory_space<hbm>> -> memref<10016x8xf32, #tpu.memory_space<hbm>>
      %dma_wait3A_362 = tpu.memref_slice %arg12[%dma_wait3A_351] : memref<8x!tpu.dma_semaphore, #tpu.memory_space<semaphore_mem>> -> memref<1x!tpu.dma_semaphore, #tpu.memory_space<semaphore_mem>>
      %dma_wait3A_363 = tpu.memref_squeeze %dma_wait3A_362 : memref<1x!tpu.dma_semaphore, #tpu.memory_space<semaphore_mem>> -> memref<!tpu.dma_semaphore, #tpu.memory_space<semaphore_mem>>
      tpu.wait_indirect_dma semaphore(%dma_wait3A_363 : memref<!tpu.dma_semaphore, #tpu.memory_space<semaphore_mem>>) src(%dma_wait3A_361 : memref<10016x8xf32, #tpu.memory_space<hbm>>) dst(%dma_wait3A_355 : memref<128x8xf32, #tpu.memory_space<vmem>>)
      %add3A_364 = arith.constant 7 : i32
      %add3A_365 = arith.addi %mul3A_14, %add3A_364 : i32
      %dma_start3A_366 = arith.constant 7 : i32
      %dma_start3A_367 = arith.constant 7 : i32
      %dma_start3A_368 = arith.constant 0 : i32
      %dma_start3A_369 = arith.constant 0 : i32
      %dma_start3A_370 = tpu.memref_slice %arg10[%dma_start3A_366, %dma_start3A_368, %dma_start3A_369] : memref<8x128x8xf32, #tpu.memory_space<vmem>> -> memref<1x128x8xf32, #tpu.memory_space<vmem>>
      %dma_start3A_371 = tpu.memref_squeeze %dma_start3A_370 : memref<1x128x8xf32, #tpu.memory_space<vmem>> -> memref<128x8xf32, #tpu.memory_space<vmem>>
      %dma_start3A_372 = arith.constant 0 : i32
      %dma_start3A_373 = tpu.memref_slice %arg9[%add3A_365, %dma_start3A_372] : memref<80x128xi32, #tpu.memory_space<vmem>> -> memref<1x128xi32, #tpu.memory_space<vmem>>
      %dma_start3A_374 = tpu.memref_squeeze %dma_start3A_373 : memref<1x128xi32, #tpu.memory_space<vmem>> -> memref<128xi32, #tpu.memory_space<vmem>>
      %dma_start3A_375 = arith.constant 0 : i32
      %dma_start3A_376 = arith.constant 0 : i32
      %dma_start3A_377 = tpu.memref_slice %arg7[%dma_start3A_375, %dma_start3A_376] : memref<5008x8xf32, #tpu.memory_space<vmem_shared>> -> memref<5008x8xf32, #tpu.memory_space<vmem_shared>>
      %dma_start3A_378 = tpu.memref_slice %arg13[%dma_start3A_367] : memref<8x!tpu.dma_semaphore, #tpu.memory_space<semaphore_mem>> -> memref<1x!tpu.dma_semaphore, #tpu.memory_space<semaphore_mem>>
      %dma_start3A_379 = tpu.memref_squeeze %dma_start3A_378 : memref<1x!tpu.dma_semaphore, #tpu.memory_space<semaphore_mem>> -> memref<!tpu.dma_semaphore, #tpu.memory_space<semaphore_mem>>
      tpu.enqueue_indirect_dma source(%dma_start3A_371 : memref<128x8xf32, #tpu.memory_space<vmem>>) target(%dma_start3A_377 : memref<5008x8xf32, #tpu.memory_space<vmem_shared>>) offsets(%dma_start3A_374 : memref<128xi32, #tpu.memory_space<vmem>>) semaphore(%dma_start3A_379 : memref<!tpu.dma_semaphore, #tpu.memory_space<semaphore_mem>>) {add = true}
      %dma_wait3A_380 = arith.constant 0 : i32
      %dma_wait3A_381 = arith.constant 0 : i32
      %dma_wait3A_382 = arith.constant 0 : i32
      %dma_wait3A_383 = arith.constant 0 : i32
      %dma_wait3A_384 = tpu.memref_slice %arg10[%dma_wait3A_380, %dma_wait3A_382, %dma_wait3A_383] : memref<8x128x8xf32, #tpu.memory_space<vmem>> -> memref<1x128x8xf32, #tpu.memory_space<vmem>>
      %dma_wait3A_385 = tpu.memref_squeeze %dma_wait3A_384 : memref<1x128x8xf32, #tpu.memory_space<vmem>> -> memref<128x8xf32, #tpu.memory_space<vmem>>
      %dma_wait3A_386 = arith.constant 0 : i32
      %dma_wait3A_387 = tpu.memref_slice %arg9[%add3A_155, %dma_wait3A_386] : memref<80x128xi32, #tpu.memory_space<vmem>> -> memref<1x128xi32, #tpu.memory_space<vmem>>
      %dma_wait3A_388 = tpu.memref_squeeze %dma_wait3A_387 : memref<1x128xi32, #tpu.memory_space<vmem>> -> memref<128xi32, #tpu.memory_space<vmem>>
      %dma_wait3A_389 = arith.constant 0 : i32
      %dma_wait3A_390 = arith.constant 0 : i32
      %dma_wait3A_391 = tpu.memref_slice %arg7[%dma_wait3A_389, %dma_wait3A_390] : memref<5008x8xf32, #tpu.memory_space<vmem_shared>> -> memref<5008x8xf32, #tpu.memory_space<vmem_shared>>
      %dma_wait3A_392 = tpu.memref_slice %arg13[%dma_wait3A_381] : memref<8x!tpu.dma_semaphore, #tpu.memory_space<semaphore_mem>> -> memref<1x!tpu.dma_semaphore, #tpu.memory_space<semaphore_mem>>
      %dma_wait3A_393 = tpu.memref_squeeze %dma_wait3A_392 : memref<1x!tpu.dma_semaphore, #tpu.memory_space<semaphore_mem>> -> memref<!tpu.dma_semaphore, #tpu.memory_space<semaphore_mem>>
      tpu.wait_indirect_dma semaphore(%dma_wait3A_393 : memref<!tpu.dma_semaphore, #tpu.memory_space<semaphore_mem>>) src(%dma_wait3A_385 : memref<128x8xf32, #tpu.memory_space<vmem>>) dst(%dma_wait3A_391 : memref<5008x8xf32, #tpu.memory_space<vmem_shared>>)
      %dma_wait3A_394 = arith.constant 1 : i32
      %dma_wait3A_395 = arith.constant 1 : i32
      %dma_wait3A_396 = arith.constant 0 : i32
      %dma_wait3A_397 = arith.constant 0 : i32
      %dma_wait3A_398 = tpu.memref_slice %arg10[%dma_wait3A_394, %dma_wait3A_396, %dma_wait3A_397] : memref<8x128x8xf32, #tpu.memory_space<vmem>> -> memref<1x128x8xf32, #tpu.memory_space<vmem>>
      %dma_wait3A_399 = tpu.memref_squeeze %dma_wait3A_398 : memref<1x128x8xf32, #tpu.memory_space<vmem>> -> memref<128x8xf32, #tpu.memory_space<vmem>>
      %dma_wait3A_400 = arith.constant 0 : i32
      %dma_wait3A_401 = tpu.memref_slice %arg9[%add3A_185, %dma_wait3A_400] : memref<80x128xi32, #tpu.memory_space<vmem>> -> memref<1x128xi32, #tpu.memory_space<vmem>>
      %dma_wait3A_402 = tpu.memref_squeeze %dma_wait3A_401 : memref<1x128xi32, #tpu.memory_space<vmem>> -> memref<128xi32, #tpu.memory_space<vmem>>
      %dma_wait3A_403 = arith.constant 0 : i32
      %dma_wait3A_404 = arith.constant 0 : i32
      %dma_wait3A_405 = tpu.memref_slice %arg7[%dma_wait3A_403, %dma_wait3A_404] : memref<5008x8xf32, #tpu.memory_space<vmem_shared>> -> memref<5008x8xf32, #tpu.memory_space<vmem_shared>>
      %dma_wait3A_406 = tpu.memref_slice %arg13[%dma_wait3A_395] : memref<8x!tpu.dma_semaphore, #tpu.memory_space<semaphore_mem>> -> memref<1x!tpu.dma_semaphore, #tpu.memory_space<semaphore_mem>>
      %dma_wait3A_407 = tpu.memref_squeeze %dma_wait3A_406 : memref<1x!tpu.dma_semaphore, #tpu.memory_space<semaphore_mem>> -> memref<!tpu.dma_semaphore, #tpu.memory_space<semaphore_mem>>
      tpu.wait_indirect_dma semaphore(%dma_wait3A_407 : memref<!tpu.dma_semaphore, #tpu.memory_space<semaphore_mem>>) src(%dma_wait3A_399 : memref<128x8xf32, #tpu.memory_space<vmem>>) dst(%dma_wait3A_405 : memref<5008x8xf32, #tpu.memory_space<vmem_shared>>)
      %dma_wait3A_408 = arith.constant 2 : i32
      %dma_wait3A_409 = arith.constant 2 : i32
      %dma_wait3A_410 = arith.constant 0 : i32
      %dma_wait3A_411 = arith.constant 0 : i32
      %dma_wait3A_412 = tpu.memref_slice %arg10[%dma_wait3A_408, %dma_wait3A_410, %dma_wait3A_411] : memref<8x128x8xf32, #tpu.memory_space<vmem>> -> memref<1x128x8xf32, #tpu.memory_space<vmem>>
      %dma_wait3A_413 = tpu.memref_squeeze %dma_wait3A_412 : memref<1x128x8xf32, #tpu.memory_space<vmem>> -> memref<128x8xf32, #tpu.memory_space<vmem>>
      %dma_wait3A_414 = arith.constant 0 : i32
      %dma_wait3A_415 = tpu.memref_slice %arg9[%add3A_215, %dma_wait3A_414] : memref<80x128xi32, #tpu.memory_space<vmem>> -> memref<1x128xi32, #tpu.memory_space<vmem>>
      %dma_wait3A_416 = tpu.memref_squeeze %dma_wait3A_415 : memref<1x128xi32, #tpu.memory_space<vmem>> -> memref<128xi32, #tpu.memory_space<vmem>>
      %dma_wait3A_417 = arith.constant 0 : i32
      %dma_wait3A_418 = arith.constant 0 : i32
      %dma_wait3A_419 = tpu.memref_slice %arg7[%dma_wait3A_417, %dma_wait3A_418] : memref<5008x8xf32, #tpu.memory_space<vmem_shared>> -> memref<5008x8xf32, #tpu.memory_space<vmem_shared>>
      %dma_wait3A_420 = tpu.memref_slice %arg13[%dma_wait3A_409] : memref<8x!tpu.dma_semaphore, #tpu.memory_space<semaphore_mem>> -> memref<1x!tpu.dma_semaphore, #tpu.memory_space<semaphore_mem>>
      %dma_wait3A_421 = tpu.memref_squeeze %dma_wait3A_420 : memref<1x!tpu.dma_semaphore, #tpu.memory_space<semaphore_mem>> -> memref<!tpu.dma_semaphore, #tpu.memory_space<semaphore_mem>>
      tpu.wait_indirect_dma semaphore(%dma_wait3A_421 : memref<!tpu.dma_semaphore, #tpu.memory_space<semaphore_mem>>) src(%dma_wait3A_413 : memref<128x8xf32, #tpu.memory_space<vmem>>) dst(%dma_wait3A_419 : memref<5008x8xf32, #tpu.memory_space<vmem_shared>>)
      %dma_wait3A_422 = arith.constant 3 : i32
      %dma_wait3A_423 = arith.constant 3 : i32
      %dma_wait3A_424 = arith.constant 0 : i32
      %dma_wait3A_425 = arith.constant 0 : i32
      %dma_wait3A_426 = tpu.memref_slice %arg10[%dma_wait3A_422, %dma_wait3A_424, %dma_wait3A_425] : memref<8x128x8xf32, #tpu.memory_space<vmem>> -> memref<1x128x8xf32, #tpu.memory_space<vmem>>
      %dma_wait3A_427 = tpu.memref_squeeze %dma_wait3A_426 : memref<1x128x8xf32, #tpu.memory_space<vmem>> -> memref<128x8xf32, #tpu.memory_space<vmem>>
      %dma_wait3A_428 = arith.constant 0 : i32
      %dma_wait3A_429 = tpu.memref_slice %arg9[%add3A_245, %dma_wait3A_428] : memref<80x128xi32, #tpu.memory_space<vmem>> -> memref<1x128xi32, #tpu.memory_space<vmem>>
      %dma_wait3A_430 = tpu.memref_squeeze %dma_wait3A_429 : memref<1x128xi32, #tpu.memory_space<vmem>> -> memref<128xi32, #tpu.memory_space<vmem>>
      %dma_wait3A_431 = arith.constant 0 : i32
      %dma_wait3A_432 = arith.constant 0 : i32
      %dma_wait3A_433 = tpu.memref_slice %arg7[%dma_wait3A_431, %dma_wait3A_432] : memref<5008x8xf32, #tpu.memory_space<vmem_shared>> -> memref<5008x8xf32, #tpu.memory_space<vmem_shared>>
      %dma_wait3A_434 = tpu.memref_slice %arg13[%dma_wait3A_423] : memref<8x!tpu.dma_semaphore, #tpu.memory_space<semaphore_mem>> -> memref<1x!tpu.dma_semaphore, #tpu.memory_space<semaphore_mem>>
      %dma_wait3A_435 = tpu.memref_squeeze %dma_wait3A_434 : memref<1x!tpu.dma_semaphore, #tpu.memory_space<semaphore_mem>> -> memref<!tpu.dma_semaphore, #tpu.memory_space<semaphore_mem>>
      tpu.wait_indirect_dma semaphore(%dma_wait3A_435 : memref<!tpu.dma_semaphore, #tpu.memory_space<semaphore_mem>>) src(%dma_wait3A_427 : memref<128x8xf32, #tpu.memory_space<vmem>>) dst(%dma_wait3A_433 : memref<5008x8xf32, #tpu.memory_space<vmem_shared>>)
      %dma_wait3A_436 = arith.constant 4 : i32
      %dma_wait3A_437 = arith.constant 4 : i32
      %dma_wait3A_438 = arith.constant 0 : i32
      %dma_wait3A_439 = arith.constant 0 : i32
      %dma_wait3A_440 = tpu.memref_slice %arg10[%dma_wait3A_436, %dma_wait3A_438, %dma_wait3A_439] : memref<8x128x8xf32, #tpu.memory_space<vmem>> -> memref<1x128x8xf32, #tpu.memory_space<vmem>>
      %dma_wait3A_441 = tpu.memref_squeeze %dma_wait3A_440 : memref<1x128x8xf32, #tpu.memory_space<vmem>> -> memref<128x8xf32, #tpu.memory_space<vmem>>
      %dma_wait3A_442 = arith.constant 0 : i32
      %dma_wait3A_443 = tpu.memref_slice %arg9[%add3A_275, %dma_wait3A_442] : memref<80x128xi32, #tpu.memory_space<vmem>> -> memref<1x128xi32, #tpu.memory_space<vmem>>
      %dma_wait3A_444 = tpu.memref_squeeze %dma_wait3A_443 : memref<1x128xi32, #tpu.memory_space<vmem>> -> memref<128xi32, #tpu.memory_space<vmem>>
      %dma_wait3A_445 = arith.constant 0 : i32
      %dma_wait3A_446 = arith.constant 0 : i32
      %dma_wait3A_447 = tpu.memref_slice %arg7[%dma_wait3A_445, %dma_wait3A_446] : memref<5008x8xf32, #tpu.memory_space<vmem_shared>> -> memref<5008x8xf32, #tpu.memory_space<vmem_shared>>
      %dma_wait3A_448 = tpu.memref_slice %arg13[%dma_wait3A_437] : memref<8x!tpu.dma_semaphore, #tpu.memory_space<semaphore_mem>> -> memref<1x!tpu.dma_semaphore, #tpu.memory_space<semaphore_mem>>
      %dma_wait3A_449 = tpu.memref_squeeze %dma_wait3A_448 : memref<1x!tpu.dma_semaphore, #tpu.memory_space<semaphore_mem>> -> memref<!tpu.dma_semaphore, #tpu.memory_space<semaphore_mem>>
      tpu.wait_indirect_dma semaphore(%dma_wait3A_449 : memref<!tpu.dma_semaphore, #tpu.memory_space<semaphore_mem>>) src(%dma_wait3A_441 : memref<128x8xf32, #tpu.memory_space<vmem>>) dst(%dma_wait3A_447 : memref<5008x8xf32, #tpu.memory_space<vmem_shared>>)
      %dma_wait3A_450 = arith.constant 5 : i32
      %dma_wait3A_451 = arith.constant 5 : i32
      %dma_wait3A_452 = arith.constant 0 : i32
      %dma_wait3A_453 = arith.constant 0 : i32
      %dma_wait3A_454 = tpu.memref_slice %arg10[%dma_wait3A_450, %dma_wait3A_452, %dma_wait3A_453] : memref<8x128x8xf32, #tpu.memory_space<vmem>> -> memref<1x128x8xf32, #tpu.memory_space<vmem>>
      %dma_wait3A_455 = tpu.memref_squeeze %dma_wait3A_454 : memref<1x128x8xf32, #tpu.memory_space<vmem>> -> memref<128x8xf32, #tpu.memory_space<vmem>>
      %dma_wait3A_456 = arith.constant 0 : i32
      %dma_wait3A_457 = tpu.memref_slice %arg9[%add3A_305, %dma_wait3A_456] : memref<80x128xi32, #tpu.memory_space<vmem>> -> memref<1x128xi32, #tpu.memory_space<vmem>>
      %dma_wait3A_458 = tpu.memref_squeeze %dma_wait3A_457 : memref<1x128xi32, #tpu.memory_space<vmem>> -> memref<128xi32, #tpu.memory_space<vmem>>
      %dma_wait3A_459 = arith.constant 0 : i32
      %dma_wait3A_460 = arith.constant 0 : i32
      %dma_wait3A_461 = tpu.memref_slice %arg7[%dma_wait3A_459, %dma_wait3A_460] : memref<5008x8xf32, #tpu.memory_space<vmem_shared>> -> memref<5008x8xf32, #tpu.memory_space<vmem_shared>>
      %dma_wait3A_462 = tpu.memref_slice %arg13[%dma_wait3A_451] : memref<8x!tpu.dma_semaphore, #tpu.memory_space<semaphore_mem>> -> memref<1x!tpu.dma_semaphore, #tpu.memory_space<semaphore_mem>>
      %dma_wait3A_463 = tpu.memref_squeeze %dma_wait3A_462 : memref<1x!tpu.dma_semaphore, #tpu.memory_space<semaphore_mem>> -> memref<!tpu.dma_semaphore, #tpu.memory_space<semaphore_mem>>
      tpu.wait_indirect_dma semaphore(%dma_wait3A_463 : memref<!tpu.dma_semaphore, #tpu.memory_space<semaphore_mem>>) src(%dma_wait3A_455 : memref<128x8xf32, #tpu.memory_space<vmem>>) dst(%dma_wait3A_461 : memref<5008x8xf32, #tpu.memory_space<vmem_shared>>)
      %dma_wait3A_464 = arith.constant 6 : i32
      %dma_wait3A_465 = arith.constant 6 : i32
      %dma_wait3A_466 = arith.constant 0 : i32
      %dma_wait3A_467 = arith.constant 0 : i32
      %dma_wait3A_468 = tpu.memref_slice %arg10[%dma_wait3A_464, %dma_wait3A_466, %dma_wait3A_467] : memref<8x128x8xf32, #tpu.memory_space<vmem>> -> memref<1x128x8xf32, #tpu.memory_space<vmem>>
      %dma_wait3A_469 = tpu.memref_squeeze %dma_wait3A_468 : memref<1x128x8xf32, #tpu.memory_space<vmem>> -> memref<128x8xf32, #tpu.memory_space<vmem>>
      %dma_wait3A_470 = arith.constant 0 : i32
      %dma_wait3A_471 = tpu.memref_slice %arg9[%add3A_335, %dma_wait3A_470] : memref<80x128xi32, #tpu.memory_space<vmem>> -> memref<1x128xi32, #tpu.memory_space<vmem>>
      %dma_wait3A_472 = tpu.memref_squeeze %dma_wait3A_471 : memref<1x128xi32, #tpu.memory_space<vmem>> -> memref<128xi32, #tpu.memory_space<vmem>>
      %dma_wait3A_473 = arith.constant 0 : i32
      %dma_wait3A_474 = arith.constant 0 : i32
      %dma_wait3A_475 = tpu.memref_slice %arg7[%dma_wait3A_473, %dma_wait3A_474] : memref<5008x8xf32, #tpu.memory_space<vmem_shared>> -> memref<5008x8xf32, #tpu.memory_space<vmem_shared>>
      %dma_wait3A_476 = tpu.memref_slice %arg13[%dma_wait3A_465] : memref<8x!tpu.dma_semaphore, #tpu.memory_space<semaphore_mem>> -> memref<1x!tpu.dma_semaphore, #tpu.memory_space<semaphore_mem>>
      %dma_wait3A_477 = tpu.memref_squeeze %dma_wait3A_476 : memref<1x!tpu.dma_semaphore, #tpu.memory_space<semaphore_mem>> -> memref<!tpu.dma_semaphore, #tpu.memory_space<semaphore_mem>>
      tpu.wait_indirect_dma semaphore(%dma_wait3A_477 : memref<!tpu.dma_semaphore, #tpu.memory_space<semaphore_mem>>) src(%dma_wait3A_469 : memref<128x8xf32, #tpu.memory_space<vmem>>) dst(%dma_wait3A_475 : memref<5008x8xf32, #tpu.memory_space<vmem_shared>>)
      %dma_wait3A_478 = arith.constant 7 : i32
      %dma_wait3A_479 = arith.constant 7 : i32
      %dma_wait3A_480 = arith.constant 0 : i32
      %dma_wait3A_481 = arith.constant 0 : i32
      %dma_wait3A_482 = tpu.memref_slice %arg10[%dma_wait3A_478, %dma_wait3A_480, %dma_wait3A_481] : memref<8x128x8xf32, #tpu.memory_space<vmem>> -> memref<1x128x8xf32, #tpu.memory_space<vmem>>
      %dma_wait3A_483 = tpu.memref_squeeze %dma_wait3A_482 : memref<1x128x8xf32, #tpu.memory_space<vmem>> -> memref<128x8xf32, #tpu.memory_space<vmem>>
      %dma_wait3A_484 = arith.constant 0 : i32
      %dma_wait3A_485 = tpu.memref_slice %arg9[%add3A_365, %dma_wait3A_484] : memref<80x128xi32, #tpu.memory_space<vmem>> -> memref<1x128xi32, #tpu.memory_space<vmem>>
      %dma_wait3A_486 = tpu.memref_squeeze %dma_wait3A_485 : memref<1x128xi32, #tpu.memory_space<vmem>> -> memref<128xi32, #tpu.memory_space<vmem>>
      %dma_wait3A_487 = arith.constant 0 : i32
      %dma_wait3A_488 = arith.constant 0 : i32
      %dma_wait3A_489 = tpu.memref_slice %arg7[%dma_wait3A_487, %dma_wait3A_488] : memref<5008x8xf32, #tpu.memory_space<vmem_shared>> -> memref<5008x8xf32, #tpu.memory_space<vmem_shared>>
      %dma_wait3A_490 = tpu.memref_slice %arg13[%dma_wait3A_479] : memref<8x!tpu.dma_semaphore, #tpu.memory_space<semaphore_mem>> -> memref<1x!tpu.dma_semaphore, #tpu.memory_space<semaphore_mem>>
      %dma_wait3A_491 = tpu.memref_squeeze %dma_wait3A_490 : memref<1x!tpu.dma_semaphore, #tpu.memory_space<semaphore_mem>> -> memref<!tpu.dma_semaphore, #tpu.memory_space<semaphore_mem>>
      tpu.wait_indirect_dma semaphore(%dma_wait3A_491 : memref<!tpu.dma_semaphore, #tpu.memory_space<semaphore_mem>>) src(%dma_wait3A_483 : memref<128x8xf32, #tpu.memory_space<vmem>>) dst(%dma_wait3A_489 : memref<5008x8xf32, #tpu.memory_space<vmem_shared>>)
    }
    %scan3A_6 = arith.constant 10 : i32
    %barrier3A_7 = arith.constant 0 : index
    tpu.barrier barrier_id(%barrier3A_7)
    %eq3A_8 = arith.constant 0 : i32
    %eq3A_9 = arith.cmpi eq, %arg1, %eq3A_8 : i32
    %convert_element_type3A_10 = arith.extui %eq3A_9 : i1 to i32
    %cond3A_11 = arith.constant 0 : i32
    %cond3A_12 = arith.cmpi ne, %convert_element_type3A_10, %cond3A_11 : i32
    scf.if %cond3A_12 {
      "tpu.region"() ({
        %run_scoped3A = tpu.sem_alloc : memref<!tpu.dma_semaphore, #tpu.memory_space<semaphore_mem>>
        tpu.enqueue_dma source(%arg7 : memref<5008x8xf32, #tpu.memory_space<vmem_shared>>) target(%arg11 : memref<5008x8xf32, #tpu.memory_space<vmem>>) target_semaphore(%run_scoped3A : memref<!tpu.dma_semaphore, #tpu.memory_space<semaphore_mem>>)
        tpu.wait_dma2 semaphore(%run_scoped3A : memref<!tpu.dma_semaphore, #tpu.memory_space<semaphore_mem>>) src(%arg7 : memref<5008x8xf32, #tpu.memory_space<vmem_shared>>) dst(%arg11 : memref<5008x8xf32, #tpu.memory_space<vmem>>)
        tpu.yield
      }) : () -> ()
      %mul3A = arith.constant 5008 : i32
      %mul3A_13 = arith.muli %arg0, %mul3A : i32
      "tpu.region"() ({
        %run_scoped3A = tpu.sem_alloc : memref<!tpu.dma_semaphore, #tpu.memory_space<semaphore_mem>>
        %dma_start3A = arith.constant 0 : i32
        %dma_start3A_14 = tpu.memref_slice %arg6[%mul3A_13, %dma_start3A] : memref<10016x8xf32, #tpu.memory_space<hbm>> -> memref<5008x8xf32, #tpu.memory_space<hbm>>
        %dma_start3A_15 = arith.constant 0 : i32
        %dma_start3A_16 = tpu.memref_slice %arg6[%mul3A_13, %dma_start3A_15] : memref<10016x8xf32, #tpu.memory_space<hbm>> -> memref<5008x8xf32, #tpu.memory_space<hbm>>
        tpu.enqueue_dma source(%arg11 : memref<5008x8xf32, #tpu.memory_space<vmem>>) target(%dma_start3A_16 : memref<5008x8xf32, #tpu.memory_space<hbm>>) target_semaphore(%run_scoped3A : memref<!tpu.dma_semaphore, #tpu.memory_space<semaphore_mem>>)
        %dma_wait3A = arith.constant 0 : i32
        %dma_wait3A_17 = tpu.memref_slice %arg6[%mul3A_13, %dma_wait3A] : memref<10016x8xf32, #tpu.memory_space<hbm>> -> memref<5008x8xf32, #tpu.memory_space<hbm>>
        %dma_wait3A_18 = arith.constant 0 : i32
        %dma_wait3A_19 = tpu.memref_slice %arg6[%mul3A_13, %dma_wait3A_18] : memref<10016x8xf32, #tpu.memory_space<hbm>> -> memref<5008x8xf32, #tpu.memory_space<hbm>>
        tpu.wait_dma2 semaphore(%run_scoped3A : memref<!tpu.dma_semaphore, #tpu.memory_space<semaphore_mem>>) src(%arg11 : memref<5008x8xf32, #tpu.memory_space<vmem>>) dst(%dma_wait3A_19 : memref<5008x8xf32, #tpu.memory_space<hbm>>)
        tpu.yield
      }) : () -> ()
    } else {
    }
    return
  }
}

#map = affine_map<(d0, d1) -> (0, 0)>
#map1 = affine_map<(d0, d1) -> (0, 0, 0)>
#map2 = affine_map<(d0, d1) -> (0)>
module attributes {stable_mosaic.version = 14 : i64} {
  func.func @_score(%arg0: i32, %arg1: i32, %arg2: memref<10016x8xf32, #tpu.memory_space<hbm>>, %arg3: memref<2x16x10240xi32, #tpu.memory_space<hbm>>, %arg4: memref<2x16x10240xi32, #tpu.memory_space<hbm>>, %arg5: memref<2x32xf32, #tpu.memory_space<hbm>>, %arg6: memref<320000xf32, #tpu.memory_space<hbm>>, %arg7: memref<10016x8xf32, #tpu.memory_space<vmem>>, %arg8: memref<10240xi32, #tpu.memory_space<vmem>>, %arg9: memref<10240xi32, #tpu.memory_space<vmem>>, %arg10: memref<10240xf32, #tpu.memory_space<vmem>>, %arg11: memref<32xf32, #tpu.memory_space<vmem>>, %arg12: memref<10016x8xf32, #tpu.memory_space<vmem_shared>>) attributes {dimension_semantics = [#tpu.dimension_semantics<core_parallel>, #tpu.dimension_semantics<subcore_parallel>], iteration_bounds = array<i64: 2, 16>, scalar_prefetch = 0 : i64, scratch_operands = 6 : i64, tpu.core_type = #tpu.core_type<sc_vector_subcore>, window_params = [{transform_indices = #map}, {transform_indices = #map1}, {transform_indices = #map1}, {transform_indices = #map}, {transform_indices = #map2}]} {
    %mul3A = arith.constant 626 : i32
    %mul3A_0 = arith.muli %arg1, %mul3A : i32
    "tpu.region"() ({
      %run_scoped3A = tpu.sem_alloc : memref<!tpu.dma_semaphore, #tpu.memory_space<semaphore_mem>>
      %dma_start3A = arith.constant 0 : i32
      %dma_start3A_19 = tpu.memref_slice %arg7[%mul3A_0, %dma_start3A] : memref<10016x8xf32, #tpu.memory_space<vmem>> -> memref<626x8xf32, #tpu.memory_space<vmem>>
      %dma_start3A_20 = arith.constant 0 : i32
      %dma_start3A_21 = tpu.memref_slice %arg2[%mul3A_0, %dma_start3A_20] : memref<10016x8xf32, #tpu.memory_space<hbm>> -> memref<626x8xf32, #tpu.memory_space<hbm>>
      %dma_start3A_22 = arith.constant 0 : i32
      %dma_start3A_23 = tpu.memref_slice %arg7[%mul3A_0, %dma_start3A_22] : memref<10016x8xf32, #tpu.memory_space<vmem>> -> memref<626x8xf32, #tpu.memory_space<vmem>>
      %dma_start3A_24 = arith.constant 0 : i32
      %dma_start3A_25 = tpu.memref_slice %arg2[%mul3A_0, %dma_start3A_24] : memref<10016x8xf32, #tpu.memory_space<hbm>> -> memref<626x8xf32, #tpu.memory_space<hbm>>
      tpu.enqueue_dma source(%dma_start3A_25 : memref<626x8xf32, #tpu.memory_space<hbm>>) target(%dma_start3A_23 : memref<626x8xf32, #tpu.memory_space<vmem>>) target_semaphore(%run_scoped3A : memref<!tpu.dma_semaphore, #tpu.memory_space<semaphore_mem>>)
      %dma_wait3A = arith.constant 0 : i32
      %dma_wait3A_26 = tpu.memref_slice %arg7[%mul3A_0, %dma_wait3A] : memref<10016x8xf32, #tpu.memory_space<vmem>> -> memref<626x8xf32, #tpu.memory_space<vmem>>
      %dma_wait3A_27 = arith.constant 0 : i32
      %dma_wait3A_28 = tpu.memref_slice %arg2[%mul3A_0, %dma_wait3A_27] : memref<10016x8xf32, #tpu.memory_space<hbm>> -> memref<626x8xf32, #tpu.memory_space<hbm>>
      %dma_wait3A_29 = arith.constant 0 : i32
      %dma_wait3A_30 = tpu.memref_slice %arg7[%mul3A_0, %dma_wait3A_29] : memref<10016x8xf32, #tpu.memory_space<vmem>> -> memref<626x8xf32, #tpu.memory_space<vmem>>
      %dma_wait3A_31 = arith.constant 0 : i32
      %dma_wait3A_32 = tpu.memref_slice %arg2[%mul3A_0, %dma_wait3A_31] : memref<10016x8xf32, #tpu.memory_space<hbm>> -> memref<626x8xf32, #tpu.memory_space<hbm>>
      tpu.wait_dma2 semaphore(%run_scoped3A : memref<!tpu.dma_semaphore, #tpu.memory_space<semaphore_mem>>) src(%dma_wait3A_32 : memref<626x8xf32, #tpu.memory_space<hbm>>) dst(%dma_wait3A_30 : memref<626x8xf32, #tpu.memory_space<vmem>>)
      tpu.yield
    }) : () -> ()
    "tpu.region"() ({
      %run_scoped3A = tpu.sem_alloc : memref<!tpu.dma_semaphore, #tpu.memory_space<semaphore_mem>>
      %dma_start3A = arith.constant 0 : i32
      %dma_start3A_19 = tpu.memref_slice %arg7[%mul3A_0, %dma_start3A] : memref<10016x8xf32, #tpu.memory_space<vmem>> -> memref<626x8xf32, #tpu.memory_space<vmem>>
      %dma_start3A_20 = arith.constant 0 : i32
      %dma_start3A_21 = tpu.memref_slice %arg12[%mul3A_0, %dma_start3A_20] : memref<10016x8xf32, #tpu.memory_space<vmem_shared>> -> memref<626x8xf32, #tpu.memory_space<vmem_shared>>
      %dma_start3A_22 = arith.constant 0 : i32
      %dma_start3A_23 = tpu.memref_slice %arg12[%mul3A_0, %dma_start3A_22] : memref<10016x8xf32, #tpu.memory_space<vmem_shared>> -> memref<626x8xf32, #tpu.memory_space<vmem_shared>>
      %dma_start3A_24 = arith.constant 0 : i32
      %dma_start3A_25 = tpu.memref_slice %arg7[%mul3A_0, %dma_start3A_24] : memref<10016x8xf32, #tpu.memory_space<vmem>> -> memref<626x8xf32, #tpu.memory_space<vmem>>
      tpu.enqueue_dma source(%dma_start3A_25 : memref<626x8xf32, #tpu.memory_space<vmem>>) target(%dma_start3A_23 : memref<626x8xf32, #tpu.memory_space<vmem_shared>>) target_semaphore(%run_scoped3A : memref<!tpu.dma_semaphore, #tpu.memory_space<semaphore_mem>>)
      %dma_wait3A = arith.constant 0 : i32
      %dma_wait3A_26 = tpu.memref_slice %arg7[%mul3A_0, %dma_wait3A] : memref<10016x8xf32, #tpu.memory_space<vmem>> -> memref<626x8xf32, #tpu.memory_space<vmem>>
      %dma_wait3A_27 = arith.constant 0 : i32
      %dma_wait3A_28 = tpu.memref_slice %arg12[%mul3A_0, %dma_wait3A_27] : memref<10016x8xf32, #tpu.memory_space<vmem_shared>> -> memref<626x8xf32, #tpu.memory_space<vmem_shared>>
      %dma_wait3A_29 = arith.constant 0 : i32
      %dma_wait3A_30 = tpu.memref_slice %arg12[%mul3A_0, %dma_wait3A_29] : memref<10016x8xf32, #tpu.memory_space<vmem_shared>> -> memref<626x8xf32, #tpu.memory_space<vmem_shared>>
      %dma_wait3A_31 = arith.constant 0 : i32
      %dma_wait3A_32 = tpu.memref_slice %arg7[%mul3A_0, %dma_wait3A_31] : memref<10016x8xf32, #tpu.memory_space<vmem>> -> memref<626x8xf32, #tpu.memory_space<vmem>>
      tpu.wait_dma2 semaphore(%run_scoped3A : memref<!tpu.dma_semaphore, #tpu.memory_space<semaphore_mem>>) src(%dma_wait3A_32 : memref<626x8xf32, #tpu.memory_space<vmem>>) dst(%dma_wait3A_30 : memref<626x8xf32, #tpu.memory_space<vmem_shared>>)
      tpu.yield
    }) : () -> ()
    "tpu.region"() ({
      %run_scoped3A = tpu.sem_alloc : memref<!tpu.dma_semaphore, #tpu.memory_space<semaphore_mem>>
      %dma_start3A = arith.constant 0 : i32
      %dma_start3A_19 = tpu.memref_slice %arg3[%arg0, %arg1, %dma_start3A] : memref<2x16x10240xi32, #tpu.memory_space<hbm>> -> memref<1x1x10240xi32, #tpu.memory_space<hbm>>
      %dma_start3A_20 = tpu.memref_squeeze %dma_start3A_19 : memref<1x1x10240xi32, #tpu.memory_space<hbm>> -> memref<10240xi32, #tpu.memory_space<hbm>>
      %dma_start3A_21 = arith.constant 0 : i32
      %dma_start3A_22 = tpu.memref_slice %arg3[%arg0, %arg1, %dma_start3A_21] : memref<2x16x10240xi32, #tpu.memory_space<hbm>> -> memref<1x1x10240xi32, #tpu.memory_space<hbm>>
      %dma_start3A_23 = tpu.memref_squeeze %dma_start3A_22 : memref<1x1x10240xi32, #tpu.memory_space<hbm>> -> memref<10240xi32, #tpu.memory_space<hbm>>
      tpu.enqueue_dma source(%dma_start3A_23 : memref<10240xi32, #tpu.memory_space<hbm>>) target(%arg8 : memref<10240xi32, #tpu.memory_space<vmem>>) target_semaphore(%run_scoped3A : memref<!tpu.dma_semaphore, #tpu.memory_space<semaphore_mem>>)
      %dma_wait3A = arith.constant 0 : i32
      %dma_wait3A_24 = tpu.memref_slice %arg3[%arg0, %arg1, %dma_wait3A] : memref<2x16x10240xi32, #tpu.memory_space<hbm>> -> memref<1x1x10240xi32, #tpu.memory_space<hbm>>
      %dma_wait3A_25 = tpu.memref_squeeze %dma_wait3A_24 : memref<1x1x10240xi32, #tpu.memory_space<hbm>> -> memref<10240xi32, #tpu.memory_space<hbm>>
      %dma_wait3A_26 = arith.constant 0 : i32
      %dma_wait3A_27 = tpu.memref_slice %arg3[%arg0, %arg1, %dma_wait3A_26] : memref<2x16x10240xi32, #tpu.memory_space<hbm>> -> memref<1x1x10240xi32, #tpu.memory_space<hbm>>
      %dma_wait3A_28 = tpu.memref_squeeze %dma_wait3A_27 : memref<1x1x10240xi32, #tpu.memory_space<hbm>> -> memref<10240xi32, #tpu.memory_space<hbm>>
      tpu.wait_dma2 semaphore(%run_scoped3A : memref<!tpu.dma_semaphore, #tpu.memory_space<semaphore_mem>>) src(%dma_wait3A_28 : memref<10240xi32, #tpu.memory_space<hbm>>) dst(%arg8 : memref<10240xi32, #tpu.memory_space<vmem>>)
      tpu.yield
    }) : () -> ()
    "tpu.region"() ({
      %run_scoped3A = tpu.sem_alloc : memref<!tpu.dma_semaphore, #tpu.memory_space<semaphore_mem>>
      %dma_start3A = arith.constant 0 : i32
      %dma_start3A_19 = tpu.memref_slice %arg4[%arg0, %arg1, %dma_start3A] : memref<2x16x10240xi32, #tpu.memory_space<hbm>> -> memref<1x1x10240xi32, #tpu.memory_space<hbm>>
      %dma_start3A_20 = tpu.memref_squeeze %dma_start3A_19 : memref<1x1x10240xi32, #tpu.memory_space<hbm>> -> memref<10240xi32, #tpu.memory_space<hbm>>
      %dma_start3A_21 = arith.constant 0 : i32
      %dma_start3A_22 = tpu.memref_slice %arg4[%arg0, %arg1, %dma_start3A_21] : memref<2x16x10240xi32, #tpu.memory_space<hbm>> -> memref<1x1x10240xi32, #tpu.memory_space<hbm>>
      %dma_start3A_23 = tpu.memref_squeeze %dma_start3A_22 : memref<1x1x10240xi32, #tpu.memory_space<hbm>> -> memref<10240xi32, #tpu.memory_space<hbm>>
      tpu.enqueue_dma source(%dma_start3A_23 : memref<10240xi32, #tpu.memory_space<hbm>>) target(%arg9 : memref<10240xi32, #tpu.memory_space<vmem>>) target_semaphore(%run_scoped3A : memref<!tpu.dma_semaphore, #tpu.memory_space<semaphore_mem>>)
      %dma_wait3A = arith.constant 0 : i32
      %dma_wait3A_24 = tpu.memref_slice %arg4[%arg0, %arg1, %dma_wait3A] : memref<2x16x10240xi32, #tpu.memory_space<hbm>> -> memref<1x1x10240xi32, #tpu.memory_space<hbm>>
      %dma_wait3A_25 = tpu.memref_squeeze %dma_wait3A_24 : memref<1x1x10240xi32, #tpu.memory_space<hbm>> -> memref<10240xi32, #tpu.memory_space<hbm>>
      %dma_wait3A_26 = arith.constant 0 : i32
      %dma_wait3A_27 = tpu.memref_slice %arg4[%arg0, %arg1, %dma_wait3A_26] : memref<2x16x10240xi32, #tpu.memory_space<hbm>> -> memref<1x1x10240xi32, #tpu.memory_space<hbm>>
      %dma_wait3A_28 = tpu.memref_squeeze %dma_wait3A_27 : memref<1x1x10240xi32, #tpu.memory_space<hbm>> -> memref<10240xi32, #tpu.memory_space<hbm>>
      tpu.wait_dma2 semaphore(%run_scoped3A : memref<!tpu.dma_semaphore, #tpu.memory_space<semaphore_mem>>) src(%dma_wait3A_28 : memref<10240xi32, #tpu.memory_space<hbm>>) dst(%arg9 : memref<10240xi32, #tpu.memory_space<vmem>>)
      tpu.yield
    }) : () -> ()
    "tpu.region"() ({
      %run_scoped3A = tpu.sem_alloc : memref<!tpu.dma_semaphore, #tpu.memory_space<semaphore_mem>>
      %dma_start3A = arith.constant 0 : i32
      %dma_start3A_19 = tpu.memref_slice %arg5[%arg0, %dma_start3A] : memref<2x32xf32, #tpu.memory_space<hbm>> -> memref<1x32xf32, #tpu.memory_space<hbm>>
      %dma_start3A_20 = tpu.memref_squeeze %dma_start3A_19 : memref<1x32xf32, #tpu.memory_space<hbm>> -> memref<32xf32, #tpu.memory_space<hbm>>
      %dma_start3A_21 = arith.constant 0 : i32
      %dma_start3A_22 = tpu.memref_slice %arg5[%arg0, %dma_start3A_21] : memref<2x32xf32, #tpu.memory_space<hbm>> -> memref<1x32xf32, #tpu.memory_space<hbm>>
      %dma_start3A_23 = tpu.memref_squeeze %dma_start3A_22 : memref<1x32xf32, #tpu.memory_space<hbm>> -> memref<32xf32, #tpu.memory_space<hbm>>
      tpu.enqueue_dma source(%dma_start3A_23 : memref<32xf32, #tpu.memory_space<hbm>>) target(%arg11 : memref<32xf32, #tpu.memory_space<vmem>>) target_semaphore(%run_scoped3A : memref<!tpu.dma_semaphore, #tpu.memory_space<semaphore_mem>>)
      %dma_wait3A = arith.constant 0 : i32
      %dma_wait3A_24 = tpu.memref_slice %arg5[%arg0, %dma_wait3A] : memref<2x32xf32, #tpu.memory_space<hbm>> -> memref<1x32xf32, #tpu.memory_space<hbm>>
      %dma_wait3A_25 = tpu.memref_squeeze %dma_wait3A_24 : memref<1x32xf32, #tpu.memory_space<hbm>> -> memref<32xf32, #tpu.memory_space<hbm>>
      %dma_wait3A_26 = arith.constant 0 : i32
      %dma_wait3A_27 = tpu.memref_slice %arg5[%arg0, %dma_wait3A_26] : memref<2x32xf32, #tpu.memory_space<hbm>> -> memref<1x32xf32, #tpu.memory_space<hbm>>
      %dma_wait3A_28 = tpu.memref_squeeze %dma_wait3A_27 : memref<1x32xf32, #tpu.memory_space<hbm>> -> memref<32xf32, #tpu.memory_space<hbm>>
      tpu.wait_dma2 semaphore(%run_scoped3A : memref<!tpu.dma_semaphore, #tpu.memory_space<semaphore_mem>>) src(%dma_wait3A_28 : memref<32xf32, #tpu.memory_space<hbm>>) dst(%arg11 : memref<32xf32, #tpu.memory_space<vmem>>)
      tpu.yield
    }) : () -> ()
    %barrier3A = arith.constant 0 : index
    tpu.barrier barrier_id(%barrier3A)
    "tpu.region"() ({
      %run_scoped3A = tpu.sem_alloc : memref<!tpu.dma_semaphore, #tpu.memory_space<semaphore_mem>>
      tpu.enqueue_dma source(%arg12 : memref<10016x8xf32, #tpu.memory_space<vmem_shared>>) target(%arg7 : memref<10016x8xf32, #tpu.memory_space<vmem>>) target_semaphore(%run_scoped3A : memref<!tpu.dma_semaphore, #tpu.memory_space<semaphore_mem>>)
      tpu.wait_dma2 semaphore(%run_scoped3A : memref<!tpu.dma_semaphore, #tpu.memory_space<semaphore_mem>>) src(%arg12 : memref<10016x8xf32, #tpu.memory_space<vmem_shared>>) dst(%arg7 : memref<10016x8xf32, #tpu.memory_space<vmem>>)
      tpu.yield
    }) : () -> ()
    %get3A = arith.constant 0 : index
    %get3A_1 = tpu.vector_load %arg11[%get3A] {strides = array<i32>} : memref<32xf32, #tpu.memory_space<vmem>>, vector<16xf32>,
    %get3A_2 = arith.constant 16 : index
    %get3A_3 = tpu.vector_load %arg11[%get3A_2] {strides = array<i32>} : memref<32xf32, #tpu.memory_space<vmem>>, vector<16xf32>,
    %scan3A = arith.constant 0 : i32
    %scan3A_4 = arith.constant 0 : i32
    %scan3A_5 = arith.constant 640 : i32
    %scan3A_6 = arith.addi %scan3A_4, %scan3A_5 : i32
    %scan3A_7 = arith.constant 1 : i32
    scf.for %scan3A_19 = %scan3A_4 to %scan3A_6 step %scan3A_7  : i32 {
      %mul3A_20 = arith.constant 16 : i32
      %mul3A_21 = arith.muli %scan3A_19, %mul3A_20 : i32
      %get3A_22 = arith.index_cast %mul3A_21 : i32 to index
      %get3A_23 = tpu.vector_load %arg8[%get3A_22] {strides = array<i32>} : memref<10240xi32, #tpu.memory_space<vmem>>, vector<16xi32>,
      %get3A_24 = arith.index_cast %mul3A_21 : i32 to index
      %get3A_25 = tpu.vector_load %arg9[%get3A_24] {strides = array<i32>} : memref<10240xi32, #tpu.memory_space<vmem>>, vector<16xi32>,
      %shift_right_logical3A = arith.constant 3 : i32
      %shift_right_logical3A_26 = vector.broadcast %shift_right_logical3A : i32 to vector<16xi32>
      %shift_right_logical3A_27 = arith.shrui %get3A_23, %shift_right_logical3A_26 : vector<16xi32>
      %and3A = arith.constant 7 : i32
      %and3A_28 = vector.broadcast %and3A : i32 to vector<16xi32>
      %and3A_29 = arith.andi %get3A_23, %and3A_28 : vector<16xi32>
      %shift_right_logical3A_30 = arith.constant 3 : i32
      %shift_right_logical3A_31 = vector.broadcast %shift_right_logical3A_30 : i32 to vector<16xi32>
      %shift_right_logical3A_32 = arith.shrui %get3A_25, %shift_right_logical3A_31 : vector<16xi32>
      %and3A_33 = arith.constant 7 : i32
      %and3A_34 = vector.broadcast %and3A_33 : i32 to vector<16xi32>
      %and3A_35 = arith.andi %get3A_25, %and3A_34 : vector<16xi32>
      %gather3A = tpu.vector_load_idx %arg7[%shift_right_logical3A_27, %and3A_29] : memref<10016x8xf32, #tpu.memory_space<vmem>>[vector<16xi32>, vector<16xi32>], vector<16xf32>,
      %add3A_36 = arith.constant 1 : i32
      %add3A_37 = vector.broadcast %add3A_36 : i32 to vector<16xi32>
      %add3A_38 = arith.addi %and3A_29, %add3A_37 : vector<16xi32>
      %gather3A_39 = tpu.vector_load_idx %arg7[%shift_right_logical3A_27, %add3A_38] : memref<10016x8xf32, #tpu.memory_space<vmem>>[vector<16xi32>, vector<16xi32>], vector<16xf32>,
      %gather3A_40 = tpu.vector_load_idx %arg7[%shift_right_logical3A_32, %and3A_35] : memref<10016x8xf32, #tpu.memory_space<vmem>>[vector<16xi32>, vector<16xi32>], vector<16xf32>,
      %add3A_41 = arith.constant 1 : i32
      %add3A_42 = vector.broadcast %add3A_41 : i32 to vector<16xi32>
      %add3A_43 = arith.addi %and3A_35, %add3A_42 : vector<16xi32>
      %gather3A_44 = tpu.vector_load_idx %arg7[%shift_right_logical3A_32, %add3A_43] : memref<10016x8xf32, #tpu.memory_space<vmem>>[vector<16xi32>, vector<16xi32>], vector<16xf32>,
      %mul3A_45 = arith.mulf %gather3A, %gather3A_40 : vector<16xf32>
      %mul3A_46 = arith.mulf %mul3A_45, %get3A_1 : vector<16xf32>
      %mul3A_47 = arith.mulf %gather3A_39, %gather3A_44 : vector<16xf32>
      %mul3A_48 = arith.mulf %mul3A_47, %get3A_3 : vector<16xf32>
      %add3A_49 = arith.addf %mul3A_46, %mul3A_48 : vector<16xf32>
      %swap3A = arith.index_cast %mul3A_21 : i32 to index
      %swap3A_50 = tpu.vector_load %arg10[%swap3A] {strides = array<i32>} : memref<10240xf32, #tpu.memory_space<vmem>>, vector<16xf32>,
      tpu.vector_store %arg10[%swap3A], %add3A_49 {strides = array<i32>} : memref<10240xf32, #tpu.memory_space<vmem>>, vector<16xf32>,
    }
    %scan3A_8 = arith.constant 640 : i32
    %mul3A_9 = arith.constant 160000 : i32
    %mul3A_10 = arith.muli %arg0, %mul3A_9 : i32
    %mul3A_11 = arith.constant 10240 : i32
    %mul3A_12 = arith.muli %arg1, %mul3A_11 : i32
    %add3A = arith.addi %mul3A_10, %mul3A_12 : i32
    %lt3A = arith.constant 15 : i32
    %lt3A_13 = arith.cmpi slt, %arg1, %lt3A : i32
    %convert_element_type3A = arith.extui %lt3A_13 : i1 to i32
    %cond3A = arith.constant 0 : i32
    %cond3A_14 = arith.cmpi ne, %convert_element_type3A, %cond3A : i32
    scf.if %cond3A_14 {
      "tpu.region"() ({
        %run_scoped3A = tpu.sem_alloc : memref<!tpu.dma_semaphore, #tpu.memory_space<semaphore_mem>>
        %dma_start3A = tpu.memref_slice %arg6[%add3A] : memref<320000xf32, #tpu.memory_space<hbm>> -> memref<10240xf32, #tpu.memory_space<hbm>>
        %dma_start3A_19 = tpu.memref_slice %arg6[%add3A] : memref<320000xf32, #tpu.memory_space<hbm>> -> memref<10240xf32, #tpu.memory_space<hbm>>
        tpu.enqueue_dma source(%arg10 : memref<10240xf32, #tpu.memory_space<vmem>>) target(%dma_start3A_19 : memref<10240xf32, #tpu.memory_space<hbm>>) target_semaphore(%run_scoped3A : memref<!tpu.dma_semaphore, #tpu.memory_space<semaphore_mem>>)
        %dma_wait3A = tpu.memref_slice %arg6[%add3A] : memref<320000xf32, #tpu.memory_space<hbm>> -> memref<10240xf32, #tpu.memory_space<hbm>>
        %dma_wait3A_20 = tpu.memref_slice %arg6[%add3A] : memref<320000xf32, #tpu.memory_space<hbm>> -> memref<10240xf32, #tpu.memory_space<hbm>>
        tpu.wait_dma2 semaphore(%run_scoped3A : memref<!tpu.dma_semaphore, #tpu.memory_space<semaphore_mem>>) src(%arg10 : memref<10240xf32, #tpu.memory_space<vmem>>) dst(%dma_wait3A_20 : memref<10240xf32, #tpu.memory_space<hbm>>)
        tpu.yield
      }) : () -> ()
    } else {
    }
    %eq3A = arith.constant 15 : i32
    %eq3A_15 = arith.cmpi eq, %arg1, %eq3A : i32
    %convert_element_type3A_16 = arith.extui %eq3A_15 : i1 to i32
    %cond3A_17 = arith.constant 0 : i32
    %cond3A_18 = arith.cmpi ne, %convert_element_type3A_16, %cond3A_17 : i32
    scf.if %cond3A_18 {
      "tpu.region"() ({
        %run_scoped3A = tpu.sem_alloc : memref<!tpu.dma_semaphore, #tpu.memory_space<semaphore_mem>>
        %dma_start3A = arith.constant 0 : i32
        %dma_start3A_19 = tpu.memref_slice %arg10[%dma_start3A] : memref<10240xf32, #tpu.memory_space<vmem>> -> memref<6400xf32, #tpu.memory_space<vmem>>
        %dma_start3A_20 = tpu.memref_slice %arg6[%add3A] : memref<320000xf32, #tpu.memory_space<hbm>> -> memref<6400xf32, #tpu.memory_space<hbm>>
        %dma_start3A_21 = tpu.memref_slice %arg6[%add3A] : memref<320000xf32, #tpu.memory_space<hbm>> -> memref<6400xf32, #tpu.memory_space<hbm>>
        %dma_start3A_22 = arith.constant 0 : i32
        %dma_start3A_23 = tpu.memref_slice %arg10[%dma_start3A_22] : memref<10240xf32, #tpu.memory_space<vmem>> -> memref<6400xf32, #tpu.memory_space<vmem>>
        tpu.enqueue_dma source(%dma_start3A_23 : memref<6400xf32, #tpu.memory_space<vmem>>) target(%dma_start3A_21 : memref<6400xf32, #tpu.memory_space<hbm>>) target_semaphore(%run_scoped3A : memref<!tpu.dma_semaphore, #tpu.memory_space<semaphore_mem>>)
        %dma_wait3A = arith.constant 0 : i32
        %dma_wait3A_24 = tpu.memref_slice %arg10[%dma_wait3A] : memref<10240xf32, #tpu.memory_space<vmem>> -> memref<6400xf32, #tpu.memory_space<vmem>>
        %dma_wait3A_25 = tpu.memref_slice %arg6[%add3A] : memref<320000xf32, #tpu.memory_space<hbm>> -> memref<6400xf32, #tpu.memory_space<hbm>>
        %dma_wait3A_26 = tpu.memref_slice %arg6[%add3A] : memref<320000xf32, #tpu.memory_space<hbm>> -> memref<6400xf32, #tpu.memory_space<hbm>>
        %dma_wait3A_27 = arith.constant 0 : i32
        %dma_wait3A_28 = tpu.memref_slice %arg10[%dma_wait3A_27] : memref<10240xf32, #tpu.memory_space<vmem>> -> memref<6400xf32, #tpu.memory_space<vmem>>
        tpu.wait_dma2 semaphore(%run_scoped3A : memref<!tpu.dma_semaphore, #tpu.memory_space<semaphore_mem>>) src(%dma_wait3A_28 : memref<6400xf32, #tpu.memory_space<vmem>>) dst(%dma_wait3A_26 : memref<6400xf32, #tpu.memory_space<hbm>>)
        tpu.yield
      }) : () -> ()
    } else {
    }
    return
  }
}

#map = affine_map<(d0, d1) -> (0, 0)>
#map1 = affine_map<(d0, d1) -> (0, 0, 0, 0)>
module attributes {stable_mosaic.version = 14 : i64} {
  func.func @_seg_pass(%arg0: i32, %arg1: i32, %arg2: memref<10016x8xf32, #tpu.memory_space<hbm>>, %arg3: memref<10016x8xf32, #tpu.memory_space<hbm>>, %arg4: memref<2x16x80x128xi32, #tpu.memory_space<hbm>>, %arg5: memref<2x16x80x128xi32, #tpu.memory_space<hbm>>, %arg6: memref<10016x8xf32, #tpu.memory_space<hbm>>, %arg7: memref<5008x8xf32, #tpu.memory_space<vmem_shared>>, %arg8: memref<80x128xi32, #tpu.memory_space<vmem>>, %arg9: memref<80x128xi32, #tpu.memory_space<vmem>>, %arg10: memref<8x128x8xf32, #tpu.memory_space<vmem>>, %arg11: memref<5008x8xf32, #tpu.memory_space<vmem>>, %arg12: memref<8x!tpu.dma_semaphore, #tpu.memory_space<semaphore_mem>>, %arg13: memref<8x!tpu.dma_semaphore, #tpu.memory_space<semaphore_mem>>) attributes {dimension_semantics = [#tpu.dimension_semantics<core_parallel>, #tpu.dimension_semantics<subcore_parallel>], iteration_bounds = array<i64: 2, 16>, scalar_prefetch = 0 : i64, scratch_operands = 7 : i64, tpu.core_type = #tpu.core_type<sc_vector_subcore>, window_params = [{transform_indices = #map}, {transform_indices = #map}, {transform_indices = #map1}, {transform_indices = #map1}, {transform_indices = #map}]} {
    %eq3A = arith.constant 0 : i32
    %eq3A_0 = arith.cmpi eq, %arg1, %eq3A : i32
    %convert_element_type3A = arith.extui %eq3A_0 : i1 to i32
    %cond3A = arith.constant 0 : i32
    %cond3A_1 = arith.cmpi ne, %convert_element_type3A, %cond3A : i32
    scf.if %cond3A_1 {
      %mul3A = arith.constant 5008 : i32
      %mul3A_13 = arith.muli %arg0, %mul3A : i32
      "tpu.region"() ({
        %run_scoped3A = tpu.sem_alloc : memref<!tpu.dma_semaphore, #tpu.memory_space<semaphore_mem>>
        %dma_start3A = arith.constant 0 : i32
        %dma_start3A_14 = tpu.memref_slice %arg3[%mul3A_13, %dma_start3A] : memref<10016x8xf32, #tpu.memory_space<hbm>> -> memref<5008x8xf32, #tpu.memory_space<hbm>>
        %dma_start3A_15 = arith.constant 0 : i32
        %dma_start3A_16 = tpu.memref_slice %arg3[%mul3A_13, %dma_start3A_15] : memref<10016x8xf32, #tpu.memory_space<hbm>> -> memref<5008x8xf32, #tpu.memory_space<hbm>>
        tpu.enqueue_dma source(%dma_start3A_16 : memref<5008x8xf32, #tpu.memory_space<hbm>>) target(%arg11 : memref<5008x8xf32, #tpu.memory_space<vmem>>) target_semaphore(%run_scoped3A : memref<!tpu.dma_semaphore, #tpu.memory_space<semaphore_mem>>)
        %dma_wait3A = arith.constant 0 : i32
        %dma_wait3A_17 = tpu.memref_slice %arg3[%mul3A_13, %dma_wait3A] : memref<10016x8xf32, #tpu.memory_space<hbm>> -> memref<5008x8xf32, #tpu.memory_space<hbm>>
        %dma_wait3A_18 = arith.constant 0 : i32
        %dma_wait3A_19 = tpu.memref_slice %arg3[%mul3A_13, %dma_wait3A_18] : memref<10016x8xf32, #tpu.memory_space<hbm>> -> memref<5008x8xf32, #tpu.memory_space<hbm>>
        tpu.wait_dma2 semaphore(%run_scoped3A : memref<!tpu.dma_semaphore, #tpu.memory_space<semaphore_mem>>) src(%dma_wait3A_19 : memref<5008x8xf32, #tpu.memory_space<hbm>>) dst(%arg11 : memref<5008x8xf32, #tpu.memory_space<vmem>>)
        tpu.yield
      }) : () -> ()
      "tpu.region"() ({
        %run_scoped3A = tpu.sem_alloc : memref<!tpu.dma_semaphore, #tpu.memory_space<semaphore_mem>>
        tpu.enqueue_dma source(%arg11 : memref<5008x8xf32, #tpu.memory_space<vmem>>) target(%arg7 : memref<5008x8xf32, #tpu.memory_space<vmem_shared>>) target_semaphore(%run_scoped3A : memref<!tpu.dma_semaphore, #tpu.memory_space<semaphore_mem>>)
        tpu.wait_dma2 semaphore(%run_scoped3A : memref<!tpu.dma_semaphore, #tpu.memory_space<semaphore_mem>>) src(%arg11 : memref<5008x8xf32, #tpu.memory_space<vmem>>) dst(%arg7 : memref<5008x8xf32, #tpu.memory_space<vmem_shared>>)
        tpu.yield
      }) : () -> ()
    } else {
    }
    "tpu.region"() ({
      %run_scoped3A = tpu.sem_alloc : memref<!tpu.dma_semaphore, #tpu.memory_space<semaphore_mem>>
      %dma_start3A = arith.constant 0 : i32
      %dma_start3A_13 = arith.constant 0 : i32
      %dma_start3A_14 = tpu.memref_slice %arg4[%arg0, %arg1, %dma_start3A, %dma_start3A_13] : memref<2x16x80x128xi32, #tpu.memory_space<hbm>> -> memref<1x1x80x128xi32, #tpu.memory_space<hbm>>
      %dma_start3A_15 = tpu.memref_squeeze %dma_start3A_14 : memref<1x1x80x128xi32, #tpu.memory_space<hbm>> -> memref<80x128xi32, #tpu.memory_space<hbm>>
      %dma_start3A_16 = arith.constant 0 : i32
      %dma_start3A_17 = arith.constant 0 : i32
      %dma_start3A_18 = tpu.memref_slice %arg4[%arg0, %arg1, %dma_start3A_16, %dma_start3A_17] : memref<2x16x80x128xi32, #tpu.memory_space<hbm>> -> memref<1x1x80x128xi32, #tpu.memory_space<hbm>>
      %dma_start3A_19 = tpu.memref_squeeze %dma_start3A_18 : memref<1x1x80x128xi32, #tpu.memory_space<hbm>> -> memref<80x128xi32, #tpu.memory_space<hbm>>
      tpu.enqueue_dma source(%dma_start3A_19 : memref<80x128xi32, #tpu.memory_space<hbm>>) target(%arg8 : memref<80x128xi32, #tpu.memory_space<vmem>>) target_semaphore(%run_scoped3A : memref<!tpu.dma_semaphore, #tpu.memory_space<semaphore_mem>>)
      %dma_wait3A = arith.constant 0 : i32
      %dma_wait3A_20 = arith.constant 0 : i32
      %dma_wait3A_21 = tpu.memref_slice %arg4[%arg0, %arg1, %dma_wait3A, %dma_wait3A_20] : memref<2x16x80x128xi32, #tpu.memory_space<hbm>> -> memref<1x1x80x128xi32, #tpu.memory_space<hbm>>
      %dma_wait3A_22 = tpu.memref_squeeze %dma_wait3A_21 : memref<1x1x80x128xi32, #tpu.memory_space<hbm>> -> memref<80x128xi32, #tpu.memory_space<hbm>>
      %dma_wait3A_23 = arith.constant 0 : i32
      %dma_wait3A_24 = arith.constant 0 : i32
      %dma_wait3A_25 = tpu.memref_slice %arg4[%arg0, %arg1, %dma_wait3A_23, %dma_wait3A_24] : memref<2x16x80x128xi32, #tpu.memory_space<hbm>> -> memref<1x1x80x128xi32, #tpu.memory_space<hbm>>
      %dma_wait3A_26 = tpu.memref_squeeze %dma_wait3A_25 : memref<1x1x80x128xi32, #tpu.memory_space<hbm>> -> memref<80x128xi32, #tpu.memory_space<hbm>>
      tpu.wait_dma2 semaphore(%run_scoped3A : memref<!tpu.dma_semaphore, #tpu.memory_space<semaphore_mem>>) src(%dma_wait3A_26 : memref<80x128xi32, #tpu.memory_space<hbm>>) dst(%arg8 : memref<80x128xi32, #tpu.memory_space<vmem>>)
      tpu.yield
    }) : () -> ()
    "tpu.region"() ({
      %run_scoped3A = tpu.sem_alloc : memref<!tpu.dma_semaphore, #tpu.memory_space<semaphore_mem>>
      %dma_start3A = arith.constant 0 : i32
      %dma_start3A_13 = arith.constant 0 : i32
      %dma_start3A_14 = tpu.memref_slice %arg5[%arg0, %arg1, %dma_start3A, %dma_start3A_13] : memref<2x16x80x128xi32, #tpu.memory_space<hbm>> -> memref<1x1x80x128xi32, #tpu.memory_space<hbm>>
      %dma_start3A_15 = tpu.memref_squeeze %dma_start3A_14 : memref<1x1x80x128xi32, #tpu.memory_space<hbm>> -> memref<80x128xi32, #tpu.memory_space<hbm>>
      %dma_start3A_16 = arith.constant 0 : i32
      %dma_start3A_17 = arith.constant 0 : i32
      %dma_start3A_18 = tpu.memref_slice %arg5[%arg0, %arg1, %dma_start3A_16, %dma_start3A_17] : memref<2x16x80x128xi32, #tpu.memory_space<hbm>> -> memref<1x1x80x128xi32, #tpu.memory_space<hbm>>
      %dma_start3A_19 = tpu.memref_squeeze %dma_start3A_18 : memref<1x1x80x128xi32, #tpu.memory_space<hbm>> -> memref<80x128xi32, #tpu.memory_space<hbm>>
      tpu.enqueue_dma source(%dma_start3A_19 : memref<80x128xi32, #tpu.memory_space<hbm>>) target(%arg9 : memref<80x128xi32, #tpu.memory_space<vmem>>) target_semaphore(%run_scoped3A : memref<!tpu.dma_semaphore, #tpu.memory_space<semaphore_mem>>)
      %dma_wait3A = arith.constant 0 : i32
      %dma_wait3A_20 = arith.constant 0 : i32
      %dma_wait3A_21 = tpu.memref_slice %arg5[%arg0, %arg1, %dma_wait3A, %dma_wait3A_20] : memref<2x16x80x128xi32, #tpu.memory_space<hbm>> -> memref<1x1x80x128xi32, #tpu.memory_space<hbm>>
      %dma_wait3A_22 = tpu.memref_squeeze %dma_wait3A_21 : memref<1x1x80x128xi32, #tpu.memory_space<hbm>> -> memref<80x128xi32, #tpu.memory_space<hbm>>
      %dma_wait3A_23 = arith.constant 0 : i32
      %dma_wait3A_24 = arith.constant 0 : i32
      %dma_wait3A_25 = tpu.memref_slice %arg5[%arg0, %arg1, %dma_wait3A_23, %dma_wait3A_24] : memref<2x16x80x128xi32, #tpu.memory_space<hbm>> -> memref<1x1x80x128xi32, #tpu.memory_space<hbm>>
      %dma_wait3A_26 = tpu.memref_squeeze %dma_wait3A_25 : memref<1x1x80x128xi32, #tpu.memory_space<hbm>> -> memref<80x128xi32, #tpu.memory_space<hbm>>
      tpu.wait_dma2 semaphore(%run_scoped3A : memref<!tpu.dma_semaphore, #tpu.memory_space<semaphore_mem>>) src(%dma_wait3A_26 : memref<80x128xi32, #tpu.memory_space<hbm>>) dst(%arg9 : memref<80x128xi32, #tpu.memory_space<vmem>>)
      tpu.yield
    }) : () -> ()
    %barrier3A = arith.constant 0 : index
    tpu.barrier barrier_id(%barrier3A)
    %scan3A = arith.constant 0 : i32
    %scan3A_2 = arith.constant 0 : i32
    %scan3A_3 = arith.constant 10 : i32
    %scan3A_4 = arith.addi %scan3A_2, %scan3A_3 : i32
    %scan3A_5 = arith.constant 1 : i32
    scf.for %scan3A_13 = %scan3A_2 to %scan3A_4 step %scan3A_5  : i32 {
      %mul3A = arith.constant 8 : i32
      %mul3A_14 = arith.muli %scan3A_13, %mul3A : i32
      %add3A = arith.constant 0 : i32
      %add3A_15 = arith.addi %mul3A_14, %add3A : i32
      %dma_start3A = arith.constant 0 : i32
      %dma_start3A_16 = arith.constant 0 : i32
      %dma_start3A_17 = arith.constant 0 : i32
      %dma_start3A_18 = arith.constant 0 : i32
      %dma_start3A_19 = tpu.memref_slice %arg10[%dma_start3A, %dma_start3A_17, %dma_start3A_18] : memref<8x128x8xf32, #tpu.memory_space<vmem>> -> memref<1x128x8xf32, #tpu.memory_space<vmem>>
      %dma_start3A_20 = tpu.memref_squeeze %dma_start3A_19 : memref<1x128x8xf32, #tpu.memory_space<vmem>> -> memref<128x8xf32, #tpu.memory_space<vmem>>
      %dma_start3A_21 = arith.constant 0 : i32
      %dma_start3A_22 = tpu.memref_slice %arg8[%add3A_15, %dma_start3A_21] : memref<80x128xi32, #tpu.memory_space<vmem>> -> memref<1x128xi32, #tpu.memory_space<vmem>>
      %dma_start3A_23 = tpu.memref_squeeze %dma_start3A_22 : memref<1x128xi32, #tpu.memory_space<vmem>> -> memref<128xi32, #tpu.memory_space<vmem>>
      %dma_start3A_24 = arith.constant 0 : i32
      %dma_start3A_25 = arith.constant 0 : i32
      %dma_start3A_26 = tpu.memref_slice %arg2[%dma_start3A_24, %dma_start3A_25] : memref<10016x8xf32, #tpu.memory_space<hbm>> -> memref<10016x8xf32, #tpu.memory_space<hbm>>
      %dma_start3A_27 = tpu.memref_slice %arg12[%dma_start3A_16] : memref<8x!tpu.dma_semaphore, #tpu.memory_space<semaphore_mem>> -> memref<1x!tpu.dma_semaphore, #tpu.memory_space<semaphore_mem>>
      %dma_start3A_28 = tpu.memref_squeeze %dma_start3A_27 : memref<1x!tpu.dma_semaphore, #tpu.memory_space<semaphore_mem>> -> memref<!tpu.dma_semaphore, #tpu.memory_space<semaphore_mem>>
      tpu.enqueue_indirect_dma source(%dma_start3A_26 : memref<10016x8xf32, #tpu.memory_space<hbm>>) target(%dma_start3A_20 : memref<128x8xf32, #tpu.memory_space<vmem>>) offsets(%dma_start3A_23 : memref<128xi32, #tpu.memory_space<vmem>>) semaphore(%dma_start3A_28 : memref<!tpu.dma_semaphore, #tpu.memory_space<semaphore_mem>>)
      %add3A_29 = arith.constant 1 : i32
      %add3A_30 = arith.addi %mul3A_14, %add3A_29 : i32
      %dma_start3A_31 = arith.constant 1 : i32
      %dma_start3A_32 = arith.constant 1 : i32
      %dma_start3A_33 = arith.constant 0 : i32
      %dma_start3A_34 = arith.constant 0 : i32
      %dma_start3A_35 = tpu.memref_slice %arg10[%dma_start3A_31, %dma_start3A_33, %dma_start3A_34] : memref<8x128x8xf32, #tpu.memory_space<vmem>> -> memref<1x128x8xf32, #tpu.memory_space<vmem>>
      %dma_start3A_36 = tpu.memref_squeeze %dma_start3A_35 : memref<1x128x8xf32, #tpu.memory_space<vmem>> -> memref<128x8xf32, #tpu.memory_space<vmem>>
      %dma_start3A_37 = arith.constant 0 : i32
      %dma_start3A_38 = tpu.memref_slice %arg8[%add3A_30, %dma_start3A_37] : memref<80x128xi32, #tpu.memory_space<vmem>> -> memref<1x128xi32, #tpu.memory_space<vmem>>
      %dma_start3A_39 = tpu.memref_squeeze %dma_start3A_38 : memref<1x128xi32, #tpu.memory_space<vmem>> -> memref<128xi32, #tpu.memory_space<vmem>>
      %dma_start3A_40 = arith.constant 0 : i32
      %dma_start3A_41 = arith.constant 0 : i32
      %dma_start3A_42 = tpu.memref_slice %arg2[%dma_start3A_40, %dma_start3A_41] : memref<10016x8xf32, #tpu.memory_space<hbm>> -> memref<10016x8xf32, #tpu.memory_space<hbm>>
      %dma_start3A_43 = tpu.memref_slice %arg12[%dma_start3A_32] : memref<8x!tpu.dma_semaphore, #tpu.memory_space<semaphore_mem>> -> memref<1x!tpu.dma_semaphore, #tpu.memory_space<semaphore_mem>>
      %dma_start3A_44 = tpu.memref_squeeze %dma_start3A_43 : memref<1x!tpu.dma_semaphore, #tpu.memory_space<semaphore_mem>> -> memref<!tpu.dma_semaphore, #tpu.memory_space<semaphore_mem>>
      tpu.enqueue_indirect_dma source(%dma_start3A_42 : memref<10016x8xf32, #tpu.memory_space<hbm>>) target(%dma_start3A_36 : memref<128x8xf32, #tpu.memory_space<vmem>>) offsets(%dma_start3A_39 : memref<128xi32, #tpu.memory_space<vmem>>) semaphore(%dma_start3A_44 : memref<!tpu.dma_semaphore, #tpu.memory_space<semaphore_mem>>)
      %add3A_45 = arith.constant 2 : i32
      %add3A_46 = arith.addi %mul3A_14, %add3A_45 : i32
      %dma_start3A_47 = arith.constant 2 : i32
      %dma_start3A_48 = arith.constant 2 : i32
      %dma_start3A_49 = arith.constant 0 : i32
      %dma_start3A_50 = arith.constant 0 : i32
      %dma_start3A_51 = tpu.memref_slice %arg10[%dma_start3A_47, %dma_start3A_49, %dma_start3A_50] : memref<8x128x8xf32, #tpu.memory_space<vmem>> -> memref<1x128x8xf32, #tpu.memory_space<vmem>>
      %dma_start3A_52 = tpu.memref_squeeze %dma_start3A_51 : memref<1x128x8xf32, #tpu.memory_space<vmem>> -> memref<128x8xf32, #tpu.memory_space<vmem>>
      %dma_start3A_53 = arith.constant 0 : i32
      %dma_start3A_54 = tpu.memref_slice %arg8[%add3A_46, %dma_start3A_53] : memref<80x128xi32, #tpu.memory_space<vmem>> -> memref<1x128xi32, #tpu.memory_space<vmem>>
      %dma_start3A_55 = tpu.memref_squeeze %dma_start3A_54 : memref<1x128xi32, #tpu.memory_space<vmem>> -> memref<128xi32, #tpu.memory_space<vmem>>
      %dma_start3A_56 = arith.constant 0 : i32
      %dma_start3A_57 = arith.constant 0 : i32
      %dma_start3A_58 = tpu.memref_slice %arg2[%dma_start3A_56, %dma_start3A_57] : memref<10016x8xf32, #tpu.memory_space<hbm>> -> memref<10016x8xf32, #tpu.memory_space<hbm>>
      %dma_start3A_59 = tpu.memref_slice %arg12[%dma_start3A_48] : memref<8x!tpu.dma_semaphore, #tpu.memory_space<semaphore_mem>> -> memref<1x!tpu.dma_semaphore, #tpu.memory_space<semaphore_mem>>
      %dma_start3A_60 = tpu.memref_squeeze %dma_start3A_59 : memref<1x!tpu.dma_semaphore, #tpu.memory_space<semaphore_mem>> -> memref<!tpu.dma_semaphore, #tpu.memory_space<semaphore_mem>>
      tpu.enqueue_indirect_dma source(%dma_start3A_58 : memref<10016x8xf32, #tpu.memory_space<hbm>>) target(%dma_start3A_52 : memref<128x8xf32, #tpu.memory_space<vmem>>) offsets(%dma_start3A_55 : memref<128xi32, #tpu.memory_space<vmem>>) semaphore(%dma_start3A_60 : memref<!tpu.dma_semaphore, #tpu.memory_space<semaphore_mem>>)
      %add3A_61 = arith.constant 3 : i32
      %add3A_62 = arith.addi %mul3A_14, %add3A_61 : i32
      %dma_start3A_63 = arith.constant 3 : i32
      %dma_start3A_64 = arith.constant 3 : i32
      %dma_start3A_65 = arith.constant 0 : i32
      %dma_start3A_66 = arith.constant 0 : i32
      %dma_start3A_67 = tpu.memref_slice %arg10[%dma_start3A_63, %dma_start3A_65, %dma_start3A_66] : memref<8x128x8xf32, #tpu.memory_space<vmem>> -> memref<1x128x8xf32, #tpu.memory_space<vmem>>
      %dma_start3A_68 = tpu.memref_squeeze %dma_start3A_67 : memref<1x128x8xf32, #tpu.memory_space<vmem>> -> memref<128x8xf32, #tpu.memory_space<vmem>>
      %dma_start3A_69 = arith.constant 0 : i32
      %dma_start3A_70 = tpu.memref_slice %arg8[%add3A_62, %dma_start3A_69] : memref<80x128xi32, #tpu.memory_space<vmem>> -> memref<1x128xi32, #tpu.memory_space<vmem>>
      %dma_start3A_71 = tpu.memref_squeeze %dma_start3A_70 : memref<1x128xi32, #tpu.memory_space<vmem>> -> memref<128xi32, #tpu.memory_space<vmem>>
      %dma_start3A_72 = arith.constant 0 : i32
      %dma_start3A_73 = arith.constant 0 : i32
      %dma_start3A_74 = tpu.memref_slice %arg2[%dma_start3A_72, %dma_start3A_73] : memref<10016x8xf32, #tpu.memory_space<hbm>> -> memref<10016x8xf32, #tpu.memory_space<hbm>>
      %dma_start3A_75 = tpu.memref_slice %arg12[%dma_start3A_64] : memref<8x!tpu.dma_semaphore, #tpu.memory_space<semaphore_mem>> -> memref<1x!tpu.dma_semaphore, #tpu.memory_space<semaphore_mem>>
      %dma_start3A_76 = tpu.memref_squeeze %dma_start3A_75 : memref<1x!tpu.dma_semaphore, #tpu.memory_space<semaphore_mem>> -> memref<!tpu.dma_semaphore, #tpu.memory_space<semaphore_mem>>
      tpu.enqueue_indirect_dma source(%dma_start3A_74 : memref<10016x8xf32, #tpu.memory_space<hbm>>) target(%dma_start3A_68 : memref<128x8xf32, #tpu.memory_space<vmem>>) offsets(%dma_start3A_71 : memref<128xi32, #tpu.memory_space<vmem>>) semaphore(%dma_start3A_76 : memref<!tpu.dma_semaphore, #tpu.memory_space<semaphore_mem>>)
      %add3A_77 = arith.constant 4 : i32
      %add3A_78 = arith.addi %mul3A_14, %add3A_77 : i32
      %dma_start3A_79 = arith.constant 4 : i32
      %dma_start3A_80 = arith.constant 4 : i32
      %dma_start3A_81 = arith.constant 0 : i32
      %dma_start3A_82 = arith.constant 0 : i32
      %dma_start3A_83 = tpu.memref_slice %arg10[%dma_start3A_79, %dma_start3A_81, %dma_start3A_82] : memref<8x128x8xf32, #tpu.memory_space<vmem>> -> memref<1x128x8xf32, #tpu.memory_space<vmem>>
      %dma_start3A_84 = tpu.memref_squeeze %dma_start3A_83 : memref<1x128x8xf32, #tpu.memory_space<vmem>> -> memref<128x8xf32, #tpu.memory_space<vmem>>
      %dma_start3A_85 = arith.constant 0 : i32
      %dma_start3A_86 = tpu.memref_slice %arg8[%add3A_78, %dma_start3A_85] : memref<80x128xi32, #tpu.memory_space<vmem>> -> memref<1x128xi32, #tpu.memory_space<vmem>>
      %dma_start3A_87 = tpu.memref_squeeze %dma_start3A_86 : memref<1x128xi32, #tpu.memory_space<vmem>> -> memref<128xi32, #tpu.memory_space<vmem>>
      %dma_start3A_88 = arith.constant 0 : i32
      %dma_start3A_89 = arith.constant 0 : i32
      %dma_start3A_90 = tpu.memref_slice %arg2[%dma_start3A_88, %dma_start3A_89] : memref<10016x8xf32, #tpu.memory_space<hbm>> -> memref<10016x8xf32, #tpu.memory_space<hbm>>
      %dma_start3A_91 = tpu.memref_slice %arg12[%dma_start3A_80] : memref<8x!tpu.dma_semaphore, #tpu.memory_space<semaphore_mem>> -> memref<1x!tpu.dma_semaphore, #tpu.memory_space<semaphore_mem>>
      %dma_start3A_92 = tpu.memref_squeeze %dma_start3A_91 : memref<1x!tpu.dma_semaphore, #tpu.memory_space<semaphore_mem>> -> memref<!tpu.dma_semaphore, #tpu.memory_space<semaphore_mem>>
      tpu.enqueue_indirect_dma source(%dma_start3A_90 : memref<10016x8xf32, #tpu.memory_space<hbm>>) target(%dma_start3A_84 : memref<128x8xf32, #tpu.memory_space<vmem>>) offsets(%dma_start3A_87 : memref<128xi32, #tpu.memory_space<vmem>>) semaphore(%dma_start3A_92 : memref<!tpu.dma_semaphore, #tpu.memory_space<semaphore_mem>>)
      %add3A_93 = arith.constant 5 : i32
      %add3A_94 = arith.addi %mul3A_14, %add3A_93 : i32
      %dma_start3A_95 = arith.constant 5 : i32
      %dma_start3A_96 = arith.constant 5 : i32
      %dma_start3A_97 = arith.constant 0 : i32
      %dma_start3A_98 = arith.constant 0 : i32
      %dma_start3A_99 = tpu.memref_slice %arg10[%dma_start3A_95, %dma_start3A_97, %dma_start3A_98] : memref<8x128x8xf32, #tpu.memory_space<vmem>> -> memref<1x128x8xf32, #tpu.memory_space<vmem>>
      %dma_start3A_100 = tpu.memref_squeeze %dma_start3A_99 : memref<1x128x8xf32, #tpu.memory_space<vmem>> -> memref<128x8xf32, #tpu.memory_space<vmem>>
      %dma_start3A_101 = arith.constant 0 : i32
      %dma_start3A_102 = tpu.memref_slice %arg8[%add3A_94, %dma_start3A_101] : memref<80x128xi32, #tpu.memory_space<vmem>> -> memref<1x128xi32, #tpu.memory_space<vmem>>
      %dma_start3A_103 = tpu.memref_squeeze %dma_start3A_102 : memref<1x128xi32, #tpu.memory_space<vmem>> -> memref<128xi32, #tpu.memory_space<vmem>>
      %dma_start3A_104 = arith.constant 0 : i32
      %dma_start3A_105 = arith.constant 0 : i32
      %dma_start3A_106 = tpu.memref_slice %arg2[%dma_start3A_104, %dma_start3A_105] : memref<10016x8xf32, #tpu.memory_space<hbm>> -> memref<10016x8xf32, #tpu.memory_space<hbm>>
      %dma_start3A_107 = tpu.memref_slice %arg12[%dma_start3A_96] : memref<8x!tpu.dma_semaphore, #tpu.memory_space<semaphore_mem>> -> memref<1x!tpu.dma_semaphore, #tpu.memory_space<semaphore_mem>>
      %dma_start3A_108 = tpu.memref_squeeze %dma_start3A_107 : memref<1x!tpu.dma_semaphore, #tpu.memory_space<semaphore_mem>> -> memref<!tpu.dma_semaphore, #tpu.memory_space<semaphore_mem>>
      tpu.enqueue_indirect_dma source(%dma_start3A_106 : memref<10016x8xf32, #tpu.memory_space<hbm>>) target(%dma_start3A_100 : memref<128x8xf32, #tpu.memory_space<vmem>>) offsets(%dma_start3A_103 : memref<128xi32, #tpu.memory_space<vmem>>) semaphore(%dma_start3A_108 : memref<!tpu.dma_semaphore, #tpu.memory_space<semaphore_mem>>)
      %add3A_109 = arith.constant 6 : i32
      %add3A_110 = arith.addi %mul3A_14, %add3A_109 : i32
      %dma_start3A_111 = arith.constant 6 : i32
      %dma_start3A_112 = arith.constant 6 : i32
      %dma_start3A_113 = arith.constant 0 : i32
      %dma_start3A_114 = arith.constant 0 : i32
      %dma_start3A_115 = tpu.memref_slice %arg10[%dma_start3A_111, %dma_start3A_113, %dma_start3A_114] : memref<8x128x8xf32, #tpu.memory_space<vmem>> -> memref<1x128x8xf32, #tpu.memory_space<vmem>>
      %dma_start3A_116 = tpu.memref_squeeze %dma_start3A_115 : memref<1x128x8xf32, #tpu.memory_space<vmem>> -> memref<128x8xf32, #tpu.memory_space<vmem>>
      %dma_start3A_117 = arith.constant 0 : i32
      %dma_start3A_118 = tpu.memref_slice %arg8[%add3A_110, %dma_start3A_117] : memref<80x128xi32, #tpu.memory_space<vmem>> -> memref<1x128xi32, #tpu.memory_space<vmem>>
      %dma_start3A_119 = tpu.memref_squeeze %dma_start3A_118 : memref<1x128xi32, #tpu.memory_space<vmem>> -> memref<128xi32, #tpu.memory_space<vmem>>
      %dma_start3A_120 = arith.constant 0 : i32
      %dma_start3A_121 = arith.constant 0 : i32
      %dma_start3A_122 = tpu.memref_slice %arg2[%dma_start3A_120, %dma_start3A_121] : memref<10016x8xf32, #tpu.memory_space<hbm>> -> memref<10016x8xf32, #tpu.memory_space<hbm>>
      %dma_start3A_123 = tpu.memref_slice %arg12[%dma_start3A_112] : memref<8x!tpu.dma_semaphore, #tpu.memory_space<semaphore_mem>> -> memref<1x!tpu.dma_semaphore, #tpu.memory_space<semaphore_mem>>
      %dma_start3A_124 = tpu.memref_squeeze %dma_start3A_123 : memref<1x!tpu.dma_semaphore, #tpu.memory_space<semaphore_mem>> -> memref<!tpu.dma_semaphore, #tpu.memory_space<semaphore_mem>>
      tpu.enqueue_indirect_dma source(%dma_start3A_122 : memref<10016x8xf32, #tpu.memory_space<hbm>>) target(%dma_start3A_116 : memref<128x8xf32, #tpu.memory_space<vmem>>) offsets(%dma_start3A_119 : memref<128xi32, #tpu.memory_space<vmem>>) semaphore(%dma_start3A_124 : memref<!tpu.dma_semaphore, #tpu.memory_space<semaphore_mem>>)
      %add3A_125 = arith.constant 7 : i32
      %add3A_126 = arith.addi %mul3A_14, %add3A_125 : i32
      %dma_start3A_127 = arith.constant 7 : i32
      %dma_start3A_128 = arith.constant 7 : i32
      %dma_start3A_129 = arith.constant 0 : i32
      %dma_start3A_130 = arith.constant 0 : i32
      %dma_start3A_131 = tpu.memref_slice %arg10[%dma_start3A_127, %dma_start3A_129, %dma_start3A_130] : memref<8x128x8xf32, #tpu.memory_space<vmem>> -> memref<1x128x8xf32, #tpu.memory_space<vmem>>
      %dma_start3A_132 = tpu.memref_squeeze %dma_start3A_131 : memref<1x128x8xf32, #tpu.memory_space<vmem>> -> memref<128x8xf32, #tpu.memory_space<vmem>>
      %dma_start3A_133 = arith.constant 0 : i32
      %dma_start3A_134 = tpu.memref_slice %arg8[%add3A_126, %dma_start3A_133] : memref<80x128xi32, #tpu.memory_space<vmem>> -> memref<1x128xi32, #tpu.memory_space<vmem>>
      %dma_start3A_135 = tpu.memref_squeeze %dma_start3A_134 : memref<1x128xi32, #tpu.memory_space<vmem>> -> memref<128xi32, #tpu.memory_space<vmem>>
      %dma_start3A_136 = arith.constant 0 : i32
      %dma_start3A_137 = arith.constant 0 : i32
      %dma_start3A_138 = tpu.memref_slice %arg2[%dma_start3A_136, %dma_start3A_137] : memref<10016x8xf32, #tpu.memory_space<hbm>> -> memref<10016x8xf32, #tpu.memory_space<hbm>>
      %dma_start3A_139 = tpu.memref_slice %arg12[%dma_start3A_128] : memref<8x!tpu.dma_semaphore, #tpu.memory_space<semaphore_mem>> -> memref<1x!tpu.dma_semaphore, #tpu.memory_space<semaphore_mem>>
      %dma_start3A_140 = tpu.memref_squeeze %dma_start3A_139 : memref<1x!tpu.dma_semaphore, #tpu.memory_space<semaphore_mem>> -> memref<!tpu.dma_semaphore, #tpu.memory_space<semaphore_mem>>
      tpu.enqueue_indirect_dma source(%dma_start3A_138 : memref<10016x8xf32, #tpu.memory_space<hbm>>) target(%dma_start3A_132 : memref<128x8xf32, #tpu.memory_space<vmem>>) offsets(%dma_start3A_135 : memref<128xi32, #tpu.memory_space<vmem>>) semaphore(%dma_start3A_140 : memref<!tpu.dma_semaphore, #tpu.memory_space<semaphore_mem>>)
      %dma_wait3A = arith.constant 0 : i32
      %dma_wait3A_141 = arith.constant 0 : i32
      %dma_wait3A_142 = arith.constant 0 : i32
      %dma_wait3A_143 = arith.constant 0 : i32
      %dma_wait3A_144 = tpu.memref_slice %arg10[%dma_wait3A, %dma_wait3A_142, %dma_wait3A_143] : memref<8x128x8xf32, #tpu.memory_space<vmem>> -> memref<1x128x8xf32, #tpu.memory_space<vmem>>
      %dma_wait3A_145 = tpu.memref_squeeze %dma_wait3A_144 : memref<1x128x8xf32, #tpu.memory_space<vmem>> -> memref<128x8xf32, #tpu.memory_space<vmem>>
      %dma_wait3A_146 = arith.constant 0 : i32
      %dma_wait3A_147 = tpu.memref_slice %arg8[%add3A_15, %dma_wait3A_146] : memref<80x128xi32, #tpu.memory_space<vmem>> -> memref<1x128xi32, #tpu.memory_space<vmem>>
      %dma_wait3A_148 = tpu.memref_squeeze %dma_wait3A_147 : memref<1x128xi32, #tpu.memory_space<vmem>> -> memref<128xi32, #tpu.memory_space<vmem>>
      %dma_wait3A_149 = arith.constant 0 : i32
      %dma_wait3A_150 = arith.constant 0 : i32
      %dma_wait3A_151 = tpu.memref_slice %arg2[%dma_wait3A_149, %dma_wait3A_150] : memref<10016x8xf32, #tpu.memory_space<hbm>> -> memref<10016x8xf32, #tpu.memory_space<hbm>>
      %dma_wait3A_152 = tpu.memref_slice %arg12[%dma_wait3A_141] : memref<8x!tpu.dma_semaphore, #tpu.memory_space<semaphore_mem>> -> memref<1x!tpu.dma_semaphore, #tpu.memory_space<semaphore_mem>>
      %dma_wait3A_153 = tpu.memref_squeeze %dma_wait3A_152 : memref<1x!tpu.dma_semaphore, #tpu.memory_space<semaphore_mem>> -> memref<!tpu.dma_semaphore, #tpu.memory_space<semaphore_mem>>
      tpu.wait_indirect_dma semaphore(%dma_wait3A_153 : memref<!tpu.dma_semaphore, #tpu.memory_space<semaphore_mem>>) src(%dma_wait3A_151 : memref<10016x8xf32, #tpu.memory_space<hbm>>) dst(%dma_wait3A_145 : memref<128x8xf32, #tpu.memory_space<vmem>>)
      %add3A_154 = arith.constant 0 : i32
      %add3A_155 = arith.addi %mul3A_14, %add3A_154 : i32
      %dma_start3A_156 = arith.constant 0 : i32
      %dma_start3A_157 = arith.constant 0 : i32
      %dma_start3A_158 = arith.constant 0 : i32
      %dma_start3A_159 = arith.constant 0 : i32
      %dma_start3A_160 = tpu.memref_slice %arg10[%dma_start3A_156, %dma_start3A_158, %dma_start3A_159] : memref<8x128x8xf32, #tpu.memory_space<vmem>> -> memref<1x128x8xf32, #tpu.memory_space<vmem>>
      %dma_start3A_161 = tpu.memref_squeeze %dma_start3A_160 : memref<1x128x8xf32, #tpu.memory_space<vmem>> -> memref<128x8xf32, #tpu.memory_space<vmem>>
      %dma_start3A_162 = arith.constant 0 : i32
      %dma_start3A_163 = tpu.memref_slice %arg9[%add3A_155, %dma_start3A_162] : memref<80x128xi32, #tpu.memory_space<vmem>> -> memref<1x128xi32, #tpu.memory_space<vmem>>
      %dma_start3A_164 = tpu.memref_squeeze %dma_start3A_163 : memref<1x128xi32, #tpu.memory_space<vmem>> -> memref<128xi32, #tpu.memory_space<vmem>>
      %dma_start3A_165 = arith.constant 0 : i32
      %dma_start3A_166 = arith.constant 0 : i32
      %dma_start3A_167 = tpu.memref_slice %arg7[%dma_start3A_165, %dma_start3A_166] : memref<5008x8xf32, #tpu.memory_space<vmem_shared>> -> memref<5008x8xf32, #tpu.memory_space<vmem_shared>>
      %dma_start3A_168 = tpu.memref_slice %arg13[%dma_start3A_157] : memref<8x!tpu.dma_semaphore, #tpu.memory_space<semaphore_mem>> -> memref<1x!tpu.dma_semaphore, #tpu.memory_space<semaphore_mem>>
      %dma_start3A_169 = tpu.memref_squeeze %dma_start3A_168 : memref<1x!tpu.dma_semaphore, #tpu.memory_space<semaphore_mem>> -> memref<!tpu.dma_semaphore, #tpu.memory_space<semaphore_mem>>
      tpu.enqueue_indirect_dma source(%dma_start3A_161 : memref<128x8xf32, #tpu.memory_space<vmem>>) target(%dma_start3A_167 : memref<5008x8xf32, #tpu.memory_space<vmem_shared>>) offsets(%dma_start3A_164 : memref<128xi32, #tpu.memory_space<vmem>>) semaphore(%dma_start3A_169 : memref<!tpu.dma_semaphore, #tpu.memory_space<semaphore_mem>>) {add = true}
      %dma_wait3A_170 = arith.constant 1 : i32
      %dma_wait3A_171 = arith.constant 1 : i32
      %dma_wait3A_172 = arith.constant 0 : i32
      %dma_wait3A_173 = arith.constant 0 : i32
      %dma_wait3A_174 = tpu.memref_slice %arg10[%dma_wait3A_170, %dma_wait3A_172, %dma_wait3A_173] : memref<8x128x8xf32, #tpu.memory_space<vmem>> -> memref<1x128x8xf32, #tpu.memory_space<vmem>>
      %dma_wait3A_175 = tpu.memref_squeeze %dma_wait3A_174 : memref<1x128x8xf32, #tpu.memory_space<vmem>> -> memref<128x8xf32, #tpu.memory_space<vmem>>
      %dma_wait3A_176 = arith.constant 0 : i32
      %dma_wait3A_177 = tpu.memref_slice %arg8[%add3A_30, %dma_wait3A_176] : memref<80x128xi32, #tpu.memory_space<vmem>> -> memref<1x128xi32, #tpu.memory_space<vmem>>
      %dma_wait3A_178 = tpu.memref_squeeze %dma_wait3A_177 : memref<1x128xi32, #tpu.memory_space<vmem>> -> memref<128xi32, #tpu.memory_space<vmem>>
      %dma_wait3A_179 = arith.constant 0 : i32
      %dma_wait3A_180 = arith.constant 0 : i32
      %dma_wait3A_181 = tpu.memref_slice %arg2[%dma_wait3A_179, %dma_wait3A_180] : memref<10016x8xf32, #tpu.memory_space<hbm>> -> memref<10016x8xf32, #tpu.memory_space<hbm>>
      %dma_wait3A_182 = tpu.memref_slice %arg12[%dma_wait3A_171] : memref<8x!tpu.dma_semaphore, #tpu.memory_space<semaphore_mem>> -> memref<1x!tpu.dma_semaphore, #tpu.memory_space<semaphore_mem>>
      %dma_wait3A_183 = tpu.memref_squeeze %dma_wait3A_182 : memref<1x!tpu.dma_semaphore, #tpu.memory_space<semaphore_mem>> -> memref<!tpu.dma_semaphore, #tpu.memory_space<semaphore_mem>>
      tpu.wait_indirect_dma semaphore(%dma_wait3A_183 : memref<!tpu.dma_semaphore, #tpu.memory_space<semaphore_mem>>) src(%dma_wait3A_181 : memref<10016x8xf32, #tpu.memory_space<hbm>>) dst(%dma_wait3A_175 : memref<128x8xf32, #tpu.memory_space<vmem>>)
      %add3A_184 = arith.constant 1 : i32
      %add3A_185 = arith.addi %mul3A_14, %add3A_184 : i32
      %dma_start3A_186 = arith.constant 1 : i32
      %dma_start3A_187 = arith.constant 1 : i32
      %dma_start3A_188 = arith.constant 0 : i32
      %dma_start3A_189 = arith.constant 0 : i32
      %dma_start3A_190 = tpu.memref_slice %arg10[%dma_start3A_186, %dma_start3A_188, %dma_start3A_189] : memref<8x128x8xf32, #tpu.memory_space<vmem>> -> memref<1x128x8xf32, #tpu.memory_space<vmem>>
      %dma_start3A_191 = tpu.memref_squeeze %dma_start3A_190 : memref<1x128x8xf32, #tpu.memory_space<vmem>> -> memref<128x8xf32, #tpu.memory_space<vmem>>
      %dma_start3A_192 = arith.constant 0 : i32
      %dma_start3A_193 = tpu.memref_slice %arg9[%add3A_185, %dma_start3A_192] : memref<80x128xi32, #tpu.memory_space<vmem>> -> memref<1x128xi32, #tpu.memory_space<vmem>>
      %dma_start3A_194 = tpu.memref_squeeze %dma_start3A_193 : memref<1x128xi32, #tpu.memory_space<vmem>> -> memref<128xi32, #tpu.memory_space<vmem>>
      %dma_start3A_195 = arith.constant 0 : i32
      %dma_start3A_196 = arith.constant 0 : i32
      %dma_start3A_197 = tpu.memref_slice %arg7[%dma_start3A_195, %dma_start3A_196] : memref<5008x8xf32, #tpu.memory_space<vmem_shared>> -> memref<5008x8xf32, #tpu.memory_space<vmem_shared>>
      %dma_start3A_198 = tpu.memref_slice %arg13[%dma_start3A_187] : memref<8x!tpu.dma_semaphore, #tpu.memory_space<semaphore_mem>> -> memref<1x!tpu.dma_semaphore, #tpu.memory_space<semaphore_mem>>
      %dma_start3A_199 = tpu.memref_squeeze %dma_start3A_198 : memref<1x!tpu.dma_semaphore, #tpu.memory_space<semaphore_mem>> -> memref<!tpu.dma_semaphore, #tpu.memory_space<semaphore_mem>>
      tpu.enqueue_indirect_dma source(%dma_start3A_191 : memref<128x8xf32, #tpu.memory_space<vmem>>) target(%dma_start3A_197 : memref<5008x8xf32, #tpu.memory_space<vmem_shared>>) offsets(%dma_start3A_194 : memref<128xi32, #tpu.memory_space<vmem>>) semaphore(%dma_start3A_199 : memref<!tpu.dma_semaphore, #tpu.memory_space<semaphore_mem>>) {add = true}
      %dma_wait3A_200 = arith.constant 2 : i32
      %dma_wait3A_201 = arith.constant 2 : i32
      %dma_wait3A_202 = arith.constant 0 : i32
      %dma_wait3A_203 = arith.constant 0 : i32
      %dma_wait3A_204 = tpu.memref_slice %arg10[%dma_wait3A_200, %dma_wait3A_202, %dma_wait3A_203] : memref<8x128x8xf32, #tpu.memory_space<vmem>> -> memref<1x128x8xf32, #tpu.memory_space<vmem>>
      %dma_wait3A_205 = tpu.memref_squeeze %dma_wait3A_204 : memref<1x128x8xf32, #tpu.memory_space<vmem>> -> memref<128x8xf32, #tpu.memory_space<vmem>>
      %dma_wait3A_206 = arith.constant 0 : i32
      %dma_wait3A_207 = tpu.memref_slice %arg8[%add3A_46, %dma_wait3A_206] : memref<80x128xi32, #tpu.memory_space<vmem>> -> memref<1x128xi32, #tpu.memory_space<vmem>>
      %dma_wait3A_208 = tpu.memref_squeeze %dma_wait3A_207 : memref<1x128xi32, #tpu.memory_space<vmem>> -> memref<128xi32, #tpu.memory_space<vmem>>
      %dma_wait3A_209 = arith.constant 0 : i32
      %dma_wait3A_210 = arith.constant 0 : i32
      %dma_wait3A_211 = tpu.memref_slice %arg2[%dma_wait3A_209, %dma_wait3A_210] : memref<10016x8xf32, #tpu.memory_space<hbm>> -> memref<10016x8xf32, #tpu.memory_space<hbm>>
      %dma_wait3A_212 = tpu.memref_slice %arg12[%dma_wait3A_201] : memref<8x!tpu.dma_semaphore, #tpu.memory_space<semaphore_mem>> -> memref<1x!tpu.dma_semaphore, #tpu.memory_space<semaphore_mem>>
      %dma_wait3A_213 = tpu.memref_squeeze %dma_wait3A_212 : memref<1x!tpu.dma_semaphore, #tpu.memory_space<semaphore_mem>> -> memref<!tpu.dma_semaphore, #tpu.memory_space<semaphore_mem>>
      tpu.wait_indirect_dma semaphore(%dma_wait3A_213 : memref<!tpu.dma_semaphore, #tpu.memory_space<semaphore_mem>>) src(%dma_wait3A_211 : memref<10016x8xf32, #tpu.memory_space<hbm>>) dst(%dma_wait3A_205 : memref<128x8xf32, #tpu.memory_space<vmem>>)
      %add3A_214 = arith.constant 2 : i32
      %add3A_215 = arith.addi %mul3A_14, %add3A_214 : i32
      %dma_start3A_216 = arith.constant 2 : i32
      %dma_start3A_217 = arith.constant 2 : i32
      %dma_start3A_218 = arith.constant 0 : i32
      %dma_start3A_219 = arith.constant 0 : i32
      %dma_start3A_220 = tpu.memref_slice %arg10[%dma_start3A_216, %dma_start3A_218, %dma_start3A_219] : memref<8x128x8xf32, #tpu.memory_space<vmem>> -> memref<1x128x8xf32, #tpu.memory_space<vmem>>
      %dma_start3A_221 = tpu.memref_squeeze %dma_start3A_220 : memref<1x128x8xf32, #tpu.memory_space<vmem>> -> memref<128x8xf32, #tpu.memory_space<vmem>>
      %dma_start3A_222 = arith.constant 0 : i32
      %dma_start3A_223 = tpu.memref_slice %arg9[%add3A_215, %dma_start3A_222] : memref<80x128xi32, #tpu.memory_space<vmem>> -> memref<1x128xi32, #tpu.memory_space<vmem>>
      %dma_start3A_224 = tpu.memref_squeeze %dma_start3A_223 : memref<1x128xi32, #tpu.memory_space<vmem>> -> memref<128xi32, #tpu.memory_space<vmem>>
      %dma_start3A_225 = arith.constant 0 : i32
      %dma_start3A_226 = arith.constant 0 : i32
      %dma_start3A_227 = tpu.memref_slice %arg7[%dma_start3A_225, %dma_start3A_226] : memref<5008x8xf32, #tpu.memory_space<vmem_shared>> -> memref<5008x8xf32, #tpu.memory_space<vmem_shared>>
      %dma_start3A_228 = tpu.memref_slice %arg13[%dma_start3A_217] : memref<8x!tpu.dma_semaphore, #tpu.memory_space<semaphore_mem>> -> memref<1x!tpu.dma_semaphore, #tpu.memory_space<semaphore_mem>>
      %dma_start3A_229 = tpu.memref_squeeze %dma_start3A_228 : memref<1x!tpu.dma_semaphore, #tpu.memory_space<semaphore_mem>> -> memref<!tpu.dma_semaphore, #tpu.memory_space<semaphore_mem>>
      tpu.enqueue_indirect_dma source(%dma_start3A_221 : memref<128x8xf32, #tpu.memory_space<vmem>>) target(%dma_start3A_227 : memref<5008x8xf32, #tpu.memory_space<vmem_shared>>) offsets(%dma_start3A_224 : memref<128xi32, #tpu.memory_space<vmem>>) semaphore(%dma_start3A_229 : memref<!tpu.dma_semaphore, #tpu.memory_space<semaphore_mem>>) {add = true}
      %dma_wait3A_230 = arith.constant 3 : i32
      %dma_wait3A_231 = arith.constant 3 : i32
      %dma_wait3A_232 = arith.constant 0 : i32
      %dma_wait3A_233 = arith.constant 0 : i32
      %dma_wait3A_234 = tpu.memref_slice %arg10[%dma_wait3A_230, %dma_wait3A_232, %dma_wait3A_233] : memref<8x128x8xf32, #tpu.memory_space<vmem>> -> memref<1x128x8xf32, #tpu.memory_space<vmem>>
      %dma_wait3A_235 = tpu.memref_squeeze %dma_wait3A_234 : memref<1x128x8xf32, #tpu.memory_space<vmem>> -> memref<128x8xf32, #tpu.memory_space<vmem>>
      %dma_wait3A_236 = arith.constant 0 : i32
      %dma_wait3A_237 = tpu.memref_slice %arg8[%add3A_62, %dma_wait3A_236] : memref<80x128xi32, #tpu.memory_space<vmem>> -> memref<1x128xi32, #tpu.memory_space<vmem>>
      %dma_wait3A_238 = tpu.memref_squeeze %dma_wait3A_237 : memref<1x128xi32, #tpu.memory_space<vmem>> -> memref<128xi32, #tpu.memory_space<vmem>>
      %dma_wait3A_239 = arith.constant 0 : i32
      %dma_wait3A_240 = arith.constant 0 : i32
      %dma_wait3A_241 = tpu.memref_slice %arg2[%dma_wait3A_239, %dma_wait3A_240] : memref<10016x8xf32, #tpu.memory_space<hbm>> -> memref<10016x8xf32, #tpu.memory_space<hbm>>
      %dma_wait3A_242 = tpu.memref_slice %arg12[%dma_wait3A_231] : memref<8x!tpu.dma_semaphore, #tpu.memory_space<semaphore_mem>> -> memref<1x!tpu.dma_semaphore, #tpu.memory_space<semaphore_mem>>
      %dma_wait3A_243 = tpu.memref_squeeze %dma_wait3A_242 : memref<1x!tpu.dma_semaphore, #tpu.memory_space<semaphore_mem>> -> memref<!tpu.dma_semaphore, #tpu.memory_space<semaphore_mem>>
      tpu.wait_indirect_dma semaphore(%dma_wait3A_243 : memref<!tpu.dma_semaphore, #tpu.memory_space<semaphore_mem>>) src(%dma_wait3A_241 : memref<10016x8xf32, #tpu.memory_space<hbm>>) dst(%dma_wait3A_235 : memref<128x8xf32, #tpu.memory_space<vmem>>)
      %add3A_244 = arith.constant 3 : i32
      %add3A_245 = arith.addi %mul3A_14, %add3A_244 : i32
      %dma_start3A_246 = arith.constant 3 : i32
      %dma_start3A_247 = arith.constant 3 : i32
      %dma_start3A_248 = arith.constant 0 : i32
      %dma_start3A_249 = arith.constant 0 : i32
      %dma_start3A_250 = tpu.memref_slice %arg10[%dma_start3A_246, %dma_start3A_248, %dma_start3A_249] : memref<8x128x8xf32, #tpu.memory_space<vmem>> -> memref<1x128x8xf32, #tpu.memory_space<vmem>>
      %dma_start3A_251 = tpu.memref_squeeze %dma_start3A_250 : memref<1x128x8xf32, #tpu.memory_space<vmem>> -> memref<128x8xf32, #tpu.memory_space<vmem>>
      %dma_start3A_252 = arith.constant 0 : i32
      %dma_start3A_253 = tpu.memref_slice %arg9[%add3A_245, %dma_start3A_252] : memref<80x128xi32, #tpu.memory_space<vmem>> -> memref<1x128xi32, #tpu.memory_space<vmem>>
      %dma_start3A_254 = tpu.memref_squeeze %dma_start3A_253 : memref<1x128xi32, #tpu.memory_space<vmem>> -> memref<128xi32, #tpu.memory_space<vmem>>
      %dma_start3A_255 = arith.constant 0 : i32
      %dma_start3A_256 = arith.constant 0 : i32
      %dma_start3A_257 = tpu.memref_slice %arg7[%dma_start3A_255, %dma_start3A_256] : memref<5008x8xf32, #tpu.memory_space<vmem_shared>> -> memref<5008x8xf32, #tpu.memory_space<vmem_shared>>
      %dma_start3A_258 = tpu.memref_slice %arg13[%dma_start3A_247] : memref<8x!tpu.dma_semaphore, #tpu.memory_space<semaphore_mem>> -> memref<1x!tpu.dma_semaphore, #tpu.memory_space<semaphore_mem>>
      %dma_start3A_259 = tpu.memref_squeeze %dma_start3A_258 : memref<1x!tpu.dma_semaphore, #tpu.memory_space<semaphore_mem>> -> memref<!tpu.dma_semaphore, #tpu.memory_space<semaphore_mem>>
      tpu.enqueue_indirect_dma source(%dma_start3A_251 : memref<128x8xf32, #tpu.memory_space<vmem>>) target(%dma_start3A_257 : memref<5008x8xf32, #tpu.memory_space<vmem_shared>>) offsets(%dma_start3A_254 : memref<128xi32, #tpu.memory_space<vmem>>) semaphore(%dma_start3A_259 : memref<!tpu.dma_semaphore, #tpu.memory_space<semaphore_mem>>) {add = true}
      %dma_wait3A_260 = arith.constant 4 : i32
      %dma_wait3A_261 = arith.constant 4 : i32
      %dma_wait3A_262 = arith.constant 0 : i32
      %dma_wait3A_263 = arith.constant 0 : i32
      %dma_wait3A_264 = tpu.memref_slice %arg10[%dma_wait3A_260, %dma_wait3A_262, %dma_wait3A_263] : memref<8x128x8xf32, #tpu.memory_space<vmem>> -> memref<1x128x8xf32, #tpu.memory_space<vmem>>
      %dma_wait3A_265 = tpu.memref_squeeze %dma_wait3A_264 : memref<1x128x8xf32, #tpu.memory_space<vmem>> -> memref<128x8xf32, #tpu.memory_space<vmem>>
      %dma_wait3A_266 = arith.constant 0 : i32
      %dma_wait3A_267 = tpu.memref_slice %arg8[%add3A_78, %dma_wait3A_266] : memref<80x128xi32, #tpu.memory_space<vmem>> -> memref<1x128xi32, #tpu.memory_space<vmem>>
      %dma_wait3A_268 = tpu.memref_squeeze %dma_wait3A_267 : memref<1x128xi32, #tpu.memory_space<vmem>> -> memref<128xi32, #tpu.memory_space<vmem>>
      %dma_wait3A_269 = arith.constant 0 : i32
      %dma_wait3A_270 = arith.constant 0 : i32
      %dma_wait3A_271 = tpu.memref_slice %arg2[%dma_wait3A_269, %dma_wait3A_270] : memref<10016x8xf32, #tpu.memory_space<hbm>> -> memref<10016x8xf32, #tpu.memory_space<hbm>>
      %dma_wait3A_272 = tpu.memref_slice %arg12[%dma_wait3A_261] : memref<8x!tpu.dma_semaphore, #tpu.memory_space<semaphore_mem>> -> memref<1x!tpu.dma_semaphore, #tpu.memory_space<semaphore_mem>>
      %dma_wait3A_273 = tpu.memref_squeeze %dma_wait3A_272 : memref<1x!tpu.dma_semaphore, #tpu.memory_space<semaphore_mem>> -> memref<!tpu.dma_semaphore, #tpu.memory_space<semaphore_mem>>
      tpu.wait_indirect_dma semaphore(%dma_wait3A_273 : memref<!tpu.dma_semaphore, #tpu.memory_space<semaphore_mem>>) src(%dma_wait3A_271 : memref<10016x8xf32, #tpu.memory_space<hbm>>) dst(%dma_wait3A_265 : memref<128x8xf32, #tpu.memory_space<vmem>>)
      %add3A_274 = arith.constant 4 : i32
      %add3A_275 = arith.addi %mul3A_14, %add3A_274 : i32
      %dma_start3A_276 = arith.constant 4 : i32
      %dma_start3A_277 = arith.constant 4 : i32
      %dma_start3A_278 = arith.constant 0 : i32
      %dma_start3A_279 = arith.constant 0 : i32
      %dma_start3A_280 = tpu.memref_slice %arg10[%dma_start3A_276, %dma_start3A_278, %dma_start3A_279] : memref<8x128x8xf32, #tpu.memory_space<vmem>> -> memref<1x128x8xf32, #tpu.memory_space<vmem>>
      %dma_start3A_281 = tpu.memref_squeeze %dma_start3A_280 : memref<1x128x8xf32, #tpu.memory_space<vmem>> -> memref<128x8xf32, #tpu.memory_space<vmem>>
      %dma_start3A_282 = arith.constant 0 : i32
      %dma_start3A_283 = tpu.memref_slice %arg9[%add3A_275, %dma_start3A_282] : memref<80x128xi32, #tpu.memory_space<vmem>> -> memref<1x128xi32, #tpu.memory_space<vmem>>
      %dma_start3A_284 = tpu.memref_squeeze %dma_start3A_283 : memref<1x128xi32, #tpu.memory_space<vmem>> -> memref<128xi32, #tpu.memory_space<vmem>>
      %dma_start3A_285 = arith.constant 0 : i32
      %dma_start3A_286 = arith.constant 0 : i32
      %dma_start3A_287 = tpu.memref_slice %arg7[%dma_start3A_285, %dma_start3A_286] : memref<5008x8xf32, #tpu.memory_space<vmem_shared>> -> memref<5008x8xf32, #tpu.memory_space<vmem_shared>>
      %dma_start3A_288 = tpu.memref_slice %arg13[%dma_start3A_277] : memref<8x!tpu.dma_semaphore, #tpu.memory_space<semaphore_mem>> -> memref<1x!tpu.dma_semaphore, #tpu.memory_space<semaphore_mem>>
      %dma_start3A_289 = tpu.memref_squeeze %dma_start3A_288 : memref<1x!tpu.dma_semaphore, #tpu.memory_space<semaphore_mem>> -> memref<!tpu.dma_semaphore, #tpu.memory_space<semaphore_mem>>
      tpu.enqueue_indirect_dma source(%dma_start3A_281 : memref<128x8xf32, #tpu.memory_space<vmem>>) target(%dma_start3A_287 : memref<5008x8xf32, #tpu.memory_space<vmem_shared>>) offsets(%dma_start3A_284 : memref<128xi32, #tpu.memory_space<vmem>>) semaphore(%dma_start3A_289 : memref<!tpu.dma_semaphore, #tpu.memory_space<semaphore_mem>>) {add = true}
      %dma_wait3A_290 = arith.constant 5 : i32
      %dma_wait3A_291 = arith.constant 5 : i32
      %dma_wait3A_292 = arith.constant 0 : i32
      %dma_wait3A_293 = arith.constant 0 : i32
      %dma_wait3A_294 = tpu.memref_slice %arg10[%dma_wait3A_290, %dma_wait3A_292, %dma_wait3A_293] : memref<8x128x8xf32, #tpu.memory_space<vmem>> -> memref<1x128x8xf32, #tpu.memory_space<vmem>>
      %dma_wait3A_295 = tpu.memref_squeeze %dma_wait3A_294 : memref<1x128x8xf32, #tpu.memory_space<vmem>> -> memref<128x8xf32, #tpu.memory_space<vmem>>
      %dma_wait3A_296 = arith.constant 0 : i32
      %dma_wait3A_297 = tpu.memref_slice %arg8[%add3A_94, %dma_wait3A_296] : memref<80x128xi32, #tpu.memory_space<vmem>> -> memref<1x128xi32, #tpu.memory_space<vmem>>
      %dma_wait3A_298 = tpu.memref_squeeze %dma_wait3A_297 : memref<1x128xi32, #tpu.memory_space<vmem>> -> memref<128xi32, #tpu.memory_space<vmem>>
      %dma_wait3A_299 = arith.constant 0 : i32
      %dma_wait3A_300 = arith.constant 0 : i32
      %dma_wait3A_301 = tpu.memref_slice %arg2[%dma_wait3A_299, %dma_wait3A_300] : memref<10016x8xf32, #tpu.memory_space<hbm>> -> memref<10016x8xf32, #tpu.memory_space<hbm>>
      %dma_wait3A_302 = tpu.memref_slice %arg12[%dma_wait3A_291] : memref<8x!tpu.dma_semaphore, #tpu.memory_space<semaphore_mem>> -> memref<1x!tpu.dma_semaphore, #tpu.memory_space<semaphore_mem>>
      %dma_wait3A_303 = tpu.memref_squeeze %dma_wait3A_302 : memref<1x!tpu.dma_semaphore, #tpu.memory_space<semaphore_mem>> -> memref<!tpu.dma_semaphore, #tpu.memory_space<semaphore_mem>>
      tpu.wait_indirect_dma semaphore(%dma_wait3A_303 : memref<!tpu.dma_semaphore, #tpu.memory_space<semaphore_mem>>) src(%dma_wait3A_301 : memref<10016x8xf32, #tpu.memory_space<hbm>>) dst(%dma_wait3A_295 : memref<128x8xf32, #tpu.memory_space<vmem>>)
      %add3A_304 = arith.constant 5 : i32
      %add3A_305 = arith.addi %mul3A_14, %add3A_304 : i32
      %dma_start3A_306 = arith.constant 5 : i32
      %dma_start3A_307 = arith.constant 5 : i32
      %dma_start3A_308 = arith.constant 0 : i32
      %dma_start3A_309 = arith.constant 0 : i32
      %dma_start3A_310 = tpu.memref_slice %arg10[%dma_start3A_306, %dma_start3A_308, %dma_start3A_309] : memref<8x128x8xf32, #tpu.memory_space<vmem>> -> memref<1x128x8xf32, #tpu.memory_space<vmem>>
      %dma_start3A_311 = tpu.memref_squeeze %dma_start3A_310 : memref<1x128x8xf32, #tpu.memory_space<vmem>> -> memref<128x8xf32, #tpu.memory_space<vmem>>
      %dma_start3A_312 = arith.constant 0 : i32
      %dma_start3A_313 = tpu.memref_slice %arg9[%add3A_305, %dma_start3A_312] : memref<80x128xi32, #tpu.memory_space<vmem>> -> memref<1x128xi32, #tpu.memory_space<vmem>>
      %dma_start3A_314 = tpu.memref_squeeze %dma_start3A_313 : memref<1x128xi32, #tpu.memory_space<vmem>> -> memref<128xi32, #tpu.memory_space<vmem>>
      %dma_start3A_315 = arith.constant 0 : i32
      %dma_start3A_316 = arith.constant 0 : i32
      %dma_start3A_317 = tpu.memref_slice %arg7[%dma_start3A_315, %dma_start3A_316] : memref<5008x8xf32, #tpu.memory_space<vmem_shared>> -> memref<5008x8xf32, #tpu.memory_space<vmem_shared>>
      %dma_start3A_318 = tpu.memref_slice %arg13[%dma_start3A_307] : memref<8x!tpu.dma_semaphore, #tpu.memory_space<semaphore_mem>> -> memref<1x!tpu.dma_semaphore, #tpu.memory_space<semaphore_mem>>
      %dma_start3A_319 = tpu.memref_squeeze %dma_start3A_318 : memref<1x!tpu.dma_semaphore, #tpu.memory_space<semaphore_mem>> -> memref<!tpu.dma_semaphore, #tpu.memory_space<semaphore_mem>>
      tpu.enqueue_indirect_dma source(%dma_start3A_311 : memref<128x8xf32, #tpu.memory_space<vmem>>) target(%dma_start3A_317 : memref<5008x8xf32, #tpu.memory_space<vmem_shared>>) offsets(%dma_start3A_314 : memref<128xi32, #tpu.memory_space<vmem>>) semaphore(%dma_start3A_319 : memref<!tpu.dma_semaphore, #tpu.memory_space<semaphore_mem>>) {add = true}
      %dma_wait3A_320 = arith.constant 6 : i32
      %dma_wait3A_321 = arith.constant 6 : i32
      %dma_wait3A_322 = arith.constant 0 : i32
      %dma_wait3A_323 = arith.constant 0 : i32
      %dma_wait3A_324 = tpu.memref_slice %arg10[%dma_wait3A_320, %dma_wait3A_322, %dma_wait3A_323] : memref<8x128x8xf32, #tpu.memory_space<vmem>> -> memref<1x128x8xf32, #tpu.memory_space<vmem>>
      %dma_wait3A_325 = tpu.memref_squeeze %dma_wait3A_324 : memref<1x128x8xf32, #tpu.memory_space<vmem>> -> memref<128x8xf32, #tpu.memory_space<vmem>>
      %dma_wait3A_326 = arith.constant 0 : i32
      %dma_wait3A_327 = tpu.memref_slice %arg8[%add3A_110, %dma_wait3A_326] : memref<80x128xi32, #tpu.memory_space<vmem>> -> memref<1x128xi32, #tpu.memory_space<vmem>>
      %dma_wait3A_328 = tpu.memref_squeeze %dma_wait3A_327 : memref<1x128xi32, #tpu.memory_space<vmem>> -> memref<128xi32, #tpu.memory_space<vmem>>
      %dma_wait3A_329 = arith.constant 0 : i32
      %dma_wait3A_330 = arith.constant 0 : i32
      %dma_wait3A_331 = tpu.memref_slice %arg2[%dma_wait3A_329, %dma_wait3A_330] : memref<10016x8xf32, #tpu.memory_space<hbm>> -> memref<10016x8xf32, #tpu.memory_space<hbm>>
      %dma_wait3A_332 = tpu.memref_slice %arg12[%dma_wait3A_321] : memref<8x!tpu.dma_semaphore, #tpu.memory_space<semaphore_mem>> -> memref<1x!tpu.dma_semaphore, #tpu.memory_space<semaphore_mem>>
      %dma_wait3A_333 = tpu.memref_squeeze %dma_wait3A_332 : memref<1x!tpu.dma_semaphore, #tpu.memory_space<semaphore_mem>> -> memref<!tpu.dma_semaphore, #tpu.memory_space<semaphore_mem>>
      tpu.wait_indirect_dma semaphore(%dma_wait3A_333 : memref<!tpu.dma_semaphore, #tpu.memory_space<semaphore_mem>>) src(%dma_wait3A_331 : memref<10016x8xf32, #tpu.memory_space<hbm>>) dst(%dma_wait3A_325 : memref<128x8xf32, #tpu.memory_space<vmem>>)
      %add3A_334 = arith.constant 6 : i32
      %add3A_335 = arith.addi %mul3A_14, %add3A_334 : i32
      %dma_start3A_336 = arith.constant 6 : i32
      %dma_start3A_337 = arith.constant 6 : i32
      %dma_start3A_338 = arith.constant 0 : i32
      %dma_start3A_339 = arith.constant 0 : i32
      %dma_start3A_340 = tpu.memref_slice %arg10[%dma_start3A_336, %dma_start3A_338, %dma_start3A_339] : memref<8x128x8xf32, #tpu.memory_space<vmem>> -> memref<1x128x8xf32, #tpu.memory_space<vmem>>
      %dma_start3A_341 = tpu.memref_squeeze %dma_start3A_340 : memref<1x128x8xf32, #tpu.memory_space<vmem>> -> memref<128x8xf32, #tpu.memory_space<vmem>>
      %dma_start3A_342 = arith.constant 0 : i32
      %dma_start3A_343 = tpu.memref_slice %arg9[%add3A_335, %dma_start3A_342] : memref<80x128xi32, #tpu.memory_space<vmem>> -> memref<1x128xi32, #tpu.memory_space<vmem>>
      %dma_start3A_344 = tpu.memref_squeeze %dma_start3A_343 : memref<1x128xi32, #tpu.memory_space<vmem>> -> memref<128xi32, #tpu.memory_space<vmem>>
      %dma_start3A_345 = arith.constant 0 : i32
      %dma_start3A_346 = arith.constant 0 : i32
      %dma_start3A_347 = tpu.memref_slice %arg7[%dma_start3A_345, %dma_start3A_346] : memref<5008x8xf32, #tpu.memory_space<vmem_shared>> -> memref<5008x8xf32, #tpu.memory_space<vmem_shared>>
      %dma_start3A_348 = tpu.memref_slice %arg13[%dma_start3A_337] : memref<8x!tpu.dma_semaphore, #tpu.memory_space<semaphore_mem>> -> memref<1x!tpu.dma_semaphore, #tpu.memory_space<semaphore_mem>>
      %dma_start3A_349 = tpu.memref_squeeze %dma_start3A_348 : memref<1x!tpu.dma_semaphore, #tpu.memory_space<semaphore_mem>> -> memref<!tpu.dma_semaphore, #tpu.memory_space<semaphore_mem>>
      tpu.enqueue_indirect_dma source(%dma_start3A_341 : memref<128x8xf32, #tpu.memory_space<vmem>>) target(%dma_start3A_347 : memref<5008x8xf32, #tpu.memory_space<vmem_shared>>) offsets(%dma_start3A_344 : memref<128xi32, #tpu.memory_space<vmem>>) semaphore(%dma_start3A_349 : memref<!tpu.dma_semaphore, #tpu.memory_space<semaphore_mem>>) {add = true}
      %dma_wait3A_350 = arith.constant 7 : i32
      %dma_wait3A_351 = arith.constant 7 : i32
      %dma_wait3A_352 = arith.constant 0 : i32
      %dma_wait3A_353 = arith.constant 0 : i32
      %dma_wait3A_354 = tpu.memref_slice %arg10[%dma_wait3A_350, %dma_wait3A_352, %dma_wait3A_353] : memref<8x128x8xf32, #tpu.memory_space<vmem>> -> memref<1x128x8xf32, #tpu.memory_space<vmem>>
      %dma_wait3A_355 = tpu.memref_squeeze %dma_wait3A_354 : memref<1x128x8xf32, #tpu.memory_space<vmem>> -> memref<128x8xf32, #tpu.memory_space<vmem>>
      %dma_wait3A_356 = arith.constant 0 : i32
      %dma_wait3A_357 = tpu.memref_slice %arg8[%add3A_126, %dma_wait3A_356] : memref<80x128xi32, #tpu.memory_space<vmem>> -> memref<1x128xi32, #tpu.memory_space<vmem>>
      %dma_wait3A_358 = tpu.memref_squeeze %dma_wait3A_357 : memref<1x128xi32, #tpu.memory_space<vmem>> -> memref<128xi32, #tpu.memory_space<vmem>>
      %dma_wait3A_359 = arith.constant 0 : i32
      %dma_wait3A_360 = arith.constant 0 : i32
      %dma_wait3A_361 = tpu.memref_slice %arg2[%dma_wait3A_359, %dma_wait3A_360] : memref<10016x8xf32, #tpu.memory_space<hbm>> -> memref<10016x8xf32, #tpu.memory_space<hbm>>
      %dma_wait3A_362 = tpu.memref_slice %arg12[%dma_wait3A_351] : memref<8x!tpu.dma_semaphore, #tpu.memory_space<semaphore_mem>> -> memref<1x!tpu.dma_semaphore, #tpu.memory_space<semaphore_mem>>
      %dma_wait3A_363 = tpu.memref_squeeze %dma_wait3A_362 : memref<1x!tpu.dma_semaphore, #tpu.memory_space<semaphore_mem>> -> memref<!tpu.dma_semaphore, #tpu.memory_space<semaphore_mem>>
      tpu.wait_indirect_dma semaphore(%dma_wait3A_363 : memref<!tpu.dma_semaphore, #tpu.memory_space<semaphore_mem>>) src(%dma_wait3A_361 : memref<10016x8xf32, #tpu.memory_space<hbm>>) dst(%dma_wait3A_355 : memref<128x8xf32, #tpu.memory_space<vmem>>)
      %add3A_364 = arith.constant 7 : i32
      %add3A_365 = arith.addi %mul3A_14, %add3A_364 : i32
      %dma_start3A_366 = arith.constant 7 : i32
      %dma_start3A_367 = arith.constant 7 : i32
      %dma_start3A_368 = arith.constant 0 : i32
      %dma_start3A_369 = arith.constant 0 : i32
      %dma_start3A_370 = tpu.memref_slice %arg10[%dma_start3A_366, %dma_start3A_368, %dma_start3A_369] : memref<8x128x8xf32, #tpu.memory_space<vmem>> -> memref<1x128x8xf32, #tpu.memory_space<vmem>>
      %dma_start3A_371 = tpu.memref_squeeze %dma_start3A_370 : memref<1x128x8xf32, #tpu.memory_space<vmem>> -> memref<128x8xf32, #tpu.memory_space<vmem>>
      %dma_start3A_372 = arith.constant 0 : i32
      %dma_start3A_373 = tpu.memref_slice %arg9[%add3A_365, %dma_start3A_372] : memref<80x128xi32, #tpu.memory_space<vmem>> -> memref<1x128xi32, #tpu.memory_space<vmem>>
      %dma_start3A_374 = tpu.memref_squeeze %dma_start3A_373 : memref<1x128xi32, #tpu.memory_space<vmem>> -> memref<128xi32, #tpu.memory_space<vmem>>
      %dma_start3A_375 = arith.constant 0 : i32
      %dma_start3A_376 = arith.constant 0 : i32
      %dma_start3A_377 = tpu.memref_slice %arg7[%dma_start3A_375, %dma_start3A_376] : memref<5008x8xf32, #tpu.memory_space<vmem_shared>> -> memref<5008x8xf32, #tpu.memory_space<vmem_shared>>
      %dma_start3A_378 = tpu.memref_slice %arg13[%dma_start3A_367] : memref<8x!tpu.dma_semaphore, #tpu.memory_space<semaphore_mem>> -> memref<1x!tpu.dma_semaphore, #tpu.memory_space<semaphore_mem>>
      %dma_start3A_379 = tpu.memref_squeeze %dma_start3A_378 : memref<1x!tpu.dma_semaphore, #tpu.memory_space<semaphore_mem>> -> memref<!tpu.dma_semaphore, #tpu.memory_space<semaphore_mem>>
      tpu.enqueue_indirect_dma source(%dma_start3A_371 : memref<128x8xf32, #tpu.memory_space<vmem>>) target(%dma_start3A_377 : memref<5008x8xf32, #tpu.memory_space<vmem_shared>>) offsets(%dma_start3A_374 : memref<128xi32, #tpu.memory_space<vmem>>) semaphore(%dma_start3A_379 : memref<!tpu.dma_semaphore, #tpu.memory_space<semaphore_mem>>) {add = true}
      %dma_wait3A_380 = arith.constant 0 : i32
      %dma_wait3A_381 = arith.constant 0 : i32
      %dma_wait3A_382 = arith.constant 0 : i32
      %dma_wait3A_383 = arith.constant 0 : i32
      %dma_wait3A_384 = tpu.memref_slice %arg10[%dma_wait3A_380, %dma_wait3A_382, %dma_wait3A_383] : memref<8x128x8xf32, #tpu.memory_space<vmem>> -> memref<1x128x8xf32, #tpu.memory_space<vmem>>
      %dma_wait3A_385 = tpu.memref_squeeze %dma_wait3A_384 : memref<1x128x8xf32, #tpu.memory_space<vmem>> -> memref<128x8xf32, #tpu.memory_space<vmem>>
      %dma_wait3A_386 = arith.constant 0 : i32
      %dma_wait3A_387 = tpu.memref_slice %arg9[%add3A_155, %dma_wait3A_386] : memref<80x128xi32, #tpu.memory_space<vmem>> -> memref<1x128xi32, #tpu.memory_space<vmem>>
      %dma_wait3A_388 = tpu.memref_squeeze %dma_wait3A_387 : memref<1x128xi32, #tpu.memory_space<vmem>> -> memref<128xi32, #tpu.memory_space<vmem>>
      %dma_wait3A_389 = arith.constant 0 : i32
      %dma_wait3A_390 = arith.constant 0 : i32
      %dma_wait3A_391 = tpu.memref_slice %arg7[%dma_wait3A_389, %dma_wait3A_390] : memref<5008x8xf32, #tpu.memory_space<vmem_shared>> -> memref<5008x8xf32, #tpu.memory_space<vmem_shared>>
      %dma_wait3A_392 = tpu.memref_slice %arg13[%dma_wait3A_381] : memref<8x!tpu.dma_semaphore, #tpu.memory_space<semaphore_mem>> -> memref<1x!tpu.dma_semaphore, #tpu.memory_space<semaphore_mem>>
      %dma_wait3A_393 = tpu.memref_squeeze %dma_wait3A_392 : memref<1x!tpu.dma_semaphore, #tpu.memory_space<semaphore_mem>> -> memref<!tpu.dma_semaphore, #tpu.memory_space<semaphore_mem>>
      tpu.wait_indirect_dma semaphore(%dma_wait3A_393 : memref<!tpu.dma_semaphore, #tpu.memory_space<semaphore_mem>>) src(%dma_wait3A_385 : memref<128x8xf32, #tpu.memory_space<vmem>>) dst(%dma_wait3A_391 : memref<5008x8xf32, #tpu.memory_space<vmem_shared>>)
      %dma_wait3A_394 = arith.constant 1 : i32
      %dma_wait3A_395 = arith.constant 1 : i32
      %dma_wait3A_396 = arith.constant 0 : i32
      %dma_wait3A_397 = arith.constant 0 : i32
      %dma_wait3A_398 = tpu.memref_slice %arg10[%dma_wait3A_394, %dma_wait3A_396, %dma_wait3A_397] : memref<8x128x8xf32, #tpu.memory_space<vmem>> -> memref<1x128x8xf32, #tpu.memory_space<vmem>>
      %dma_wait3A_399 = tpu.memref_squeeze %dma_wait3A_398 : memref<1x128x8xf32, #tpu.memory_space<vmem>> -> memref<128x8xf32, #tpu.memory_space<vmem>>
      %dma_wait3A_400 = arith.constant 0 : i32
      %dma_wait3A_401 = tpu.memref_slice %arg9[%add3A_185, %dma_wait3A_400] : memref<80x128xi32, #tpu.memory_space<vmem>> -> memref<1x128xi32, #tpu.memory_space<vmem>>
      %dma_wait3A_402 = tpu.memref_squeeze %dma_wait3A_401 : memref<1x128xi32, #tpu.memory_space<vmem>> -> memref<128xi32, #tpu.memory_space<vmem>>
      %dma_wait3A_403 = arith.constant 0 : i32
      %dma_wait3A_404 = arith.constant 0 : i32
      %dma_wait3A_405 = tpu.memref_slice %arg7[%dma_wait3A_403, %dma_wait3A_404] : memref<5008x8xf32, #tpu.memory_space<vmem_shared>> -> memref<5008x8xf32, #tpu.memory_space<vmem_shared>>
      %dma_wait3A_406 = tpu.memref_slice %arg13[%dma_wait3A_395] : memref<8x!tpu.dma_semaphore, #tpu.memory_space<semaphore_mem>> -> memref<1x!tpu.dma_semaphore, #tpu.memory_space<semaphore_mem>>
      %dma_wait3A_407 = tpu.memref_squeeze %dma_wait3A_406 : memref<1x!tpu.dma_semaphore, #tpu.memory_space<semaphore_mem>> -> memref<!tpu.dma_semaphore, #tpu.memory_space<semaphore_mem>>
      tpu.wait_indirect_dma semaphore(%dma_wait3A_407 : memref<!tpu.dma_semaphore, #tpu.memory_space<semaphore_mem>>) src(%dma_wait3A_399 : memref<128x8xf32, #tpu.memory_space<vmem>>) dst(%dma_wait3A_405 : memref<5008x8xf32, #tpu.memory_space<vmem_shared>>)
      %dma_wait3A_408 = arith.constant 2 : i32
      %dma_wait3A_409 = arith.constant 2 : i32
      %dma_wait3A_410 = arith.constant 0 : i32
      %dma_wait3A_411 = arith.constant 0 : i32
      %dma_wait3A_412 = tpu.memref_slice %arg10[%dma_wait3A_408, %dma_wait3A_410, %dma_wait3A_411] : memref<8x128x8xf32, #tpu.memory_space<vmem>> -> memref<1x128x8xf32, #tpu.memory_space<vmem>>
      %dma_wait3A_413 = tpu.memref_squeeze %dma_wait3A_412 : memref<1x128x8xf32, #tpu.memory_space<vmem>> -> memref<128x8xf32, #tpu.memory_space<vmem>>
      %dma_wait3A_414 = arith.constant 0 : i32
      %dma_wait3A_415 = tpu.memref_slice %arg9[%add3A_215, %dma_wait3A_414] : memref<80x128xi32, #tpu.memory_space<vmem>> -> memref<1x128xi32, #tpu.memory_space<vmem>>
      %dma_wait3A_416 = tpu.memref_squeeze %dma_wait3A_415 : memref<1x128xi32, #tpu.memory_space<vmem>> -> memref<128xi32, #tpu.memory_space<vmem>>
      %dma_wait3A_417 = arith.constant 0 : i32
      %dma_wait3A_418 = arith.constant 0 : i32
      %dma_wait3A_419 = tpu.memref_slice %arg7[%dma_wait3A_417, %dma_wait3A_418] : memref<5008x8xf32, #tpu.memory_space<vmem_shared>> -> memref<5008x8xf32, #tpu.memory_space<vmem_shared>>
      %dma_wait3A_420 = tpu.memref_slice %arg13[%dma_wait3A_409] : memref<8x!tpu.dma_semaphore, #tpu.memory_space<semaphore_mem>> -> memref<1x!tpu.dma_semaphore, #tpu.memory_space<semaphore_mem>>
      %dma_wait3A_421 = tpu.memref_squeeze %dma_wait3A_420 : memref<1x!tpu.dma_semaphore, #tpu.memory_space<semaphore_mem>> -> memref<!tpu.dma_semaphore, #tpu.memory_space<semaphore_mem>>
      tpu.wait_indirect_dma semaphore(%dma_wait3A_421 : memref<!tpu.dma_semaphore, #tpu.memory_space<semaphore_mem>>) src(%dma_wait3A_413 : memref<128x8xf32, #tpu.memory_space<vmem>>) dst(%dma_wait3A_419 : memref<5008x8xf32, #tpu.memory_space<vmem_shared>>)
      %dma_wait3A_422 = arith.constant 3 : i32
      %dma_wait3A_423 = arith.constant 3 : i32
      %dma_wait3A_424 = arith.constant 0 : i32
      %dma_wait3A_425 = arith.constant 0 : i32
      %dma_wait3A_426 = tpu.memref_slice %arg10[%dma_wait3A_422, %dma_wait3A_424, %dma_wait3A_425] : memref<8x128x8xf32, #tpu.memory_space<vmem>> -> memref<1x128x8xf32, #tpu.memory_space<vmem>>
      %dma_wait3A_427 = tpu.memref_squeeze %dma_wait3A_426 : memref<1x128x8xf32, #tpu.memory_space<vmem>> -> memref<128x8xf32, #tpu.memory_space<vmem>>
      %dma_wait3A_428 = arith.constant 0 : i32
      %dma_wait3A_429 = tpu.memref_slice %arg9[%add3A_245, %dma_wait3A_428] : memref<80x128xi32, #tpu.memory_space<vmem>> -> memref<1x128xi32, #tpu.memory_space<vmem>>
      %dma_wait3A_430 = tpu.memref_squeeze %dma_wait3A_429 : memref<1x128xi32, #tpu.memory_space<vmem>> -> memref<128xi32, #tpu.memory_space<vmem>>
      %dma_wait3A_431 = arith.constant 0 : i32
      %dma_wait3A_432 = arith.constant 0 : i32
      %dma_wait3A_433 = tpu.memref_slice %arg7[%dma_wait3A_431, %dma_wait3A_432] : memref<5008x8xf32, #tpu.memory_space<vmem_shared>> -> memref<5008x8xf32, #tpu.memory_space<vmem_shared>>
      %dma_wait3A_434 = tpu.memref_slice %arg13[%dma_wait3A_423] : memref<8x!tpu.dma_semaphore, #tpu.memory_space<semaphore_mem>> -> memref<1x!tpu.dma_semaphore, #tpu.memory_space<semaphore_mem>>
      %dma_wait3A_435 = tpu.memref_squeeze %dma_wait3A_434 : memref<1x!tpu.dma_semaphore, #tpu.memory_space<semaphore_mem>> -> memref<!tpu.dma_semaphore, #tpu.memory_space<semaphore_mem>>
      tpu.wait_indirect_dma semaphore(%dma_wait3A_435 : memref<!tpu.dma_semaphore, #tpu.memory_space<semaphore_mem>>) src(%dma_wait3A_427 : memref<128x8xf32, #tpu.memory_space<vmem>>) dst(%dma_wait3A_433 : memref<5008x8xf32, #tpu.memory_space<vmem_shared>>)
      %dma_wait3A_436 = arith.constant 4 : i32
      %dma_wait3A_437 = arith.constant 4 : i32
      %dma_wait3A_438 = arith.constant 0 : i32
      %dma_wait3A_439 = arith.constant 0 : i32
      %dma_wait3A_440 = tpu.memref_slice %arg10[%dma_wait3A_436, %dma_wait3A_438, %dma_wait3A_439] : memref<8x128x8xf32, #tpu.memory_space<vmem>> -> memref<1x128x8xf32, #tpu.memory_space<vmem>>
      %dma_wait3A_441 = tpu.memref_squeeze %dma_wait3A_440 : memref<1x128x8xf32, #tpu.memory_space<vmem>> -> memref<128x8xf32, #tpu.memory_space<vmem>>
      %dma_wait3A_442 = arith.constant 0 : i32
      %dma_wait3A_443 = tpu.memref_slice %arg9[%add3A_275, %dma_wait3A_442] : memref<80x128xi32, #tpu.memory_space<vmem>> -> memref<1x128xi32, #tpu.memory_space<vmem>>
      %dma_wait3A_444 = tpu.memref_squeeze %dma_wait3A_443 : memref<1x128xi32, #tpu.memory_space<vmem>> -> memref<128xi32, #tpu.memory_space<vmem>>
      %dma_wait3A_445 = arith.constant 0 : i32
      %dma_wait3A_446 = arith.constant 0 : i32
      %dma_wait3A_447 = tpu.memref_slice %arg7[%dma_wait3A_445, %dma_wait3A_446] : memref<5008x8xf32, #tpu.memory_space<vmem_shared>> -> memref<5008x8xf32, #tpu.memory_space<vmem_shared>>
      %dma_wait3A_448 = tpu.memref_slice %arg13[%dma_wait3A_437] : memref<8x!tpu.dma_semaphore, #tpu.memory_space<semaphore_mem>> -> memref<1x!tpu.dma_semaphore, #tpu.memory_space<semaphore_mem>>
      %dma_wait3A_449 = tpu.memref_squeeze %dma_wait3A_448 : memref<1x!tpu.dma_semaphore, #tpu.memory_space<semaphore_mem>> -> memref<!tpu.dma_semaphore, #tpu.memory_space<semaphore_mem>>
      tpu.wait_indirect_dma semaphore(%dma_wait3A_449 : memref<!tpu.dma_semaphore, #tpu.memory_space<semaphore_mem>>) src(%dma_wait3A_441 : memref<128x8xf32, #tpu.memory_space<vmem>>) dst(%dma_wait3A_447 : memref<5008x8xf32, #tpu.memory_space<vmem_shared>>)
      %dma_wait3A_450 = arith.constant 5 : i32
      %dma_wait3A_451 = arith.constant 5 : i32
      %dma_wait3A_452 = arith.constant 0 : i32
      %dma_wait3A_453 = arith.constant 0 : i32
      %dma_wait3A_454 = tpu.memref_slice %arg10[%dma_wait3A_450, %dma_wait3A_452, %dma_wait3A_453] : memref<8x128x8xf32, #tpu.memory_space<vmem>> -> memref<1x128x8xf32, #tpu.memory_space<vmem>>
      %dma_wait3A_455 = tpu.memref_squeeze %dma_wait3A_454 : memref<1x128x8xf32, #tpu.memory_space<vmem>> -> memref<128x8xf32, #tpu.memory_space<vmem>>
      %dma_wait3A_456 = arith.constant 0 : i32
      %dma_wait3A_457 = tpu.memref_slice %arg9[%add3A_305, %dma_wait3A_456] : memref<80x128xi32, #tpu.memory_space<vmem>> -> memref<1x128xi32, #tpu.memory_space<vmem>>
      %dma_wait3A_458 = tpu.memref_squeeze %dma_wait3A_457 : memref<1x128xi32, #tpu.memory_space<vmem>> -> memref<128xi32, #tpu.memory_space<vmem>>
      %dma_wait3A_459 = arith.constant 0 : i32
      %dma_wait3A_460 = arith.constant 0 : i32
      %dma_wait3A_461 = tpu.memref_slice %arg7[%dma_wait3A_459, %dma_wait3A_460] : memref<5008x8xf32, #tpu.memory_space<vmem_shared>> -> memref<5008x8xf32, #tpu.memory_space<vmem_shared>>
      %dma_wait3A_462 = tpu.memref_slice %arg13[%dma_wait3A_451] : memref<8x!tpu.dma_semaphore, #tpu.memory_space<semaphore_mem>> -> memref<1x!tpu.dma_semaphore, #tpu.memory_space<semaphore_mem>>
      %dma_wait3A_463 = tpu.memref_squeeze %dma_wait3A_462 : memref<1x!tpu.dma_semaphore, #tpu.memory_space<semaphore_mem>> -> memref<!tpu.dma_semaphore, #tpu.memory_space<semaphore_mem>>
      tpu.wait_indirect_dma semaphore(%dma_wait3A_463 : memref<!tpu.dma_semaphore, #tpu.memory_space<semaphore_mem>>) src(%dma_wait3A_455 : memref<128x8xf32, #tpu.memory_space<vmem>>) dst(%dma_wait3A_461 : memref<5008x8xf32, #tpu.memory_space<vmem_shared>>)
      %dma_wait3A_464 = arith.constant 6 : i32
      %dma_wait3A_465 = arith.constant 6 : i32
      %dma_wait3A_466 = arith.constant 0 : i32
      %dma_wait3A_467 = arith.constant 0 : i32
      %dma_wait3A_468 = tpu.memref_slice %arg10[%dma_wait3A_464, %dma_wait3A_466, %dma_wait3A_467] : memref<8x128x8xf32, #tpu.memory_space<vmem>> -> memref<1x128x8xf32, #tpu.memory_space<vmem>>
      %dma_wait3A_469 = tpu.memref_squeeze %dma_wait3A_468 : memref<1x128x8xf32, #tpu.memory_space<vmem>> -> memref<128x8xf32, #tpu.memory_space<vmem>>
      %dma_wait3A_470 = arith.constant 0 : i32
      %dma_wait3A_471 = tpu.memref_slice %arg9[%add3A_335, %dma_wait3A_470] : memref<80x128xi32, #tpu.memory_space<vmem>> -> memref<1x128xi32, #tpu.memory_space<vmem>>
      %dma_wait3A_472 = tpu.memref_squeeze %dma_wait3A_471 : memref<1x128xi32, #tpu.memory_space<vmem>> -> memref<128xi32, #tpu.memory_space<vmem>>
      %dma_wait3A_473 = arith.constant 0 : i32
      %dma_wait3A_474 = arith.constant 0 : i32
      %dma_wait3A_475 = tpu.memref_slice %arg7[%dma_wait3A_473, %dma_wait3A_474] : memref<5008x8xf32, #tpu.memory_space<vmem_shared>> -> memref<5008x8xf32, #tpu.memory_space<vmem_shared>>
      %dma_wait3A_476 = tpu.memref_slice %arg13[%dma_wait3A_465] : memref<8x!tpu.dma_semaphore, #tpu.memory_space<semaphore_mem>> -> memref<1x!tpu.dma_semaphore, #tpu.memory_space<semaphore_mem>>
      %dma_wait3A_477 = tpu.memref_squeeze %dma_wait3A_476 : memref<1x!tpu.dma_semaphore, #tpu.memory_space<semaphore_mem>> -> memref<!tpu.dma_semaphore, #tpu.memory_space<semaphore_mem>>
      tpu.wait_indirect_dma semaphore(%dma_wait3A_477 : memref<!tpu.dma_semaphore, #tpu.memory_space<semaphore_mem>>) src(%dma_wait3A_469 : memref<128x8xf32, #tpu.memory_space<vmem>>) dst(%dma_wait3A_475 : memref<5008x8xf32, #tpu.memory_space<vmem_shared>>)
      %dma_wait3A_478 = arith.constant 7 : i32
      %dma_wait3A_479 = arith.constant 7 : i32
      %dma_wait3A_480 = arith.constant 0 : i32
      %dma_wait3A_481 = arith.constant 0 : i32
      %dma_wait3A_482 = tpu.memref_slice %arg10[%dma_wait3A_478, %dma_wait3A_480, %dma_wait3A_481] : memref<8x128x8xf32, #tpu.memory_space<vmem>> -> memref<1x128x8xf32, #tpu.memory_space<vmem>>
      %dma_wait3A_483 = tpu.memref_squeeze %dma_wait3A_482 : memref<1x128x8xf32, #tpu.memory_space<vmem>> -> memref<128x8xf32, #tpu.memory_space<vmem>>
      %dma_wait3A_484 = arith.constant 0 : i32
      %dma_wait3A_485 = tpu.memref_slice %arg9[%add3A_365, %dma_wait3A_484] : memref<80x128xi32, #tpu.memory_space<vmem>> -> memref<1x128xi32, #tpu.memory_space<vmem>>
      %dma_wait3A_486 = tpu.memref_squeeze %dma_wait3A_485 : memref<1x128xi32, #tpu.memory_space<vmem>> -> memref<128xi32, #tpu.memory_space<vmem>>
      %dma_wait3A_487 = arith.constant 0 : i32
      %dma_wait3A_488 = arith.constant 0 : i32
      %dma_wait3A_489 = tpu.memref_slice %arg7[%dma_wait3A_487, %dma_wait3A_488] : memref<5008x8xf32, #tpu.memory_space<vmem_shared>> -> memref<5008x8xf32, #tpu.memory_space<vmem_shared>>
      %dma_wait3A_490 = tpu.memref_slice %arg13[%dma_wait3A_479] : memref<8x!tpu.dma_semaphore, #tpu.memory_space<semaphore_mem>> -> memref<1x!tpu.dma_semaphore, #tpu.memory_space<semaphore_mem>>
      %dma_wait3A_491 = tpu.memref_squeeze %dma_wait3A_490 : memref<1x!tpu.dma_semaphore, #tpu.memory_space<semaphore_mem>> -> memref<!tpu.dma_semaphore, #tpu.memory_space<semaphore_mem>>
      tpu.wait_indirect_dma semaphore(%dma_wait3A_491 : memref<!tpu.dma_semaphore, #tpu.memory_space<semaphore_mem>>) src(%dma_wait3A_483 : memref<128x8xf32, #tpu.memory_space<vmem>>) dst(%dma_wait3A_489 : memref<5008x8xf32, #tpu.memory_space<vmem_shared>>)
    }
    %scan3A_6 = arith.constant 10 : i32
    %barrier3A_7 = arith.constant 0 : index
    tpu.barrier barrier_id(%barrier3A_7)
    %eq3A_8 = arith.constant 0 : i32
    %eq3A_9 = arith.cmpi eq, %arg1, %eq3A_8 : i32
    %convert_element_type3A_10 = arith.extui %eq3A_9 : i1 to i32
    %cond3A_11 = arith.constant 0 : i32
    %cond3A_12 = arith.cmpi ne, %convert_element_type3A_10, %cond3A_11 : i32
    scf.if %cond3A_12 {
      "tpu.region"() ({
        %run_scoped3A = tpu.sem_alloc : memref<!tpu.dma_semaphore, #tpu.memory_space<semaphore_mem>>
        tpu.enqueue_dma source(%arg7 : memref<5008x8xf32, #tpu.memory_space<vmem_shared>>) target(%arg11 : memref<5008x8xf32, #tpu.memory_space<vmem>>) target_semaphore(%run_scoped3A : memref<!tpu.dma_semaphore, #tpu.memory_space<semaphore_mem>>)
        tpu.wait_dma2 semaphore(%run_scoped3A : memref<!tpu.dma_semaphore, #tpu.memory_space<semaphore_mem>>) src(%arg7 : memref<5008x8xf32, #tpu.memory_space<vmem_shared>>) dst(%arg11 : memref<5008x8xf32, #tpu.memory_space<vmem>>)
        tpu.yield
      }) : () -> ()
      %mul3A = arith.constant 5008 : i32
      %mul3A_13 = arith.muli %arg0, %mul3A : i32
      "tpu.region"() ({
        %run_scoped3A = tpu.sem_alloc : memref<!tpu.dma_semaphore, #tpu.memory_space<semaphore_mem>>
        %dma_start3A = arith.constant 0 : i32
        %dma_start3A_14 = tpu.memref_slice %arg6[%mul3A_13, %dma_start3A] : memref<10016x8xf32, #tpu.memory_space<hbm>> -> memref<5008x8xf32, #tpu.memory_space<hbm>>
        %dma_start3A_15 = arith.constant 0 : i32
        %dma_start3A_16 = tpu.memref_slice %arg6[%mul3A_13, %dma_start3A_15] : memref<10016x8xf32, #tpu.memory_space<hbm>> -> memref<5008x8xf32, #tpu.memory_space<hbm>>
        tpu.enqueue_dma source(%arg11 : memref<5008x8xf32, #tpu.memory_space<vmem>>) target(%dma_start3A_16 : memref<5008x8xf32, #tpu.memory_space<hbm>>) target_semaphore(%run_scoped3A : memref<!tpu.dma_semaphore, #tpu.memory_space<semaphore_mem>>)
        %dma_wait3A = arith.constant 0 : i32
        %dma_wait3A_17 = tpu.memref_slice %arg6[%mul3A_13, %dma_wait3A] : memref<10016x8xf32, #tpu.memory_space<hbm>> -> memref<5008x8xf32, #tpu.memory_space<hbm>>
        %dma_wait3A_18 = arith.constant 0 : i32
        %dma_wait3A_19 = tpu.memref_slice %arg6[%mul3A_13, %dma_wait3A_18] : memref<10016x8xf32, #tpu.memory_space<hbm>> -> memref<5008x8xf32, #tpu.memory_space<hbm>>
        tpu.wait_dma2 semaphore(%run_scoped3A : memref<!tpu.dma_semaphore, #tpu.memory_space<semaphore_mem>>) src(%arg11 : memref<5008x8xf32, #tpu.memory_space<vmem>>) dst(%dma_wait3A_19 : memref<5008x8xf32, #tpu.memory_space<hbm>>)
        tpu.yield
      }) : () -> ()
    } else {
    }
    return
  }
}

module attributes {stable_mosaic.version = 14 : i64} {
  func.func @_dense_body(%arg0: memref<5000x128xf32, #tpu.memory_space<vmem>>, %arg1: memref<5000x128xf32, #tpu.memory_space<vmem>>, %arg2: memref<128x128xf32, #tpu.memory_space<vmem>>, %arg3: memref<128x128xf32, #tpu.memory_space<vmem>>, %arg4: memref<128x128xf32, #tpu.memory_space<vmem>>, %arg5: memref<128x128xf32, #tpu.memory_space<vmem>>, %arg6: memref<128x64xf32, #tpu.memory_space<vmem>>, %arg7: memref<128x64xf32, #tpu.memory_space<vmem>>, %arg8: memref<128x64xf32, #tpu.memory_space<vmem>>, %arg9: memref<128x64xf32, #tpu.memory_space<vmem>>, %arg10: memref<64x2xf32, #tpu.memory_space<vmem>>, %arg11: memref<1x128xf32, #tpu.memory_space<vmem>>, %arg12: memref<1x128xf32, #tpu.memory_space<vmem>>, %arg13: memref<1x64xf32, #tpu.memory_space<vmem>>, %arg14: memref<1x64xf32, #tpu.memory_space<vmem>>, %arg15: memref<1x2xf32, #tpu.memory_space<vmem>>, %arg16: memref<2x160000xi32, #tpu.memory_space<vmem>>, %arg17: memref<2x160000xi32, #tpu.memory_space<vmem>>, %arg18: memref<3840xi32, #tpu.memory_space<vmem>>, %arg19: memref<3840xi32, #tpu.memory_space<vmem>>, %arg20: memref<2x2xf32, #tpu.memory_space<vmem>>, %arg21: memref<10016x8xf32, #tpu.memory_space<vmem>>, %arg22: memref<10016x8xf32, #tpu.memory_space<vmem>>, %arg23: memref<2x16x80x128xi32, #tpu.memory_space<vmem>>, %arg24: memref<2x16x80x128xi32, #tpu.memory_space<vmem>>, %arg25: memref<2x16x80x128xi32, #tpu.memory_space<vmem>>, %arg26: memref<2x16x10240xi32, #tpu.memory_space<vmem>>, %arg27: memref<2x16x10240xi32, #tpu.memory_space<vmem>>, %arg28: memref<2x32xf32, #tpu.memory_space<vmem>>) attributes {dimension_semantics = [], scalar_prefetch = 0 : i64, scratch_operands = 0 : i64, tpu.core_type = #tpu.core_type<tc>} {
    %get3A = arith.constant 0 : index
    %get3A_0 = arith.constant 0 : index
    %get3A_1 = vector.load %arg16[%get3A, %get3A_0] : memref<2x160000xi32, #tpu.memory_space<vmem>>, vector<2x160000xi32>
    %get3A_2 = arith.constant 0 : index
    %get3A_3 = arith.constant 0 : index
    %get3A_4 = vector.load %arg17[%get3A_2, %get3A_3] : memref<2x160000xi32, #tpu.memory_space<vmem>>, vector<2x160000xi32>
    %get3A_5 = arith.constant 0 : index
    %get3A_6 = vector.load %arg18[%get3A_5] : memref<3840xi32, #tpu.memory_space<vmem>>, vector<3840xi32>
    %get3A_7 = arith.constant 0 : index
    %get3A_8 = vector.load %arg19[%get3A_7] : memref<3840xi32, #tpu.memory_space<vmem>>, vector<3840xi32>
    %slice3A = vector.extract_strided_slice %get3A_1 {offsets = [0, 0], sizes = [1, 160000], strides = [1, 1]} : vector<2x160000xi32> to vector<1x160000xi32>
    %squeeze3A = vector.shape_cast %slice3A : vector<1x160000xi32> to vector<160000xi32>
    %concatenate3A = tpu.concatenate %squeeze3A, %get3A_6 in 0 : vector<160000xi32>, vector<3840xi32> -> vector<163840xi32>
    %slice3A_9 = vector.extract_strided_slice %get3A_1 {offsets = [1, 0], sizes = [1, 160000], strides = [1, 1]} : vector<2x160000xi32> to vector<1x160000xi32>
    %squeeze3A_10 = vector.shape_cast %slice3A_9 : vector<1x160000xi32> to vector<160000xi32>
    %concatenate3A_11 = tpu.concatenate %squeeze3A_10, %get3A_8 in 0 : vector<160000xi32>, vector<3840xi32> -> vector<163840xi32>
    %slice3A_12 = vector.extract_strided_slice %get3A_4 {offsets = [0, 0], sizes = [1, 160000], strides = [1, 1]} : vector<2x160000xi32> to vector<1x160000xi32>
    %squeeze3A_13 = vector.shape_cast %slice3A_12 : vector<1x160000xi32> to vector<160000xi32>
    %concatenate3A_14 = tpu.concatenate %squeeze3A_13, %get3A_6 in 0 : vector<160000xi32>, vector<3840xi32> -> vector<163840xi32>
    %slice3A_15 = vector.extract_strided_slice %get3A_4 {offsets = [1, 0], sizes = [1, 160000], strides = [1, 1]} : vector<2x160000xi32> to vector<1x160000xi32>
    %squeeze3A_16 = vector.shape_cast %slice3A_15 : vector<1x160000xi32> to vector<160000xi32>
    %concatenate3A_17 = tpu.concatenate %squeeze3A_16, %get3A_8 in 0 : vector<160000xi32>, vector<3840xi32> -> vector<163840xi32>
    %add3A = arith.constant 5008 : i32
    %add3A_18 = vector.broadcast %add3A : i32 to vector<163840xi32>
    %add3A_19 = arith.addi %concatenate3A_14, %add3A_18 : vector<163840xi32>
    %stack3A = vector.shape_cast %concatenate3A : vector<163840xi32> to vector<1x163840xi32>
    %stack3A_20 = vector.shape_cast %add3A_19 : vector<163840xi32> to vector<1x163840xi32>
    %stack3A_21 = tpu.concatenate %stack3A, %stack3A_20 in 0 : vector<1x163840xi32>, vector<1x163840xi32> -> vector<2x163840xi32>
    %reshape3A = vector.shape_cast %stack3A_21 : vector<2x163840xi32> to vector<2x16x80x128xi32>
    %swap3A = arith.constant 0 : index
    %swap3A_22 = arith.constant 0 : index
    %swap3A_23 = arith.constant 0 : index
    %swap3A_24 = arith.constant 0 : index
    %swap3A_25 = vector.load %arg23[%swap3A, %swap3A_22, %swap3A_23, %swap3A_24] : memref<2x16x80x128xi32, #tpu.memory_space<vmem>>, vector<2x16x80x128xi32>
    tpu.vector_store %arg23[%swap3A, %swap3A_22, %swap3A_23, %swap3A_24], %reshape3A {strides = array<i32>} : memref<2x16x80x128xi32, #tpu.memory_space<vmem>>, vector<2x16x80x128xi32>,
    %add3A_26 = arith.constant 5008 : i32
    %add3A_27 = vector.broadcast %add3A_26 : i32 to vector<163840xi32>
    %add3A_28 = arith.addi %concatenate3A, %add3A_27 : vector<163840xi32>
    %stack3A_29 = vector.shape_cast %add3A_28 : vector<163840xi32> to vector<1x163840xi32>
    %stack3A_30 = vector.shape_cast %concatenate3A_14 : vector<163840xi32> to vector<1x163840xi32>
    %stack3A_31 = tpu.concatenate %stack3A_29, %stack3A_30 in 0 : vector<1x163840xi32>, vector<1x163840xi32> -> vector<2x163840xi32>
    %reshape3A_32 = vector.shape_cast %stack3A_31 : vector<2x163840xi32> to vector<2x16x80x128xi32>
    %swap3A_33 = arith.constant 0 : index
    %swap3A_34 = arith.constant 0 : index
    %swap3A_35 = arith.constant 0 : index
    %swap3A_36 = arith.constant 0 : index
    %swap3A_37 = vector.load %arg24[%swap3A_33, %swap3A_34, %swap3A_35, %swap3A_36] : memref<2x16x80x128xi32, #tpu.memory_space<vmem>>, vector<2x16x80x128xi32>
    tpu.vector_store %arg24[%swap3A_33, %swap3A_34, %swap3A_35, %swap3A_36], %reshape3A_32 {strides = array<i32>} : memref<2x16x80x128xi32, #tpu.memory_space<vmem>>, vector<2x16x80x128xi32>,
    %stack3A_38 = vector.shape_cast %concatenate3A_11 : vector<163840xi32> to vector<1x163840xi32>
    %stack3A_39 = vector.shape_cast %concatenate3A_17 : vector<163840xi32> to vector<1x163840xi32>
    %stack3A_40 = tpu.concatenate %stack3A_38, %stack3A_39 in 0 : vector<1x163840xi32>, vector<1x163840xi32> -> vector<2x163840xi32>
    %reshape3A_41 = vector.shape_cast %stack3A_40 : vector<2x163840xi32> to vector<2x16x80x128xi32>
    %swap3A_42 = arith.constant 0 : index
    %swap3A_43 = arith.constant 0 : index
    %swap3A_44 = arith.constant 0 : index
    %swap3A_45 = arith.constant 0 : index
    %swap3A_46 = vector.load %arg25[%swap3A_42, %swap3A_43, %swap3A_44, %swap3A_45] : memref<2x16x80x128xi32, #tpu.memory_space<vmem>>, vector<2x16x80x128xi32>
    tpu.vector_store %arg25[%swap3A_42, %swap3A_43, %swap3A_44, %swap3A_45], %reshape3A_41 {strides = array<i32>} : memref<2x16x80x128xi32, #tpu.memory_space<vmem>>, vector<2x16x80x128xi32>,
    %add3A_47 = arith.constant 5008 : i32
    %add3A_48 = vector.broadcast %add3A_47 : i32 to vector<163840xi32>
    %add3A_49 = arith.addi %concatenate3A, %add3A_48 : vector<163840xi32>
    %mul3A = arith.constant 8 : i32
    %mul3A_50 = vector.broadcast %mul3A : i32 to vector<163840xi32>
    %mul3A_51 = arith.muli %add3A_49, %mul3A_50 : vector<163840xi32>
    %mul3A_52 = arith.constant 8 : i32
    %mul3A_53 = vector.broadcast %mul3A_52 : i32 to vector<163840xi32>
    %mul3A_54 = arith.muli %concatenate3A_14, %mul3A_53 : vector<163840xi32>
    %add3A_55 = arith.constant 2 : i32
    %add3A_56 = vector.broadcast %add3A_55 : i32 to vector<163840xi32>
    %add3A_57 = arith.addi %mul3A_54, %add3A_56 : vector<163840xi32>
    %stack3A_58 = vector.shape_cast %mul3A_51 : vector<163840xi32> to vector<1x163840xi32>
    %stack3A_59 = vector.shape_cast %add3A_57 : vector<163840xi32> to vector<1x163840xi32>
    %stack3A_60 = tpu.concatenate %stack3A_58, %stack3A_59 in 0 : vector<1x163840xi32>, vector<1x163840xi32> -> vector<2x163840xi32>
    %reshape3A_61 = vector.shape_cast %stack3A_60 : vector<2x163840xi32> to vector<2x16x10240xi32>
    %swap3A_62 = arith.constant 0 : index
    %swap3A_63 = arith.constant 0 : index
    %swap3A_64 = arith.constant 0 : index
    %swap3A_65 = vector.load %arg26[%swap3A_62, %swap3A_63, %swap3A_64] : memref<2x16x10240xi32, #tpu.memory_space<vmem>>, vector<2x16x10240xi32>
    tpu.vector_store %arg26[%swap3A_62, %swap3A_63, %swap3A_64], %reshape3A_61 {strides = array<i32>} : memref<2x16x10240xi32, #tpu.memory_space<vmem>>, vector<2x16x10240xi32>,
    %mul3A_66 = arith.constant 8 : i32
    %mul3A_67 = vector.broadcast %mul3A_66 : i32 to vector<163840xi32>
    %mul3A_68 = arith.muli %concatenate3A_11, %mul3A_67 : vector<163840xi32>
    %add3A_69 = arith.constant 2 : i32
    %add3A_70 = vector.broadcast %add3A_69 : i32 to vector<163840xi32>
    %add3A_71 = arith.addi %mul3A_68, %add3A_70 : vector<163840xi32>
    %add3A_72 = arith.constant 5008 : i32
    %add3A_73 = vector.broadcast %add3A_72 : i32 to vector<163840xi32>
    %add3A_74 = arith.addi %concatenate3A_17, %add3A_73 : vector<163840xi32>
    %mul3A_75 = arith.constant 8 : i32
    %mul3A_76 = vector.broadcast %mul3A_75 : i32 to vector<163840xi32>
    %mul3A_77 = arith.muli %add3A_74, %mul3A_76 : vector<163840xi32>
    %stack3A_78 = vector.shape_cast %add3A_71 : vector<163840xi32> to vector<1x163840xi32>
    %stack3A_79 = vector.shape_cast %mul3A_77 : vector<163840xi32> to vector<1x163840xi32>
    %stack3A_80 = tpu.concatenate %stack3A_78, %stack3A_79 in 0 : vector<1x163840xi32>, vector<1x163840xi32> -> vector<2x163840xi32>
    %reshape3A_81 = vector.shape_cast %stack3A_80 : vector<2x163840xi32> to vector<2x16x10240xi32>
    %swap3A_82 = arith.constant 0 : index
    %swap3A_83 = arith.constant 0 : index
    %swap3A_84 = arith.constant 0 : index
    %swap3A_85 = vector.load %arg27[%swap3A_82, %swap3A_83, %swap3A_84] : memref<2x16x10240xi32, #tpu.memory_space<vmem>>, vector<2x16x10240xi32>
    tpu.vector_store %arg27[%swap3A_82, %swap3A_83, %swap3A_84], %reshape3A_81 {strides = array<i32>} : memref<2x16x10240xi32, #tpu.memory_space<vmem>>, vector<2x16x10240xi32>,
    %get3A_86 = arith.constant 0 : index
    %get3A_87 = arith.constant 0 : index
    %get3A_88 = vector.load %arg20[%get3A_86, %get3A_87] : memref<2x2xf32, #tpu.memory_space<vmem>>, vector<2x2xf32>
    %broadcast_in_dim3A = vector.shape_cast %get3A_88 : vector<2x2xf32> to vector<2x2x1xf32>
    %broadcast_in_dim3A_89 = vector.shape_cast %broadcast_in_dim3A : vector<2x2x1xf32> to vector<2x2x1xf32>
    %broadcast_in_dim3A_90 = vector.broadcast %broadcast_in_dim3A_89 : vector<2x2x1xf32> to vector<2x2x16xf32>
    %reshape3A_91 = vector.shape_cast %broadcast_in_dim3A_90 : vector<2x2x16xf32> to vector<2x32xf32>
    %swap3A_92 = arith.constant 0 : index
    %swap3A_93 = arith.constant 0 : index
    %swap3A_94 = vector.load %arg28[%swap3A_92, %swap3A_93] : memref<2x32xf32, #tpu.memory_space<vmem>>, vector<2x32xf32>
    tpu.vector_store %arg28[%swap3A_92, %swap3A_93], %reshape3A_91 {strides = array<i32>} : memref<2x32xf32, #tpu.memory_space<vmem>>, vector<2x32xf32>,
    %get3A_95 = arith.constant 0 : index
    %get3A_96 = arith.constant 0 : index
    %get3A_97 = vector.load %arg10[%get3A_95, %get3A_96] : memref<64x2xf32, #tpu.memory_space<vmem>>, vector<64x2xf32>
    %get3A_98 = arith.constant 0 : index
    %get3A_99 = arith.constant 0 : index
    %get3A_100 = vector.load %arg8[%get3A_98, %get3A_99] : memref<128x64xf32, #tpu.memory_space<vmem>>, vector<128x64xf32>
    %dot_general3A = arith.constant dense<0.000000e+00> : vector<128x2xf32>
    %dot_general3A_101 = tpu.matmul %get3A_100, %get3A_97, %dot_general3A {dimension_numbers = #tpu.dot_dimension_numbers<[1], [0], [0], [1], [0, 0, 1, 1], [], []>, precision = #tpu.contract_precision<fp32>, transpose_lhs_hint = false} : vector<128x64xf32>, vector<64x2xf32>, vector<128x2xf32> -> vector<128x2xf32>
    %get3A_102 = arith.constant 0 : index
    %get3A_103 = arith.constant 0 : index
    %get3A_104 = vector.load %arg7[%get3A_102, %get3A_103] : memref<128x64xf32, #tpu.memory_space<vmem>>, vector<128x64xf32>
    %dot_general3A_105 = arith.constant dense<0.000000e+00> : vector<128x2xf32>
    %dot_general3A_106 = tpu.matmul %get3A_104, %get3A_97, %dot_general3A_105 {dimension_numbers = #tpu.dot_dimension_numbers<[1], [0], [0], [1], [0, 0, 1, 1], [], []>, precision = #tpu.contract_precision<fp32>, transpose_lhs_hint = false} : vector<128x64xf32>, vector<64x2xf32>, vector<128x2xf32> -> vector<128x2xf32>
    %get3A_107 = arith.constant 0 : index
    %get3A_108 = arith.constant 0 : index
    %get3A_109 = vector.load %arg6[%get3A_107, %get3A_108] : memref<128x64xf32, #tpu.memory_space<vmem>>, vector<128x64xf32>
    %dot_general3A_110 = arith.constant dense<0.000000e+00> : vector<128x2xf32>
    %dot_general3A_111 = tpu.matmul %get3A_109, %get3A_97, %dot_general3A_110 {dimension_numbers = #tpu.dot_dimension_numbers<[1], [0], [0], [1], [0, 0, 1, 1], [], []>, precision = #tpu.contract_precision<fp32>, transpose_lhs_hint = false} : vector<128x64xf32>, vector<64x2xf32>, vector<128x2xf32> -> vector<128x2xf32>
    %get3A_112 = arith.constant 0 : index
    %get3A_113 = arith.constant 0 : index
    %get3A_114 = vector.load %arg9[%get3A_112, %get3A_113] : memref<128x64xf32, #tpu.memory_space<vmem>>, vector<128x64xf32>
    %dot_general3A_115 = arith.constant dense<0.000000e+00> : vector<128x2xf32>
    %dot_general3A_116 = tpu.matmul %get3A_114, %get3A_97, %dot_general3A_115 {dimension_numbers = #tpu.dot_dimension_numbers<[1], [0], [0], [1], [0, 0, 1, 1], [], []>, precision = #tpu.contract_precision<fp32>, transpose_lhs_hint = false} : vector<128x64xf32>, vector<64x2xf32>, vector<128x2xf32> -> vector<128x2xf32>
    %broadcast_in_dim3A_117 = arith.constant 0.000000e+00 : f32
    %broadcast_in_dim3A_118 = vector.broadcast %broadcast_in_dim3A_117 : f32 to vector<128x4xf32>
    %concatenate3A_119 = tpu.concatenate %dot_general3A_101, %dot_general3A_106, %broadcast_in_dim3A_118 in 1 : vector<128x2xf32>, vector<128x2xf32>, vector<128x4xf32> -> vector<128x8xf32>
    %concatenate3A_120 = tpu.concatenate %dot_general3A_116, %dot_general3A_111, %broadcast_in_dim3A_118 in 1 : vector<128x2xf32>, vector<128x2xf32>, vector<128x4xf32> -> vector<128x8xf32>
    %get3A_121 = arith.constant 0 : index
    %get3A_122 = arith.constant 0 : index
    %get3A_123 = vector.load %arg13[%get3A_121, %get3A_122] : memref<1x64xf32, #tpu.memory_space<vmem>>, vector<1x64xf32>
    %dot_general3A_124 = arith.constant dense<0.000000e+00> : vector<1x2xf32>
    %dot_general3A_125 = tpu.matmul %get3A_123, %get3A_97, %dot_general3A_124 {dimension_numbers = #tpu.dot_dimension_numbers<[1], [0], [0], [1], [0, 0, 1, 1], [], []>, precision = #tpu.contract_precision<fp32>, transpose_lhs_hint = false} : vector<1x64xf32>, vector<64x2xf32>, vector<1x2xf32> -> vector<1x2xf32>
    %get3A_126 = arith.constant 0 : index
    %get3A_127 = arith.constant 0 : index
    %get3A_128 = vector.load %arg15[%get3A_126, %get3A_127] : memref<1x2xf32, #tpu.memory_space<vmem>>, vector<1x2xf32>
    %add3A_129 = arith.addf %dot_general3A_125, %get3A_128 : vector<1x2xf32>
    %get3A_130 = arith.constant 0 : index
    %get3A_131 = arith.constant 0 : index
    %get3A_132 = vector.load %arg14[%get3A_130, %get3A_131] : memref<1x64xf32, #tpu.memory_space<vmem>>, vector<1x64xf32>
    %dot_general3A_133 = arith.constant dense<0.000000e+00> : vector<1x2xf32>
    %dot_general3A_134 = tpu.matmul %get3A_132, %get3A_97, %dot_general3A_133 {dimension_numbers = #tpu.dot_dimension_numbers<[1], [0], [0], [1], [0, 0, 1, 1], [], []>, precision = #tpu.contract_precision<fp32>, transpose_lhs_hint = false} : vector<1x64xf32>, vector<64x2xf32>, vector<1x2xf32> -> vector<1x2xf32>
    %get3A_135 = arith.constant 0 : index
    %get3A_136 = arith.constant 0 : index
    %get3A_137 = vector.load %arg15[%get3A_135, %get3A_136] : memref<1x2xf32, #tpu.memory_space<vmem>>, vector<1x2xf32>
    %add3A_138 = arith.addf %dot_general3A_134, %get3A_137 : vector<1x2xf32>
    %broadcast_in_dim3A_139 = arith.constant 0.000000e+00 : f32
    %broadcast_in_dim3A_140 = vector.broadcast %broadcast_in_dim3A_139 : f32 to vector<1x2xf32>
    %broadcast_in_dim3A_141 = arith.constant 0.000000e+00 : f32
    %broadcast_in_dim3A_142 = vector.broadcast %broadcast_in_dim3A_141 : f32 to vector<1x4xf32>
    %get3A_143 = arith.constant 0 : index
    %get3A_144 = arith.constant 0 : index
    %get3A_145 = vector.load %arg11[%get3A_143, %get3A_144] : memref<1x128xf32, #tpu.memory_space<vmem>>, vector<1x128xf32>
    %dot_general3A_146 = arith.constant dense<0.000000e+00> : vector<1x8xf32>
    %dot_general3A_147 = tpu.matmul %get3A_145, %concatenate3A_119, %dot_general3A_146 {dimension_numbers = #tpu.dot_dimension_numbers<[1], [0], [0], [1], [0, 0, 1, 1], [], []>, precision = #tpu.contract_precision<fp32>, transpose_lhs_hint = false} : vector<1x128xf32>, vector<128x8xf32>, vector<1x8xf32> -> vector<1x8xf32>
    %concatenate3A_148 = tpu.concatenate %broadcast_in_dim3A_140, %add3A_129, %broadcast_in_dim3A_142 in 1 : vector<1x2xf32>, vector<1x2xf32>, vector<1x4xf32> -> vector<1x8xf32>
    %add3A_149 = arith.addf %dot_general3A_147, %concatenate3A_148 : vector<1x8xf32>
    %get3A_150 = arith.constant 0 : index
    %get3A_151 = arith.constant 0 : index
    %get3A_152 = vector.load %arg12[%get3A_150, %get3A_151] : memref<1x128xf32, #tpu.memory_space<vmem>>, vector<1x128xf32>
    %dot_general3A_153 = arith.constant dense<0.000000e+00> : vector<1x8xf32>
    %dot_general3A_154 = tpu.matmul %get3A_152, %concatenate3A_120, %dot_general3A_153 {dimension_numbers = #tpu.dot_dimension_numbers<[1], [0], [0], [1], [0, 0, 1, 1], [], []>, precision = #tpu.contract_precision<fp32>, transpose_lhs_hint = false} : vector<1x128xf32>, vector<128x8xf32>, vector<1x8xf32> -> vector<1x8xf32>
    %concatenate3A_155 = tpu.concatenate %add3A_138, %broadcast_in_dim3A_140, %broadcast_in_dim3A_142 in 1 : vector<1x2xf32>, vector<1x2xf32>, vector<1x4xf32> -> vector<1x8xf32>
    %add3A_156 = arith.addf %dot_general3A_154, %concatenate3A_155 : vector<1x8xf32>
    %get3A_157 = arith.constant 0 : index
    %get3A_158 = arith.constant 0 : index
    %get3A_159 = vector.load %arg2[%get3A_157, %get3A_158] : memref<128x128xf32, #tpu.memory_space<vmem>>, vector<128x128xf32>
    %dot_general3A_160 = arith.constant dense<0.000000e+00> : vector<128x8xf32>
    %dot_general3A_161 = tpu.matmul %get3A_159, %concatenate3A_119, %dot_general3A_160 {dimension_numbers = #tpu.dot_dimension_numbers<[1], [0], [0], [1], [0, 0, 1, 1], [], []>, precision = #tpu.contract_precision<fp32>, transpose_lhs_hint = false} : vector<128x128xf32>, vector<128x8xf32>, vector<128x8xf32> -> vector<128x8xf32>
    %get3A_162 = arith.constant 0 : index
    %get3A_163 = arith.constant 0 : index
    %get3A_164 = vector.load %arg5[%get3A_162, %get3A_163] : memref<128x128xf32, #tpu.memory_space<vmem>>, vector<128x128xf32>
    %dot_general3A_165 = arith.constant dense<0.000000e+00> : vector<128x8xf32>
    %dot_general3A_166 = tpu.matmul %get3A_164, %concatenate3A_120, %dot_general3A_165 {dimension_numbers = #tpu.dot_dimension_numbers<[1], [0], [0], [1], [0, 0, 1, 1], [], []>, precision = #tpu.contract_precision<fp32>, transpose_lhs_hint = false} : vector<128x128xf32>, vector<128x8xf32>, vector<128x8xf32> -> vector<128x8xf32>
    %concatenate3A_167 = tpu.concatenate %dot_general3A_161, %dot_general3A_166 in 1 : vector<128x8xf32>, vector<128x8xf32> -> vector<128x16xf32>
    %get3A_168 = arith.constant 0 : index
    %get3A_169 = arith.constant 0 : index
    %get3A_170 = vector.load %arg4[%get3A_168, %get3A_169] : memref<128x128xf32, #tpu.memory_space<vmem>>, vector<128x128xf32>
    %dot_general3A_171 = arith.constant dense<0.000000e+00> : vector<128x8xf32>
    %dot_general3A_172 = tpu.matmul %get3A_170, %concatenate3A_120, %dot_general3A_171 {dimension_numbers = #tpu.dot_dimension_numbers<[1], [0], [0], [1], [0, 0, 1, 1], [], []>, precision = #tpu.contract_precision<fp32>, transpose_lhs_hint = false} : vector<128x128xf32>, vector<128x8xf32>, vector<128x8xf32> -> vector<128x8xf32>
    %get3A_173 = arith.constant 0 : index
    %get3A_174 = arith.constant 0 : index
    %get3A_175 = vector.load %arg3[%get3A_173, %get3A_174] : memref<128x128xf32, #tpu.memory_space<vmem>>, vector<128x128xf32>
    %dot_general3A_176 = arith.constant dense<0.000000e+00> : vector<128x8xf32>
    %dot_general3A_177 = tpu.matmul %get3A_175, %concatenate3A_119, %dot_general3A_176 {dimension_numbers = #tpu.dot_dimension_numbers<[1], [0], [0], [1], [0, 0, 1, 1], [], []>, precision = #tpu.contract_precision<fp32>, transpose_lhs_hint = false} : vector<128x128xf32>, vector<128x8xf32>, vector<128x8xf32> -> vector<128x8xf32>
    %concatenate3A_178 = tpu.concatenate %dot_general3A_172, %dot_general3A_177 in 1 : vector<128x8xf32>, vector<128x8xf32> -> vector<128x16xf32>
    %get3A_179 = arith.constant 0 : index
    %get3A_180 = arith.constant 0 : index
    %get3A_181 = vector.load %arg0[%get3A_179, %get3A_180] : memref<5000x128xf32, #tpu.memory_space<vmem>>, vector<5000x128xf32>
    %dot_general3A_182 = arith.constant dense<0.000000e+00> : vector<5000x16xf32>
    %dot_general3A_183 = tpu.matmul %get3A_181, %concatenate3A_167, %dot_general3A_182 {dimension_numbers = #tpu.dot_dimension_numbers<[1], [0], [0], [1], [0, 0, 1, 1], [], []>, precision = #tpu.contract_precision<fp32>, transpose_lhs_hint = false} : vector<5000x128xf32>, vector<128x16xf32>, vector<5000x16xf32> -> vector<5000x16xf32>
    %get3A_184 = arith.constant 0 : index
    %get3A_185 = arith.constant 0 : index
    %get3A_186 = vector.load %arg1[%get3A_184, %get3A_185] : memref<5000x128xf32, #tpu.memory_space<vmem>>, vector<5000x128xf32>
    %dot_general3A_187 = arith.constant dense<0.000000e+00> : vector<5000x16xf32>
    %dot_general3A_188 = tpu.matmul %get3A_186, %concatenate3A_178, %dot_general3A_187 {dimension_numbers = #tpu.dot_dimension_numbers<[1], [0], [0], [1], [0, 0, 1, 1], [], []>, precision = #tpu.contract_precision<fp32>, transpose_lhs_hint = false} : vector<5000x128xf32>, vector<128x16xf32>, vector<5000x16xf32> -> vector<5000x16xf32>
    %broadcast_in_dim3A_189 = arith.constant 0.000000e+00 : f32
    %broadcast_in_dim3A_190 = vector.broadcast %broadcast_in_dim3A_189 : f32 to vector<8x8xf32>
    %slice3A_191 = vector.extract_strided_slice %dot_general3A_183 {offsets = [0, 0], sizes = [5000, 8], strides = [1, 1]} : vector<5000x16xf32> to vector<5000x8xf32>
    %swap3A_192 = arith.constant 0 : index
    %swap3A_193 = arith.constant 0 : index
    %swap3A_194 = vector.load %arg21[%swap3A_192, %swap3A_193] : memref<10016x8xf32, #tpu.memory_space<vmem>>, vector<5000x8xf32>
    tpu.vector_store %arg21[%swap3A_192, %swap3A_193], %slice3A_191 {strides = array<i32>} : memref<10016x8xf32, #tpu.memory_space<vmem>>, vector<5000x8xf32>,
    %swap3A_195 = arith.constant 5000 : index
    %swap3A_196 = arith.constant 0 : index
    %swap3A_197 = vector.load %arg21[%swap3A_195, %swap3A_196] : memref<10016x8xf32, #tpu.memory_space<vmem>>, vector<8x8xf32>
    tpu.vector_store %arg21[%swap3A_195, %swap3A_196], %broadcast_in_dim3A_190 {strides = array<i32>} : memref<10016x8xf32, #tpu.memory_space<vmem>>, vector<8x8xf32>,
    %slice3A_198 = vector.extract_strided_slice %dot_general3A_188 {offsets = [0, 0], sizes = [5000, 8], strides = [1, 1]} : vector<5000x16xf32> to vector<5000x8xf32>
    %swap3A_199 = arith.constant 5008 : index
    %swap3A_200 = arith.constant 0 : index
    %swap3A_201 = vector.load %arg21[%swap3A_199, %swap3A_200] : memref<10016x8xf32, #tpu.memory_space<vmem>>, vector<5000x8xf32>
    tpu.vector_store %arg21[%swap3A_199, %swap3A_200], %slice3A_198 {strides = array<i32>} : memref<10016x8xf32, #tpu.memory_space<vmem>>, vector<5000x8xf32>,
    %swap3A_202 = arith.constant 10008 : index
    %swap3A_203 = arith.constant 0 : index
    %swap3A_204 = vector.load %arg21[%swap3A_202, %swap3A_203] : memref<10016x8xf32, #tpu.memory_space<vmem>>, vector<8x8xf32>
    tpu.vector_store %arg21[%swap3A_202, %swap3A_203], %broadcast_in_dim3A_190 {strides = array<i32>} : memref<10016x8xf32, #tpu.memory_space<vmem>>, vector<8x8xf32>,
    %slice3A_205 = vector.extract_strided_slice %dot_general3A_188 {offsets = [0, 8], sizes = [5000, 8], strides = [1, 1]} : vector<5000x16xf32> to vector<5000x8xf32>
    %add3A_206 = vector.broadcast %add3A_149 : vector<1x8xf32> to vector<5000x8xf32>
    %add3A_207 = arith.addf %slice3A_205, %add3A_206 : vector<5000x8xf32>
    %swap3A_208 = arith.constant 0 : index
    %swap3A_209 = arith.constant 0 : index
    %swap3A_210 = vector.load %arg22[%swap3A_208, %swap3A_209] : memref<10016x8xf32, #tpu.memory_space<vmem>>, vector<5000x8xf32>
    tpu.vector_store %arg22[%swap3A_208, %swap3A_209], %add3A_207 {strides = array<i32>} : memref<10016x8xf32, #tpu.memory_space<vmem>>, vector<5000x8xf32>,
    %swap3A_211 = arith.constant 5000 : index
    %swap3A_212 = arith.constant 0 : index
    %swap3A_213 = vector.load %arg22[%swap3A_211, %swap3A_212] : memref<10016x8xf32, #tpu.memory_space<vmem>>, vector<8x8xf32>
    tpu.vector_store %arg22[%swap3A_211, %swap3A_212], %broadcast_in_dim3A_190 {strides = array<i32>} : memref<10016x8xf32, #tpu.memory_space<vmem>>, vector<8x8xf32>,
    %slice3A_214 = vector.extract_strided_slice %dot_general3A_183 {offsets = [0, 8], sizes = [5000, 8], strides = [1, 1]} : vector<5000x16xf32> to vector<5000x8xf32>
    %add3A_215 = vector.broadcast %add3A_156 : vector<1x8xf32> to vector<5000x8xf32>
    %add3A_216 = arith.addf %slice3A_214, %add3A_215 : vector<5000x8xf32>
    %swap3A_217 = arith.constant 5008 : index
    %swap3A_218 = arith.constant 0 : index
    %swap3A_219 = vector.load %arg22[%swap3A_217, %swap3A_218] : memref<10016x8xf32, #tpu.memory_space<vmem>>, vector<5000x8xf32>
    tpu.vector_store %arg22[%swap3A_217, %swap3A_218], %add3A_216 {strides = array<i32>} : memref<10016x8xf32, #tpu.memory_space<vmem>>, vector<5000x8xf32>,
    %swap3A_220 = arith.constant 10008 : index
    %swap3A_221 = arith.constant 0 : index
    %swap3A_222 = vector.load %arg22[%swap3A_220, %swap3A_221] : memref<10016x8xf32, #tpu.memory_space<vmem>>, vector<8x8xf32>
    tpu.vector_store %arg22[%swap3A_220, %swap3A_221], %broadcast_in_dim3A_190 {strides = array<i32>} : memref<10016x8xf32, #tpu.memory_space<vmem>>, vector<8x8xf32>,
    return
  }
}

</mosaic_0001>

<sc_bundles>
// kernel: kernel.12.cloned.1.call-start
scs
__scs_entry_jumppad:
0x0: {  	(pc) =	sbr.rel $0x88, $3  }
0x1: {  	(tag) =	ssettag $0x0;
	lr =	simm.s32 $0x1  }
0x2: {  	[smem:$0x3F8E] =	sst lr;
	_ =	strace $0xD0000000  }
0x3: {  	_ = 	snop  }
0x4: {  	_ = 	snop  }
0x5: {  	_ = 	snop  }
0x6: {  	_ = 	snop  }
0x7: {  	_ = 	snop  }
__scs_overlays_trampoline_lowered:
0x8: {  	[smem:$0x3F9D] =	sst s0  }
0x9: {  	[smem:$0x3F9E] =	sst s1  }
0xa: {  	[smem:$0x3F9F] =	sst s2  }
0xb: {  	[smem:$0x3FA0] =	sst s3  }
0xc: {  	[smem:$0x3FA1] =	sst s4  }
0xd: {  	[smem:$0x3FA2] =	sst s5  }
0xe: {  	[smem:$0x3FA3] =	sst s6  }
0xf: {  	[smem:$0x3FA4] =	sst s7  }
0x10: {  	[smem:$0x3FA5] =	sst s8  }
0x11: {  	[smem:$0x3FA6] =	sst s9;
	s0 =	simm.s32 @!p0 $0x0  }
0x12: {  	s1 =	sld [smem:$0x3F8C];
	s0 =	simm.s32 @p0 $0x1  }
0x13: {  	[smem:$0x3FA7] =	sst s0;
	s0 =	simm.s32 @!p1 $0x0  }
0x14: {  	s2 =	sld [smem:$0x3F8B];
	s0 =	simm.s32 @p1 $0x1  }
0x15: {  	[smem:$0x3FA8] =	sst s0;
	s0 =	simm.s32 @!p2 $0x0  }
0x16: {  	s3 =	sld [smem:$0x3FDB];
	s0 =	simm.s32 @p2 $0x1  }
0x17: {  	s4 =	simm.s32 $0x1BF5;
	[smem:$0x3FAA] =	sst s0  }
0x18: {  	s0 =	sld [smem:$0x3F8D];
	_ =	swait.ge [sflag:s4], $0x0  }
0x19: {  	s7 =	sld [smem:$0x3F8E]  }
0x1a: {  	s8 =	sadd.s32 $0xFFFFE003, lr  }
0x1b: {  	s9 =	sadd.s32 $0xFFFFFEF7, lr;
	s5 =	simm.s32 $0xFFFFFFFF;
	p2 =	slt.u32 s8, $0xFFFFF086  }
0x1c: {  	p1 =	slt.u32 s9, $0xF7A;
	s5 =	simm.s32 @!p2 $0x0  }
0x1d: {  	s5 =	simm.s32 @p1 $0x1;
	p0 =	seq.s32 s7, s2  }
0x1e: {  	s7 =	smul.u32 @!p0 $0xF7A, s2;
	p2 =	seq.s32 @!p0 s5, $0x0  }
0x1f: {  	s9 =	smul.u32 $0xF7A, s1;
	s8 =	simm.s32 @!p0 $0x1BF5;
	p2 =	por !p2, p0  }
0x20: {  	[sflag:s8] =	ssyncset.s32 @!p0 $0xFFFFF086;
	s6 =	sadd.s32 @!p0 s3, s7;
	s7 =	simm.s32 @!p0 $0x108  }
0x21: {  	s3 =	sadd.s32 s3, s9;
	s6 =	sadd.s32 @!p0 $0x88, s6;
	s7 =	simm.s32 @p2 $0x1082  }
0x22: {  	[simem:s7], [sflag:s8] =	dma.local @!p0 [hbm:s6], $0xF7A  }
0x23: {  	s9 =	sor.u32 $0xD0000000, s2;
	s6 =	simm.s32 $0x108;
	_ =	swait.ge @!p0 [sflag:s8], $0x0  }
0x24: {  	s3 =	sadd.s32 $0x88, s3;
	s6 =	simm.s32 @!p1 $0x1082;
	[sflag:s4] =	ssyncset.s32 $0xFFFFF086  }
0x25: {  	[simem:s6], [sflag:s4] =	dma.local [hbm:s3], $0xF7A  }
0x26: {  	[smem:$0x3F8E] =	sst s1;
	(tag) =	ssettag s2;
	_ =	strace s9  }
0x27: {  	s1 =	sld [smem:$0x3F9E]  }
0x28: {  	s2 =	sld [smem:$0x3F9F]  }
0x29: {  	s4 =	sld [smem:$0x3FA1]  }
0x2a: {  	p0 =	seq.s32 s5, $0x0;
	s5 =	sld [smem:$0x3FA2]  }
0x2b: {  	s6 =	sld [smem:$0x3FA3]  }
0x2c: {  	s7 =	sld [smem:$0x3FA4]  }
0x2d: {  	s3 =	simm.s32 $0x108;
	s8 =	sld [smem:$0x3FA5]  }
0x2e: {  	s3 =	simm.s32 @!p0 $0x1082;
	s9 =	sld [smem:$0x3FA6]  }
0x2f: {  	lr =	sadd.s32 s0, s3;
	s0 =	sld [smem:$0x3F9D]  }
0x30: {  	s3 =	sld [smem:$0x3FA0]  }
0x31: {  	[smem:$0x3FA9] =	sst s10  }
0x32: {  	s10 =	sld [smem:$0x3FA7];
	_ =	sdelay $0x3  }
0x33: {  	p0 =	seq.s32 s10, $0x1;
	s10 =	sld [smem:$0x3FA9];
	_ =	sdelay $0x3  }
0x34: {  	[smem:$0x3FA9] =	sst s10  }
0x35: {  	s10 =	sld [smem:$0x3FA8];
	_ =	sdelay $0x3  }
0x36: {  	p1 =	seq.s32 s10, $0x1;
	s10 =	sld [smem:$0x3FA9];
	_ =	sdelay $0x3  }
0x37: {  	[smem:$0x3FA9] =	sst s10  }
0x38: {  	s10 =	sld [smem:$0x3FAA]  }
0x39: {  	_ = 	snop;
	(pc) =	sbr.ind lr, $3  }
0x3a: {  	_ = 	snop  }
0x3b: {  	_ = 	snop  }
0x3c: {  	p2 =	seq.s32 s10, $0x1;
	s10 =	sld [smem:$0x3FA9]  }
0x3d: {  	_ =	shalt  }
0x3e: {  	_ =	shalt  }
0x3f: {  	_ =	shalt  }
0x40: {  	_ =	shalt  }
0x41: {  	_ =	shalt  }
0x42: {  	_ =	shalt  }
0x43: {  	_ =	shalt  }
0x44: {  	_ =	shalt  }
0x45: {  	_ =	shalt  }
0x46: {  	_ =	shalt  }
0x47: {  	_ =	shalt  }
0x48: {  	_ =	shalt  }
0x49: {  	_ =	shalt  }
0x4a: {  	_ =	shalt  }
0x4b: {  	_ =	shalt  }
0x4c: {  	_ =	shalt  }
0x4d: {  	_ =	shalt  }
0x4e: {  	_ =	shalt  }
0x4f: {  	_ =	shalt  }
0x50: {  	_ =	shalt  }
0x51: {  	_ =	shalt  }
0x52: {  	_ =	shalt  }
0x53: {  	_ =	shalt  }
0x54: {  	_ =	shalt  }
0x55: {  	_ =	shalt  }
0x56: {  	_ =	shalt  }
0x57: {  	_ =	shalt  }
0x58: {  	_ =	shalt  }
0x59: {  	_ =	shalt  }
0x5a: {  	_ =	shalt  }
0x5b: {  	_ =	shalt  }
0x5c: {  	_ =	shalt  }
0x5d: {  	_ =	shalt  }
0x5e: {  	_ =	shalt  }
0x5f: {  	_ =	shalt  }
0x60: {  	_ =	shalt  }
0x61: {  	_ =	shalt  }
0x62: {  	_ =	shalt  }
0x63: {  	_ =	shalt  }
0x64: {  	_ =	shalt  }
0x65: {  	_ =	shalt  }
0x66: {  	_ =	shalt  }
0x67: {  	_ =	shalt  }
0x68: {  	_ =	shalt  }
0x69: {  	_ =	shalt  }
0x6a: {  	_ =	shalt  }
0x6b: {  	_ =	shalt  }
0x6c: {  	_ =	shalt  }
0x6d: {  	_ =	shalt  }
0x6e: {  	_ =	shalt  }
0x6f: {  	_ =	shalt  }
0x70: {  	_ =	shalt  }
0x71: {  	_ =	shalt  }
0x72: {  	_ =	shalt  }
0x73: {  	_ =	shalt  }
0x74: {  	_ =	shalt  }
0x75: {  	_ =	shalt  }
0x76: {  	_ =	shalt  }
0x77: {  	_ =	shalt  }
0x78: {  	_ =	shalt  }
0x79: {  	_ =	shalt  }
0x7a: {  	_ =	shalt  }
0x7b: {  	_ =	shalt  }
0x7c: {  	_ =	shalt  }
0x7d: {  	_ =	shalt  }
0x7e: {  	_ =	shalt  }
0x7f: {  	_ =	shalt  }
0x80: {  	_ =	shalt  }
0x81: {  	_ =	shalt  }
0x82: {  	_ =	shalt  }
0x83: {  	_ =	shalt  }
0x84: {  	_ =	shalt  }
0x85: {  	_ =	shalt  }
0x86: {  	_ =	shalt  }
0x87: {  	_ =	shalt  }
.Lfunc_end0:
.L_simem_size_0:
called_computation.2_lowered:
.L_overlay_start_0:
0x88: {  	s2 =	sld [smem:$0x3FD9]  }
0x89: {  	s3 =	sld [smem:$0x3FFE];
	_ =	sdelay $0x1  }
0x8a: {  	s1 =	srdreg.scid  }
0x8b: {  	s0 =	sand.u32 $0x1, s1  }
0x8c: {  	s17 =	sshll.u32 s0, $0xA;
	s2 =	sadd.s32 s3, s2  }
0x8d: {  	s2 =	sadd.s32 s2, s17  }
0x8e: {  	[smem:$0x3FB5] =	sst s2  }
0x8f: {  	_ = 	snop  }
0x90: {  	s2 =	sld [smem:$0x3FD0];
	(tm) =	ssettm $0x1  }
0x91: {  	s18 =	sld [smem:$0x3FFB];
	_ =	sdelay $0x3  }
0x92: {  	_ =	strace s18  }
0x93: {  	s3 =	sld [smem:$0x3FFC];
	_ =	sdelay $0x3  }
0x94: {  	_ =	strace s3  }
0x95: {  	s3 =	sld [smem:$0x3FFD];
	_ =	sdelay $0x3  }
0x96: {  	_ =	strace s3  }
0x97: {  	_ =	strace $0x8FFFFFFF  }
0x98: {  	s19 =	sld [smem:$0x3FDB];
	_ =	sdelay $0x1  }
0x99: {  	s4 =	simm.s32 $_scs_section_size  }
0x9a: {  	s5 =	simm.s32 $_size__tile_overlayer_lowered;
	s6 =	simm.s32 $_tile_overlayer_lowered  }
0x9b: {  	s22 =	simm.s32 $0x1BFF;
	s21 =	sshll.u32 s6, $0x1;
	s3 =	sadd.s32 s4, s19  }
0x9c: {  	s7 =	simm.s32 $0x0;
	s20 =	sshll.u32 s5, $0x1;
	s5 =	sadd.s32 s21, s3  }
0x9d: {  	[timem:s7], [sflag:s22] =	dma.local [hbm:s5], s20  }
0x9e: {  	_ =	swait.ge [sflag:s22], s20  }
0x9f: {  	s4 =	ssub.s32 $0x0, s20;
	[sflag:s22] =	ssyncset.done $0x0  }
0xa0: {  	[sflag:s22] =	ssyncadd.s32 s4;
	_ =	sdelay $0x1  }
0xa1: {  	s23 =	simm.s32 $0x1B8B  }
0xa2: {  	_ =	swait.ge [sflag:s23], $0x1  }
0xa3: {  	[sflag:s23] =	ssyncset.done $0x0  }
0xa4: {  	s25 =	simm.s32 $0x1B8E;
	s24 =	sld [smem:$0x3FFE];
	[sflag:s23] =	ssyncadd.s32 $0xFFFFFFFF  }
0xa5: {  	s26 =	simm.s32 $execute0_lowered;
	[smem:$0x3FD2] =	sst s25  }
0xa6: {  	s5 =	sshll.u32 s26, $0x1;
	_ =	strace $0x8000004C;
	[dreg:$0x1] =	wrdreg $0xFFFFFFFF  }
0xa7: {  	s28 =	simm.s32 $_size_execute0_lowered;
	s3 =	sadd.s32 s3, s5;
	[dreg:$0x0] =	wrdreg $0x0  }
0xa8: {  	s5 =	sshll.u32 s28, $0x1;
	[dreg:$0x2] =	wrdreg s3  }
0xa9: {  	[dreg:$0x3] =	wrdreg s5  }
0xaa: {  	[dreg:$0x4] =	wrdreg $0xC0  }
0xab: {  	_ =	task [dreg:s7], $0x5FFFF  }
0xac: {  	[dreg:$0x1] =	wrdreg $0xFFFFFFFF  }
0xad: {  	[dreg:$0x0] =	wrdreg $0x60  }
0xae: {  	[dreg:$0x2] =	wrdreg s24  }
0xaf: {  	[dreg:$0x3] =	wrdreg s2  }
0xb0: {  	[dreg:$0x4] =	wrdreg $0x1B1200  }
0xb1: {  	[dreg:$0x5] =	wrdreg $0x9  }
0xb2: {  	_ =	task.clear_ibuf [dreg:s7], $0x6FFFF;
	_ =	strace $0x9000004C  }
0xb3: {  	s29 =	simm.s32 $0x9;
	_ =	strace $0x8000004E  }
0xb4: {  	_ =	swait.ge [sflag:s29], $0x1  }
0xb5: {  	[sflag:s29] =	ssyncadd.s32 $0xFFFFFFFF  }
0xb6: {  	_ =	strace $0x9000004E  }
0xb7: {  	_ =	sfence  }
0xb8: {  	s30 =	sld [smem:$0x0];
	_ =	sdelay $0x2  }
0xb9: {  	s31 =	sshll.u32 s1, $0xD;
	s1 =	sshrl.u32 s1, $0x2  }
0xba: {  	s3 =	sand.u32 $0x4000, s31;
	s1 =	sadd.s32 s1, s30  }
0xbb: {  	s0 =	sor.u32 s3, s0;
	s1 =	sshll.u32 s1, $0x11  }
0xbc: {  	s0 =	sor.u32 s1, s0  }
0xbd: {  	s0 =	sadd.s32 $0x8F2B, s0  }
0xbe: {  	[sflag:s0] =	ssyncadd.remote.s32 $0x1  }
0xbf: {  	_ =	sfence.sel $0xFFFF  }
0xc0: {  	[dreg:$0x0] =	wrdreg $0xFFFFFFFF;
	(pc) =	sbr.abs _section_cstart, $3  }
0xc1: {  	[dreg:$0x1] =	wrdreg $0xFFFFFFFF  }
0xc2: {  	_ =	task.clear_ibuf [dreg:s7], $0x2FFFF;
	_ =	strace $0x9FFFFFFF  }
0xc3: {  	(tm) =	ssettm $0x7FFFFFFF  }
tec
execute0_lowered:
.L_overlay_start_1:
0x0: {  	(tag) =	ssettag $0x1  }
0x1: {  	s5 =	rddreg [dreg:$0x0]  }
0x2: {  	s10 =	rddreg [dreg:$0x1];
	s0 =	stileid.u32  }
0x3: {  	s1 =	srdreg.scid;
	s3 =	rddreg [dreg:$0x2];
	s4 =	simm.s32 $0x0  }
0x4: {  	s15 =	simm.s32 $0x1B100;
	s16 =	simm.s32 $0x0;
	s2 =	smul.u32 $0x1390, s0  }
0x5: {  	s6 =	sand.u32 $0x1, s1;
	s7 =	smul.u32 $0x2800, s0;
	s1 =	rddreg [dreg:$0x3]  }
0x6: {  	[smem:$0x7FF] =	sst s4;
	p0 =	seq.s32 s0, $0xF;
	s8 =	smul.u32 $0x28000, s6  }
0x7: {  	_ =	strace $0x8000004D;
	s11 =	ssub.s32 $0x2, s6;
	s12 =	sshll.u32 s6, $0x2  }
0x8: {  	s14 =	smul.u32 $0x27100, s6;
	s9 =	sshrl.u32 s2, $0x3;
	s13 =	sshrl.u32 s11, $0x1  }
0x9: {  	s12 =	sadd.s32 s12, s5;
	s6 =	sadd.s32 s2, s3;
	s8 =	sadd.s32 s7, s8  }
0xa: {  	s9 =	sadd.s32 s9, s5;
	s11 =	ssub.s32 s11, s13;
	s30 =	sadd.s32 s7, s14  }
0xb: {  	s13 =	simm.s32 $0x13900;
	s14 =	simm.s32 $0x16100;
	s8 =	sshrl.u32 s8, $0x3  }
0xc: {  	s31 =	sshrl.u32 s30, $0x3;
	s11 =	smax.u32 s11, $0x1;
	s8 =	sadd.s32 s8, s5  }
0xd: {  	s5 =	sadd.s32 $0x3200, s9;
	s9 =	sadd.s32 $0x34400, s12;
	s10 =	sadd.s32 s10, s31  }
0xe: {  	s12 =	simm.s32 $0x1;
	s7 =	sadd.s32 $0x8200, s8;
	s8 =	sadd.s32 $0x12200, s8  }
.LBB2_1:
0xf: {  	[tilespmem:s2], [sflag:$0x1] =	stream.linear.gather [hbm4b:s5+s4], $0x1390, $0x38;
	[tilespmem:$0x1C4B0] =	vst v63  }
0x10: {  	_ =	swait.ge [sflag:s12], $0x1390  }
0x11: {  	[sflag:s12] =	ssyncset.done $0x0  }
0x12: {  	[sflag:s12] =	ssyncadd.s32 $0xFFFFEC70  }
0x13: {  	[spmem:s6] =	stream.linear.scatter [tilespmem:s2], [sflag:$0x1], $0x1390, $0x38;
	[tilespmem:$0x1C4B0] =	vst v63  }
0x14: {  	_ =	swait.ge [sflag:s12], $0x1390  }
0x15: {  	[sflag:s12] =	ssyncset.done $0x0  }
0x16: {  	[sflag:s12] =	ssyncadd.s32 $0xFFFFEC70  }
0x17: {  	[tilespmem:s13], [sflag:$0x1] =	stream.linear.gather [hbm4b:s7+s4], $0x2800, $0x38;
	[tilespmem:$0x1C4B0] =	vst v63  }
0x18: {  	_ =	swait.ge [sflag:s12], $0x2800  }
0x19: {  	[sflag:s12] =	ssyncset.done $0x0  }
0x1a: {  	[sflag:s12] =	ssyncadd.s32 $0xFFFFD800  }
0x1b: {  	[tilespmem:s14], [sflag:$0x1] =	stream.linear.gather [hbm4b:s8+s4], $0x2800, $0x38;
	[tilespmem:$0x1C4B0] =	vst v63  }
0x1c: {  	_ =	swait.ge [sflag:s12], $0x2800  }
0x1d: {  	[sflag:s12] =	ssyncset.done $0x0  }
0x1e: {  	[sflag:s12] =	ssyncadd.s32 $0xFFFFD800  }
0x1f: {  	[tilespmem:s15], [sflag:$0x1] =	stream.linear.gather [hbm4b:s9+s4], $0x20, $0x38;
	[tilespmem:$0x1C4B0] =	vst v63  }
0x20: {  	_ =	swait.ge [sflag:s12], $0x20  }
0x21: {  	[sflag:s12] =	ssyncset.done $0x0  }
0x22: {  	[sflag:s12] =	ssyncadd.s32 $0xFFFFFFE0  }
0x23: {  	[bflag:$0x0] =	sbarrier.arrive $0xFFFF  }
0x24: {  	[tilespmem:s4], [sflag:$0x1] =	stream.linear.gather [spmem:s3], $0x13900, $0x38;
	[tilespmem:$0x1C4B0] =	vst v63  }
0x25: {  	_ =	swait.ge [sflag:s12], $0x13900  }
0x26: {  	[sflag:s12] =	ssyncset.done $0x0  }
0x27: {  	s17 =	simm.s32 $0x0;
	[sflag:s12] =	ssyncadd.s32 $0xFFFEC700  }
0x28: {  	v5 =	vld [tilespmem:s17+$0x13900]  }
0x29: {  	v4 =	vld [tilespmem:s17+$0x16100];
	_ =	sdelay $0x3  }
0x2a: {  	v0 =	vand.u32 $0x7, v5  }
0x2b: {  	v1 =	vand.u32 $0xFFFFFFF8, v5;
	v2 =	vand.u32 $0x7, v4;
	v3 =	vadd.s32 $0x1, v0  }
0x2c: {  	v6 =	vand.u32 $0xFFFFFFF8, v4;
	v2 =	vadd.s32 $0x1, v2;
	v7 =	vand.u32 $0x8, v3  }
0x2d: {  	s18 =	simm.s32 $0x10;
	v0 =	vld [tilespmem:$0x1B100];
	v3 =	vand.u32 $0x7, v3;
	v8 =	vand.u32 $0x8, v2;
	v7 =	vadd.s32 v1, v7  }
0x2e: {  	v9 =	vand.u32 $0x7, v2;
	v2 =	vld [tilespmem:s18+$0x13900];
	v7 =	vor.u32 v3, v7;
	v3 =	vadd.s32 v6, v8  }
0x2f: {  	v1 =	vld [tilespmem:$0x1B110];
	v8 =	vor.u32 v9, v3  }
0x30: {  	v4 =	vld.idx.msk [tilespmem:v4+s4+$0x0], $0xffff  }
0x31: {  	v5 =	vld.idx.msk [tilespmem:v5+s4+$0x0], $0xffff  }
0x32: {  	v3 =	vld [tilespmem:s18+$0x16100]  }
0x33: {  	v6 =	vld.idx.msk [tilespmem:v7+s4+$0x0], $0xffff  }
0x34: {  	s19 =	simm.s32 $0x80;
	v7 =	vld.idx.msk [tilespmem:v8+s4+$0x0], $0xffff  }
.LBB2_2:
0x35: {  	p1 =	sne.s32 s19, $0x9FC0;
	_ =	sdelay $0x2  }
0x36: {  	v8 =	vand.u32 $0xFFFFFFF8, v2;
	v9 =	vand.u32 $0x7, v2;
	v10 =	vand.u32 $0x7, v3  }
0x37: {  	v9 =	vadd.s32 $0x1, v9;
	v4 =	vmul.f32 v4, v5;
	v5 =	vmul.f32 v7, v6  }
0x38: {  	v10 =	vadd.s32 $0x1, v10;
	v6 =	vand.u32 $0xFFFFFFF8, v3;
	v7 =	vand.u32 $0x7, v9  }
0x39: {  	v9 =	vand.u32 $0x8, v9;
	v4 =	vmul.f32 v4, v0;
	v5 =	vmul.f32 v5, v1  }
0x3a: {  	v8 =	vadd.s32 v8, v9;
	v9 =	vand.u32 $0x8, v10;
	v10 =	vand.u32 $0x7, v10  }
0x3b: {  	s20 =	sshra.s32 s19, $0x2;
	v7 =	vor.u32 v7, v8;
	v6 =	vadd.s32 v6, v9;
	v4 =	vadd.f32 v5, v4  }
0x3c: {  	v9 =	vor.u32 v10, v6;
	v8 =	vld [tilespmem:s20+$0x13900]  }
0x3d: {  	v10 =	vld [tilespmem:s20+$0x16100];
	[tilespmem:s17+$0x18900] =	vst v4;
	s17 =	smov.u32 s18;
	s18 =	smov.u32 s20  }
.Ltmp0:
0x3e: {  	v4 =	vld.idx.msk [tilespmem:v3+s4+$0x0], $0xffff;
	(pc) =	sbr.rel @p1 .LBB2_2-.Ltmp0, $4  }
0x3f: {  	v5 =	vld.idx.msk [tilespmem:v2+s4+$0x0], $0xffff  }
0x40: {  	v6 =	vld.idx.msk [tilespmem:v7+s4+$0x0], $0xffff  }
0x41: {  	v7 =	vld.idx.msk [tilespmem:v9+s4+$0x0], $0xffff;
	v2 =	vmov v8  }
0x42: {  	s19 =	sadd.s32 $0x40, s19;
	v3 =	vmov v10  }
0x43: {  	_ =	sdelay $0x1  }
0x44: {  	v8 =	vand.u32 $0xFFFFFFF8, v2;
	v9 =	vand.u32 $0x7, v2;
	v10 =	vand.u32 $0x7, v3  }
0x45: {  	v9 =	vadd.s32 $0x1, v9;
	v4 =	vmul.f32 v4, v5;
	v54 =	vmul.f32 v7, v6  }
0x46: {  	v55 =	vand.u32 $0xFFFFFFF8, v3;
	v10 =	vadd.s32 $0x1, v10;
	v56 =	vand.u32 $0x7, v9  }
0x47: {  	v9 =	vand.u32 $0x8, v9;
	v4 =	vmul.f32 v4, v0;
	v5 =	vmul.f32 v54, v1  }
0x48: {  	v57 =	vand.u32 $0x8, v10;
	v10 =	vand.u32 $0x7, v10;
	v8 =	vadd.s32 v8, v9  }
0x49: {  	v6 =	vadd.s32 v55, v57;
	v7 =	vor.u32 v56, v8;
	v4 =	vadd.f32 v5, v4  }
0x4a: {  	v58 =	vor.u32 v10, v6  }
0x4b: {  	[tilespmem:s17+$0x18900] =	vst v4  }
0x4c: {  	v59 =	vld.idx.msk [tilespmem:v3+s4+$0x0], $0xffff  }
0x4d: {  	v60 =	vld.idx.msk [tilespmem:v2+s4+$0x0], $0xffff  }
0x4e: {  	v4 =	vld.idx.msk [tilespmem:v7+s4+$0x0], $0xffff  }
0x4f: {  	v5 =	vld.idx.msk [tilespmem:v58+s4+$0x0], $0xffff;
	_ =	sdelay $0x4  }
0x50: {  	v2 =	vmul.f32 v59, v60;
	v61 =	vmul.f32 v5, v4;
	_ =	sdelay $0x1  }
0x51: {  	v62 =	vmul.f32 v2, v0;
	v63 =	vmul.f32 v61, v1;
	_ =	sdelay $0x1  }
0x52: {  	v0 =	vadd.f32 v63, v62;
	_ =	sdelay $0x1  }
0x53: {  	s17 =	simm.s32 @p0 $0x0;
	[tilespmem:s18+$0x18900] =	vst v0;
	s18 =	simm.s32 @p0 $0x18900  }
0x54: {  	[hbm4b:s10+s17] =	stream.linear.scatter @p0 [tilespmem:s18], [sflag:$0x1], $0x1900, $0x38;
	[tilespmem:$0x1C4B0] =	vst v63  }
0x55: {  	s17 =	simm.s32 @p0 $0x1  }
0x56: {  	s16 =	sadd.s32 $0x1, s16;
	_ =	swait.ge @p0 [sflag:s17], $0x1900  }
0x57: {  	p1 =	sne.s32 s16, s11;
	[sflag:s17] =	ssyncset.done @p0 $0x0  }
0x58: {  	s18 =	simm.s32 @!p0 $0x18900;
	[sflag:s17] =	ssyncadd.s32 @p0 $0xFFFFE700;
	s17 =	simm.s32 @!p0 $0x0  }
0x59: {  	[hbm4b:s10+s17] =	stream.linear.scatter @!p0 [tilespmem:s18], [sflag:$0x1], $0x2800, $0x38;
	[tilespmem:$0x1C4B0] =	vst v63  }
.Ltmp1:
0x5a: {  	_ = 	snop;
	(pc) =	sbr.rel @p1 .LBB2_1-.Ltmp1, $4  }
0x5b: {  	s17 =	simm.s32 @!p0 $0x1  }
0x5c: {  	_ =	swait.ge @!p0 [sflag:s17], $0x2800  }
0x5d: {  	[sflag:s17] =	ssyncset.done @!p0 $0x0  }
0x5e: {  	[sflag:s17] =	ssyncadd.s32 @!p0 $0xFFFFD800  }
0x5f: {  	_ =	sfence.sel $0x180000  }
0x60: {  	[bflag:$0x0] =	sbarrier.arrive $0xFFFF  }
0x61: {  	p0 =	sne.s32 s0, $0x0;
	_ =	strace $0x9000004D  }
0x62: {  	s0 =	sadd.s32 @!p0 $0x100000, s1;
	[bflag:$0x2] =	sbarrier.arrive $0xFFFF  }
0x63: {  	[sflag:s0] =	ssyncadd.tile.s32 @!p0 $0x1;
	_ =	shalt  }
.Lfunc_end2:
_tile_overlayer_lowered:
.L_overlay_start_2:
0x64: {  	(tag) =	ssettag $0x2  }
0x65: {  	s0 =	rddreg [dreg:$0x0];
	s2 =	stileid.u32  }
0x66: {  	s1 =	rddreg [dreg:$0x1];
	p0 =	sne.s32 s2, $0x0  }
0x67: {  	s3 =	rddreg [dreg:$0x2];
	[bflag:$0x3] =	sbarrier.arrive $0xFFFF;
	s2 =	simm.s32 @!p0 $0x1C01  }
0x68: {  	[timem:s3], [sflag:s2] =	dma.local @!p0 [hbm:s0], s1  }
0x69: {  	s0 =	simm.s32 @!p0 $0x1  }
0x6a: {  	_ =	swait.ge @!p0 [sflag:s0], s1  }
0x6b: {  	s1 =	ssub.s32 @!p0 $0x0, s1;
	[sflag:s0] =	ssyncset.done @!p0 $0x0  }
0x6c: {  	[sflag:s0] =	ssyncadd.s32 @!p0 s1  }
0x6d: {  	[bflag:$0x3] =	sbarrier.arrive $0xFFFF  }
0x6e: {  	_ =	shalt  }

// kernel: kernel.6.cloned.1.call-start
scs
__scs_entry_jumppad:
0x0: {  	(pc) =	sbr.rel $0x88, $3  }
0x1: {  	(tag) =	ssettag $0x0;
	lr =	simm.s32 $0x1  }
0x2: {  	[smem:$0x3F8E] =	sst lr;
	_ =	strace $0xD0000000  }
0x3: {  	_ = 	snop  }
0x4: {  	_ = 	snop  }
0x5: {  	_ = 	snop  }
0x6: {  	_ = 	snop  }
0x7: {  	_ = 	snop  }
__scs_overlays_trampoline_lowered:
0x8: {  	[smem:$0x3F9D] =	sst s0  }
0x9: {  	[smem:$0x3F9E] =	sst s1  }
0xa: {  	[smem:$0x3F9F] =	sst s2  }
0xb: {  	[smem:$0x3FA0] =	sst s3  }
0xc: {  	[smem:$0x3FA1] =	sst s4  }
0xd: {  	[smem:$0x3FA2] =	sst s5  }
0xe: {  	[smem:$0x3FA3] =	sst s6  }
0xf: {  	[smem:$0x3FA4] =	sst s7  }
0x10: {  	[smem:$0x3FA5] =	sst s8  }
0x11: {  	[smem:$0x3FA6] =	sst s9;
	s0 =	simm.s32 @!p0 $0x0  }
0x12: {  	s1 =	sld [smem:$0x3F8C];
	s0 =	simm.s32 @p0 $0x1  }
0x13: {  	[smem:$0x3FA7] =	sst s0;
	s0 =	simm.s32 @!p1 $0x0  }
0x14: {  	s2 =	sld [smem:$0x3F8B];
	s0 =	simm.s32 @p1 $0x1  }
0x15: {  	[smem:$0x3FA8] =	sst s0;
	s0 =	simm.s32 @!p2 $0x0  }
0x16: {  	s3 =	sld [smem:$0x3FDB];
	s0 =	simm.s32 @p2 $0x1  }
0x17: {  	s4 =	simm.s32 $0x1BF5;
	[smem:$0x3FAA] =	sst s0  }
0x18: {  	s0 =	sld [smem:$0x3F8D];
	_ =	swait.ge [sflag:s4], $0x0  }
0x19: {  	s7 =	sld [smem:$0x3F8E]  }
0x1a: {  	s8 =	sadd.s32 $0xFFFFE003, lr  }
0x1b: {  	s9 =	sadd.s32 $0xFFFFFEF7, lr;
	s5 =	simm.s32 $0xFFFFFFFF;
	p2 =	slt.u32 s8, $0xFFFFF086  }
0x1c: {  	p1 =	slt.u32 s9, $0xF7A;
	s5 =	simm.s32 @!p2 $0x0  }
0x1d: {  	s5 =	simm.s32 @p1 $0x1;
	p0 =	seq.s32 s7, s2  }
0x1e: {  	s7 =	smul.u32 @!p0 $0xF7A, s2;
	p2 =	seq.s32 @!p0 s5, $0x0  }
0x1f: {  	s9 =	smul.u32 $0xF7A, s1;
	s8 =	simm.s32 @!p0 $0x1BF5;
	p2 =	por !p2, p0  }
0x20: {  	[sflag:s8] =	ssyncset.s32 @!p0 $0xFFFFF086;
	s6 =	sadd.s32 @!p0 s3, s7;
	s7 =	simm.s32 @!p0 $0x108  }
0x21: {  	s3 =	sadd.s32 s3, s9;
	s6 =	sadd.s32 @!p0 $0x88, s6;
	s7 =	simm.s32 @p2 $0x1082  }
0x22: {  	[simem:s7], [sflag:s8] =	dma.local @!p0 [hbm:s6], $0xF7A  }
0x23: {  	s9 =	sor.u32 $0xD0000000, s2;
	s6 =	simm.s32 $0x108;
	_ =	swait.ge @!p0 [sflag:s8], $0x0  }
0x24: {  	s3 =	sadd.s32 $0x88, s3;
	s6 =	simm.s32 @!p1 $0x1082;
	[sflag:s4] =	ssyncset.s32 $0xFFFFF086  }
0x25: {  	[simem:s6], [sflag:s4] =	dma.local [hbm:s3], $0xF7A  }
0x26: {  	[smem:$0x3F8E] =	sst s1;
	(tag) =	ssettag s2;
	_ =	strace s9  }
0x27: {  	s1 =	sld [smem:$0x3F9E]  }
0x28: {  	s2 =	sld [smem:$0x3F9F]  }
0x29: {  	s4 =	sld [smem:$0x3FA1]  }
0x2a: {  	p0 =	seq.s32 s5, $0x0;
	s5 =	sld [smem:$0x3FA2]  }
0x2b: {  	s6 =	sld [smem:$0x3FA3]  }
0x2c: {  	s7 =	sld [smem:$0x3FA4]  }
0x2d: {  	s3 =	simm.s32 $0x108;
	s8 =	sld [smem:$0x3FA5]  }
0x2e: {  	s3 =	simm.s32 @!p0 $0x1082;
	s9 =	sld [smem:$0x3FA6]  }
0x2f: {  	lr =	sadd.s32 s0, s3;
	s0 =	sld [smem:$0x3F9D]  }
0x30: {  	s3 =	sld [smem:$0x3FA0]  }
0x31: {  	[smem:$0x3FA9] =	sst s10  }
0x32: {  	s10 =	sld [smem:$0x3FA7];
	_ =	sdelay $0x3  }
0x33: {  	p0 =	seq.s32 s10, $0x1;
	s10 =	sld [smem:$0x3FA9];
	_ =	sdelay $0x3  }
0x34: {  	[smem:$0x3FA9] =	sst s10  }
0x35: {  	s10 =	sld [smem:$0x3FA8];
	_ =	sdelay $0x3  }
0x36: {  	p1 =	seq.s32 s10, $0x1;
	s10 =	sld [smem:$0x3FA9];
	_ =	sdelay $0x3  }
0x37: {  	[smem:$0x3FA9] =	sst s10  }
0x38: {  	s10 =	sld [smem:$0x3FAA]  }
0x39: {  	_ = 	snop;
	(pc) =	sbr.ind lr, $3  }
0x3a: {  	_ = 	snop  }
0x3b: {  	_ = 	snop  }
0x3c: {  	p2 =	seq.s32 s10, $0x1;
	s10 =	sld [smem:$0x3FA9]  }
0x3d: {  	_ =	shalt  }
0x3e: {  	_ =	shalt  }
0x3f: {  	_ =	shalt  }
0x40: {  	_ =	shalt  }
0x41: {  	_ =	shalt  }
0x42: {  	_ =	shalt  }
0x43: {  	_ =	shalt  }
0x44: {  	_ =	shalt  }
0x45: {  	_ =	shalt  }
0x46: {  	_ =	shalt  }
0x47: {  	_ =	shalt  }
0x48: {  	_ =	shalt  }
0x49: {  	_ =	shalt  }
0x4a: {  	_ =	shalt  }
0x4b: {  	_ =	shalt  }
0x4c: {  	_ =	shalt  }
0x4d: {  	_ =	shalt  }
0x4e: {  	_ =	shalt  }
0x4f: {  	_ =	shalt  }
0x50: {  	_ =	shalt  }
0x51: {  	_ =	shalt  }
0x52: {  	_ =	shalt  }
0x53: {  	_ =	shalt  }
0x54: {  	_ =	shalt  }
0x55: {  	_ =	shalt  }
0x56: {  	_ =	shalt  }
0x57: {  	_ =	shalt  }
0x58: {  	_ =	shalt  }
0x59: {  	_ =	shalt  }
0x5a: {  	_ =	shalt  }
0x5b: {  	_ =	shalt  }
0x5c: {  	_ =	shalt  }
0x5d: {  	_ =	shalt  }
0x5e: {  	_ =	shalt  }
0x5f: {  	_ =	shalt  }
0x60: {  	_ =	shalt  }
0x61: {  	_ =	shalt  }
0x62: {  	_ =	shalt  }
0x63: {  	_ =	shalt  }
0x64: {  	_ =	shalt  }
0x65: {  	_ =	shalt  }
0x66: {  	_ =	shalt  }
0x67: {  	_ =	shalt  }
0x68: {  	_ =	shalt  }
0x69: {  	_ =	shalt  }
0x6a: {  	_ =	shalt  }
0x6b: {  	_ =	shalt  }
0x6c: {  	_ =	shalt  }
0x6d: {  	_ =	shalt  }
0x6e: {  	_ =	shalt  }
0x6f: {  	_ =	shalt  }
0x70: {  	_ =	shalt  }
0x71: {  	_ =	shalt  }
0x72: {  	_ =	shalt  }
0x73: {  	_ =	shalt  }
0x74: {  	_ =	shalt  }
0x75: {  	_ =	shalt  }
0x76: {  	_ =	shalt  }
0x77: {  	_ =	shalt  }
0x78: {  	_ =	shalt  }
0x79: {  	_ =	shalt  }
0x7a: {  	_ =	shalt  }
0x7b: {  	_ =	shalt  }
0x7c: {  	_ =	shalt  }
0x7d: {  	_ =	shalt  }
0x7e: {  	_ =	shalt  }
0x7f: {  	_ =	shalt  }
0x80: {  	_ =	shalt  }
0x81: {  	_ =	shalt  }
0x82: {  	_ =	shalt  }
0x83: {  	_ =	shalt  }
0x84: {  	_ =	shalt  }
0x85: {  	_ =	shalt  }
0x86: {  	_ =	shalt  }
0x87: {  	_ =	shalt  }
.Lfunc_end0:
.L_simem_size_0:
called_computation_lowered:
.L_overlay_start_0:
0x88: {  	s2 =	sld [smem:$0x3FD9]  }
0x89: {  	s3 =	sld [smem:$0x3FFE];
	_ =	sdelay $0x1  }
0x8a: {  	s1 =	srdreg.scid  }
0x8b: {  	s0 =	sand.u32 $0x1, s1  }
0x8c: {  	s17 =	sshll.u32 s0, $0xA;
	s2 =	sadd.s32 s3, s2  }
0x8d: {  	s2 =	sadd.s32 s2, s17  }
0x8e: {  	[smem:$0x3FB5] =	sst s2  }
0x8f: {  	_ = 	snop  }
0x90: {  	s2 =	sld [smem:$0x3FD0];
	(tm) =	ssettm $0x1  }
0x91: {  	s18 =	sld [smem:$0x3FFB];
	_ =	sdelay $0x3  }
0x92: {  	_ =	strace s18  }
0x93: {  	s3 =	sld [smem:$0x3FFC];
	_ =	sdelay $0x3  }
0x94: {  	_ =	strace s3  }
0x95: {  	s3 =	sld [smem:$0x3FFD];
	_ =	sdelay $0x3  }
0x96: {  	_ =	strace s3  }
0x97: {  	_ =	strace $0x8FFFFFFF  }
0x98: {  	s19 =	sld [smem:$0x3FDB];
	_ =	sdelay $0x1  }
0x99: {  	s4 =	simm.s32 $_scs_section_size  }
0x9a: {  	s5 =	simm.s32 $_size__tile_overlayer_lowered;
	s6 =	simm.s32 $_tile_overlayer_lowered  }
0x9b: {  	s22 =	simm.s32 $0x1BFF;
	s21 =	sshll.u32 s6, $0x1;
	s3 =	sadd.s32 s4, s19  }
0x9c: {  	s7 =	simm.s32 $0x0;
	s20 =	sshll.u32 s5, $0x1;
	s5 =	sadd.s32 s21, s3  }
0x9d: {  	[timem:s7], [sflag:s22] =	dma.local [hbm:s5], s20  }
0x9e: {  	_ =	swait.ge [sflag:s22], s20  }
0x9f: {  	s4 =	ssub.s32 $0x0, s20;
	[sflag:s22] =	ssyncset.done $0x0  }
0xa0: {  	[sflag:s22] =	ssyncadd.s32 s4;
	_ =	sdelay $0x1  }
0xa1: {  	s23 =	simm.s32 $0x1B8B  }
0xa2: {  	_ =	swait.ge [sflag:s23], $0x1  }
0xa3: {  	[sflag:s23] =	ssyncset.done $0x0  }
0xa4: {  	s25 =	simm.s32 $0x1B8E;
	s24 =	sld [smem:$0x3FFE];
	[sflag:s23] =	ssyncadd.s32 $0xFFFFFFFF  }
0xa5: {  	s26 =	simm.s32 $execute0_lowered;
	[smem:$0x3FD2] =	sst s25  }
0xa6: {  	s5 =	sshll.u32 s26, $0x1;
	_ =	strace $0x80000046;
	[dreg:$0x1] =	wrdreg $0xFFFFFFFF  }
0xa7: {  	s28 =	simm.s32 $_size_execute0_lowered;
	s3 =	sadd.s32 s3, s5;
	[dreg:$0x0] =	wrdreg $0x0  }
0xa8: {  	s5 =	sshll.u32 s28, $0x1;
	[dreg:$0x2] =	wrdreg s3  }
0xa9: {  	[dreg:$0x3] =	wrdreg s5  }
0xaa: {  	[dreg:$0x4] =	wrdreg $0xC0  }
0xab: {  	_ =	task [dreg:s7], $0x5FFFF  }
0xac: {  	[dreg:$0x1] =	wrdreg $0xFFFFFFFF  }
0xad: {  	[dreg:$0x0] =	wrdreg $0x60  }
0xae: {  	[dreg:$0x2] =	wrdreg s2  }
0xaf: {  	[dreg:$0x3] =	wrdreg s24  }
0xb0: {  	[dreg:$0x4] =	wrdreg $0x0  }
0xb1: {  	[dreg:$0x5] =	wrdreg $0x9  }
0xb2: {  	_ =	task.clear_ibuf [dreg:s7], $0x6FFFF;
	_ =	strace $0x90000046  }
0xb3: {  	s29 =	simm.s32 $0x9;
	_ =	strace $0x80000048  }
0xb4: {  	_ =	swait.ge [sflag:s29], $0x1  }
0xb5: {  	[sflag:s29] =	ssyncadd.s32 $0xFFFFFFFF  }
0xb6: {  	_ =	strace $0x90000048  }
0xb7: {  	_ =	sfence  }
0xb8: {  	s30 =	sld [smem:$0x0];
	_ =	sdelay $0x2  }
0xb9: {  	s31 =	sshll.u32 s1, $0xD;
	s1 =	sshrl.u32 s1, $0x2  }
0xba: {  	s3 =	sand.u32 $0x4000, s31;
	s1 =	sadd.s32 s1, s30  }
0xbb: {  	s0 =	sor.u32 s3, s0;
	s1 =	sshll.u32 s1, $0x11  }
0xbc: {  	s0 =	sor.u32 s1, s0  }
0xbd: {  	s0 =	sadd.s32 $0x8F2B, s0  }
0xbe: {  	[sflag:s0] =	ssyncadd.remote.s32 $0x1  }
0xbf: {  	_ =	sfence.sel $0xFFFF  }
0xc0: {  	[dreg:$0x0] =	wrdreg $0xFFFFFFFF;
	(pc) =	sbr.abs _section_cstart, $3  }
0xc1: {  	[dreg:$0x1] =	wrdreg $0xFFFFFFFF  }
0xc2: {  	_ =	task.clear_ibuf [dreg:s7], $0x2FFFF;
	_ =	strace $0x9FFFFFFF  }
0xc3: {  	(tm) =	ssettm $0x7FFFFFFF  }
tec
execute0_lowered:
.L_overlay_start_1:
0x0: {  	(tag) =	ssettag $0x1  }
0x1: {  	s0 =	rddreg [dreg:$0x0];
	s1 =	srdreg.scid  }
0x2: {  	s3 =	rddreg [dreg:$0x1];
	s4 =	stileid.u32  }
0x3: {  	s2 =	rddreg [dreg:$0x2];
	s7 =	simm.s32 $0x0;
	s12 =	simm.s32 $0x80  }
0x4: {  	s15 =	simm.s32 $0x61C8;
	s16 =	simm.s32 $0x65C8;
	s17 =	simm.s32 $0x69C8  }
0x5: {  	s18 =	simm.s32 $0x6DC8;
	s19 =	simm.s32 $0x71C8;
	s20 =	simm.s32 $0x75C8  }
0x6: {  	s21 =	simm.s32 $0x1;
	s22 =	simm.s32 $0x2;
	s28 =	simm.s32 $0x7  }
0x7: {  	s29 =	simm.s32 $0x8;
	s30 =	simm.s32 $0x9;
	s31 =	simm.s32 $0xA  }
0x8: {  	s9 =	simm.s32 $0xC;
	s1 =	sand.u32 $0x1, s1;
	s6 =	smul.u32 $0x2800, s4  }
0x9: {  	s11 =	simm.s32 $0xD;
	s8 =	simm.s32 $0x0;
	s5 =	smul.u32 $0x28000, s1  }
0xa: {  	s14 =	simm.s32 $0x59C8;
	s23 =	smul.u32 $0x1390, s1;
	s1 =	ssub.s32 $0x2, s1  }
0xb: {  	[smem:$0x7FF] =	sst s7;
	s24 =	sshrl.u32 s1, $0x1;
	s5 =	sadd.s32 s6, s5  }
0xc: {  	p0 =	sne.s32 s4, $0x0;
	s1 =	ssub.s32 s1, s24;
	s5 =	sshrl.u32 s5, $0x3  }
0xd: {  	s1 =	smax.u32 s1, $0x1;
	s5 =	sadd.s32 s5, s3;
	s3 =	sadd.s32 s23, s3  }
0xe: {  	_ =	strace $0x80000047;
	[dreg:$0x8] =	wrdreg s1;
	s25 =	sadd.s32 $0x3200, s3  }
0xf: {  	s4 =	simm.s32 $0xF;
	s26 =	sadd.s32 $0x34400, s5;
	[dreg:$0x4] =	wrdreg s25  }
0x10: {  	s24 =	simm.s32 $0x4;
	s5 =	sadd.s32 $0x2A400, s5;
	[dreg:$0x5] =	wrdreg s26  }
0x11: {  	s23 =	simm.s32 $0x3;
	s3 =	sadd.s32 $0x5A00, s3;
	[dreg:$0x6] =	wrdreg s5  }
0x12: {  	s1 =	simm.s32 $0xB;
	[dreg:$0x7] =	wrdreg s3;
	s25 =	simm.s32 $0x5  }
0x13: {  	s26 =	simm.s32 $0x6;
	s3 =	simm.s32 $0xE;
	s5 =	simm.s32 $0x10  }
.LBB2_1:
0x14: {  	[dreg:$0x9] =	wrdreg s8  }
0x15: {  	s6 =	simm.s32 @!p0 $0x0;
	s7 =	simm.s32 @!p0 $0x79C8;
	s8 =	rddreg [dreg:$0x4]  }
0x16: {  	[tilespmem:s7], [sflag:$0x11] =	stream.linear.gather @!p0 [hbm4b:s8+s6], $0x9C80, $0x38;
	[tilespmem:$0x11648] =	vst v63  }
0x17: {  	s6 =	simm.s32 @!p0 $0x11  }
0x18: {  	_ =	swait.ge @!p0 [sflag:s6], $0x9C80  }
0x19: {  	[sflag:s6] =	ssyncset.done @!p0 $0x0  }
0x1a: {  	[sflag:s6] =	ssyncadd.s32 @!p0 $0xFFFF6380  }
0x1b: {  	[spmem:s2] =	stream.linear.scatter @!p0 [tilespmem:s7], [sflag:$0x11], $0x9C80, $0x38;
	[tilespmem:$0x11648] =	vst v63  }
0x1c: {  	_ =	swait.ge @!p0 [sflag:s6], $0x9C80  }
0x1d: {  	s10 =	simm.s32 $0x9C8;
	[sflag:s6] =	ssyncset.done @!p0 $0x0  }
0x1e: {  	s8 =	rddreg [dreg:$0x5];
	[sflag:s6] =	ssyncadd.s32 @!p0 $0xFFFF6380;
	s6 =	simm.s32 $0x0  }
0x1f: {  	[tilespmem:s10], [sflag:$0x11] =	stream.linear.gather [hbm4b:s8+s6], $0x2800, $0x38;
	[tilespmem:$0x11648] =	vst v63  }
0x20: {  	s8 =	simm.s32 $0x11  }
0x21: {  	_ =	swait.ge [sflag:s8], $0x2800  }
0x22: {  	[sflag:s8] =	ssyncset.done $0x0  }
0x23: {  	s10 =	simm.s32 $0x31C8;
	s13 =	rddreg [dreg:$0x6];
	[sflag:s8] =	ssyncadd.s32 $0xFFFFD800  }
0x24: {  	[tilespmem:s10], [sflag:$0x11] =	stream.linear.gather [hbm4b:s13+s6], $0x2800, $0x38;
	[tilespmem:$0x11648] =	vst v63  }
0x25: {  	_ =	swait.ge [sflag:s8], $0x2800  }
0x26: {  	[sflag:s8] =	ssyncset.done $0x0  }
0x27: {  	[sflag:s8] =	ssyncadd.s32 $0xFFFFD800  }
0x28: {  	s7 =	simm.s32 $0x59C8;
	s8 =	simm.s32 $0x9C8;
	[bflag:$0x0] =	sbarrier.arrive $0xFFFF  }
0x29: {  	[tilespmem:s7], [sflag:$0x1] =	stream.indirect.gather [hbm4b:s0+s12], $0x8, s8, s12, $0xb8;
	[tilespmem:$0x11648] =	vst v63  }
0x2a: {  	s10 =	simm.s32 $0xA48;
	s8 =	simm.s32 $0x5DC8  }
0x2b: {  	[tilespmem:s8], [sflag:$0x2] =	stream.indirect.gather [hbm4b:s0+s12], $0x8, s10, s12, $0xb8;
	[tilespmem:$0x11648] =	vst v63  }
0x2c: {  	s13 =	simm.s32 $0xAC8  }
0x2d: {  	[tilespmem:s15], [sflag:$0x3] =	stream.indirect.gather [hbm4b:s0+s12], $0x8, s13, s12, $0xb8;
	[tilespmem:$0x11648] =	vst v63  }
0x2e: {  	s10 =	simm.s32 $0xB48  }
0x2f: {  	[tilespmem:s16], [sflag:$0x4] =	stream.indirect.gather [hbm4b:s0+s12], $0x8, s10, s12, $0xb8;
	[tilespmem:$0x11648] =	vst v63  }
0x30: {  	s13 =	simm.s32 $0xBC8  }
0x31: {  	[tilespmem:s17], [sflag:$0x5] =	stream.indirect.gather [hbm4b:s0+s12], $0x8, s13, s12, $0xb8;
	[tilespmem:$0x11648] =	vst v63  }
0x32: {  	s10 =	simm.s32 $0xC48  }
0x33: {  	[tilespmem:s18], [sflag:$0x6] =	stream.indirect.gather [hbm4b:s0+s12], $0x8, s10, s12, $0xb8;
	[tilespmem:$0x11648] =	vst v63  }
0x34: {  	s13 =	simm.s32 $0xCC8  }
0x35: {  	[tilespmem:s19], [sflag:$0x7] =	stream.indirect.gather [hbm4b:s0+s12], $0x8, s13, s12, $0xb8;
	[tilespmem:$0x11648] =	vst v63  }
0x36: {  	s10 =	simm.s32 $0xD48  }
0x37: {  	[tilespmem:s20], [sflag:$0x8] =	stream.indirect.gather [hbm4b:s0+s12], $0x8, s10, s12, $0xb8;
	[tilespmem:$0x11648] =	vst v63  }
0x38: {  	_ =	swait.ge [sflag:s21], $0x400  }
0x39: {  	[sflag:s21] =	ssyncset.done $0x0  }
0x3a: {  	s13 =	simm.s32 $0x31C8;
	[sflag:s21] =	ssyncadd.s32 $0xFFFFFC00  }
0x3b: {  	[spmem:s2] =	stream.indirect.scatter.add.f32 [tilespmem:s7], [sflag:$0x9], $0x8, s13, s12, $0xb8;
	[tilespmem:$0x11648] =	vst v63  }
0x3c: {  	_ =	swait.ge [sflag:s22], $0x400  }
0x3d: {  	[sflag:s22] =	ssyncset.done $0x0  }
0x3e: {  	s7 =	simm.s32 $0x3248;
	[sflag:s22] =	ssyncadd.s32 $0xFFFFFC00  }
0x3f: {  	[spmem:s2] =	stream.indirect.scatter.add.f32 [tilespmem:s8], [sflag:$0xA], $0x8, s7, s12, $0xb8;
	[tilespmem:$0x11648] =	vst v63  }
0x40: {  	_ =	swait.ge [sflag:s23], $0x400  }
0x41: {  	[sflag:s23] =	ssyncset.done $0x0  }
0x42: {  	s10 =	simm.s32 $0x32C8;
	[sflag:s23] =	ssyncadd.s32 $0xFFFFFC00  }
0x43: {  	[spmem:s2] =	stream.indirect.scatter.add.f32 [tilespmem:s15], [sflag:$0xB], $0x8, s10, s12, $0xb8;
	[tilespmem:$0x11648] =	vst v63  }
0x44: {  	_ =	swait.ge [sflag:s24], $0x400  }
0x45: {  	[sflag:s24] =	ssyncset.done $0x0  }
0x46: {  	s13 =	simm.s32 $0x3348;
	[sflag:s24] =	ssyncadd.s32 $0xFFFFFC00  }
0x47: {  	[spmem:s2] =	stream.indirect.scatter.add.f32 [tilespmem:s16], [sflag:$0xC], $0x8, s13, s12, $0xb8;
	[tilespmem:$0x11648] =	vst v63  }
0x48: {  	_ =	swait.ge [sflag:s25], $0x400  }
0x49: {  	[sflag:s25] =	ssyncset.done $0x0  }
0x4a: {  	s7 =	simm.s32 $0x33C8;
	[sflag:s25] =	ssyncadd.s32 $0xFFFFFC00  }
0x4b: {  	[spmem:s2] =	stream.indirect.scatter.add.f32 [tilespmem:s17], [sflag:$0xD], $0x8, s7, s12, $0xb8;
	[tilespmem:$0x11648] =	vst v63  }
0x4c: {  	_ =	swait.ge [sflag:s26], $0x400  }
0x4d: {  	[sflag:s26] =	ssyncset.done $0x0  }
0x4e: {  	s8 =	simm.s32 $0x3448;
	[sflag:s26] =	ssyncadd.s32 $0xFFFFFC00  }
0x4f: {  	[spmem:s2] =	stream.indirect.scatter.add.f32 [tilespmem:s18], [sflag:$0xE], $0x8, s8, s12, $0xb8;
	[tilespmem:$0x11648] =	vst v63  }
0x50: {  	_ =	swait.ge [sflag:s28], $0x400  }
0x51: {  	[sflag:s28] =	ssyncset.done $0x0  }
0x52: {  	s10 =	simm.s32 $0x34C8;
	[sflag:s28] =	ssyncadd.s32 $0xFFFFFC00  }
0x53: {  	[spmem:s2] =	stream.indirect.scatter.add.f32 [tilespmem:s19], [sflag:$0xF], $0x8, s10, s12, $0xb8;
	[tilespmem:$0x11648] =	vst v63  }
0x54: {  	_ =	swait.ge [sflag:s29], $0x400  }
0x55: {  	[sflag:s29] =	ssyncset.done $0x0  }
0x56: {  	s13 =	simm.s32 $0x3548;
	[sflag:s29] =	ssyncadd.s32 $0xFFFFFC00  }
0x57: {  	[spmem:s2] =	stream.indirect.scatter.add.f32 [tilespmem:s20], [sflag:$0x10], $0x8, s13, s12, $0xb8;
	[tilespmem:$0x11648] =	vst v63  }
0x58: {  	_ =	swait.ge [sflag:s30], $0x400  }
0x59: {  	[sflag:s30] =	ssyncset.done $0x0  }
0x5a: {  	[sflag:s30] =	ssyncadd.s32 $0xFFFFFC00  }
0x5b: {  	_ =	swait.ge [sflag:s31], $0x400  }
0x5c: {  	[sflag:s31] =	ssyncset.done $0x0  }
0x5d: {  	[sflag:s31] =	ssyncadd.s32 $0xFFFFFC00  }
0x5e: {  	_ =	swait.ge [sflag:s1], $0x400  }
0x5f: {  	[sflag:s1] =	ssyncset.done $0x0  }
0x60: {  	[sflag:s1] =	ssyncadd.s32 $0xFFFFFC00  }
0x61: {  	_ =	swait.ge [sflag:s9], $0x400  }
0x62: {  	[sflag:s9] =	ssyncset.done $0x0  }
0x63: {  	[sflag:s9] =	ssyncadd.s32 $0xFFFFFC00  }
0x64: {  	_ =	swait.ge [sflag:s11], $0x400  }
0x65: {  	[sflag:s11] =	ssyncset.done $0x0  }
0x66: {  	[sflag:s11] =	ssyncadd.s32 $0xFFFFFC00  }
0x67: {  	_ =	swait.ge [sflag:s3], $0x400  }
0x68: {  	[sflag:s3] =	ssyncset.done $0x0  }
0x69: {  	[sflag:s3] =	ssyncadd.s32 $0xFFFFFC00  }
0x6a: {  	_ =	swait.ge [sflag:s4], $0x400  }
0x6b: {  	[sflag:s4] =	ssyncset.done $0x0  }
0x6c: {  	[sflag:s4] =	ssyncadd.s32 $0xFFFFFC00  }
0x6d: {  	_ =	swait.ge [sflag:s5], $0x400  }
0x6e: {  	s7 =	simm.s32 $0x400;
	s8 =	simm.s32 $0x2000;
	[sflag:s5] =	ssyncset.done $0x0  }
.LBB2_2:
0x6f: {  	s13 =	sadd.s32 $0x9C8, s7  }
0x70: {  	[sflag:s5] =	ssyncadd.s32 $0xFFFFFC00;
	s10 =	smov.u32 s8;
	s6 =	sadd.s32 $0x1000, s8  }
0x71: {  	[tilespmem:s14], [sflag:$0x1] =	stream.indirect.gather [hbm4b:s0+s12], $0x8, s13, s12, $0xb8;
	[tilespmem:$0x11648] =	vst v63  }
0x72: {  	p1 =	sne.s32 s8, $0x9000;
	s8 =	sadd.s32 $0xA48, s7;
	s13 =	simm.s32 $0x5DC8  }
0x73: {  	[tilespmem:s13], [sflag:$0x2] =	stream.indirect.gather [hbm4b:s0+s12], $0x8, s8, s12, $0xb8;
	[tilespmem:$0x11648] =	vst v63  }
0x74: {  	s8 =	sadd.s32 $0xAC8, s7  }
0x75: {  	[tilespmem:s15], [sflag:$0x3] =	stream.indirect.gather [hbm4b:s0+s12], $0x8, s8, s12, $0xb8;
	[tilespmem:$0x11648] =	vst v63  }
0x76: {  	s8 =	sadd.s32 $0xB48, s7  }
0x77: {  	[tilespmem:s16], [sflag:$0x4] =	stream.indirect.gather [hbm4b:s0+s12], $0x8, s8, s12, $0xb8;
	[tilespmem:$0x11648] =	vst v63  }
0x78: {  	s8 =	sadd.s32 $0xBC8, s7  }
0x79: {  	[tilespmem:s17], [sflag:$0x5] =	stream.indirect.gather [hbm4b:s0+s12], $0x8, s8, s12, $0xb8;
	[tilespmem:$0x11648] =	vst v63  }
0x7a: {  	s8 =	sadd.s32 $0xC48, s7  }
0x7b: {  	[tilespmem:s18], [sflag:$0x6] =	stream.indirect.gather [hbm4b:s0+s12], $0x8, s8, s12, $0xb8;
	[tilespmem:$0x11648] =	vst v63  }
0x7c: {  	s8 =	sadd.s32 $0xCC8, s7  }
0x7d: {  	[tilespmem:s19], [sflag:$0x7] =	stream.indirect.gather [hbm4b:s0+s12], $0x8, s8, s12, $0xb8;
	[tilespmem:$0x11648] =	vst v63  }
0x7e: {  	s8 =	sadd.s32 $0xD48, s7  }
0x7f: {  	[tilespmem:s20], [sflag:$0x8] =	stream.indirect.gather [hbm4b:s0+s12], $0x8, s8, s12, $0xb8;
	[tilespmem:$0x11648] =	vst v63  }
0x80: {  	_ =	swait.ge [sflag:s21], $0x400  }
0x81: {  	[sflag:s21] =	ssyncset.done $0x0  }
0x82: {  	s8 =	sadd.s32 $0x31C8, s7;
	[sflag:s21] =	ssyncadd.s32 $0xFFFFFC00  }
0x83: {  	[spmem:s2] =	stream.indirect.scatter.add.f32 [tilespmem:s14], [sflag:$0x9], $0x8, s8, s12, $0xb8;
	[tilespmem:$0x11648] =	vst v63  }
0x84: {  	_ =	swait.ge [sflag:s22], $0x400  }
0x85: {  	[sflag:s22] =	ssyncset.done $0x0  }
0x86: {  	s8 =	sadd.s32 $0x3248, s7;
	[sflag:s22] =	ssyncadd.s32 $0xFFFFFC00  }
0x87: {  	[spmem:s2] =	stream.indirect.scatter.add.f32 [tilespmem:s13], [sflag:$0xA], $0x8, s8, s12, $0xb8;
	[tilespmem:$0x11648] =	vst v63  }
0x88: {  	_ =	swait.ge [sflag:s23], $0x400  }
0x89: {  	[sflag:s23] =	ssyncset.done $0x0  }
0x8a: {  	s8 =	sadd.s32 $0x32C8, s7;
	[sflag:s23] =	ssyncadd.s32 $0xFFFFFC00  }
0x8b: {  	[spmem:s2] =	stream.indirect.scatter.add.f32 [tilespmem:s15], [sflag:$0xB], $0x8, s8, s12, $0xb8;
	[tilespmem:$0x11648] =	vst v63  }
0x8c: {  	_ =	swait.ge [sflag:s24], $0x400  }
0x8d: {  	[sflag:s24] =	ssyncset.done $0x0  }
0x8e: {  	s8 =	sadd.s32 $0x3348, s7;
	[sflag:s24] =	ssyncadd.s32 $0xFFFFFC00  }
0x8f: {  	[spmem:s2] =	stream.indirect.scatter.add.f32 [tilespmem:s16], [sflag:$0xC], $0x8, s8, s12, $0xb8;
	[tilespmem:$0x11648] =	vst v63  }
0x90: {  	_ =	swait.ge [sflag:s25], $0x400  }
0x91: {  	[sflag:s25] =	ssyncset.done $0x0  }
0x92: {  	s8 =	sadd.s32 $0x33C8, s7;
	[sflag:s25] =	ssyncadd.s32 $0xFFFFFC00  }
0x93: {  	[spmem:s2] =	stream.indirect.scatter.add.f32 [tilespmem:s17], [sflag:$0xD], $0x8, s8, s12, $0xb8;
	[tilespmem:$0x11648] =	vst v63  }
0x94: {  	_ =	swait.ge [sflag:s26], $0x400  }
0x95: {  	[sflag:s26] =	ssyncset.done $0x0  }
0x96: {  	s8 =	sadd.s32 $0x3448, s7;
	[sflag:s26] =	ssyncadd.s32 $0xFFFFFC00  }
0x97: {  	[spmem:s2] =	stream.indirect.scatter.add.f32 [tilespmem:s18], [sflag:$0xE], $0x8, s8, s12, $0xb8;
	[tilespmem:$0x11648] =	vst v63  }
0x98: {  	_ =	swait.ge [sflag:s28], $0x400  }
0x99: {  	[sflag:s28] =	ssyncset.done $0x0  }
0x9a: {  	s8 =	sadd.s32 $0x34C8, s7;
	[sflag:s28] =	ssyncadd.s32 $0xFFFFFC00  }
0x9b: {  	[spmem:s2] =	stream.indirect.scatter.add.f32 [tilespmem:s19], [sflag:$0xF], $0x8, s8, s12, $0xb8;
	[tilespmem:$0x11648] =	vst v63  }
0x9c: {  	_ =	swait.ge [sflag:s29], $0x400  }
0x9d: {  	[sflag:s29] =	ssyncset.done $0x0  }
0x9e: {  	s7 =	sadd.s32 $0x3548, s7;
	[sflag:s29] =	ssyncadd.s32 $0xFFFFFC00  }
0x9f: {  	[spmem:s2] =	stream.indirect.scatter.add.f32 [tilespmem:s20], [sflag:$0x10], $0x8, s7, s12, $0xb8;
	[tilespmem:$0x11648] =	vst v63  }
0xa0: {  	_ =	swait.ge [sflag:s30], $0x400  }
0xa1: {  	[sflag:s30] =	ssyncset.done $0x0  }
0xa2: {  	[sflag:s30] =	ssyncadd.s32 $0xFFFFFC00  }
0xa3: {  	_ =	swait.ge [sflag:s31], $0x400  }
0xa4: {  	[sflag:s31] =	ssyncset.done $0x0  }
0xa5: {  	[sflag:s31] =	ssyncadd.s32 $0xFFFFFC00  }
0xa6: {  	_ =	swait.ge [sflag:s1], $0x400  }
0xa7: {  	[sflag:s1] =	ssyncset.done $0x0  }
0xa8: {  	[sflag:s1] =	ssyncadd.s32 $0xFFFFFC00  }
0xa9: {  	_ =	swait.ge [sflag:s9], $0x400  }
0xaa: {  	[sflag:s9] =	ssyncset.done $0x0  }
0xab: {  	[sflag:s9] =	ssyncadd.s32 $0xFFFFFC00  }
0xac: {  	_ =	swait.ge [sflag:s11], $0x400  }
0xad: {  	[sflag:s11] =	ssyncset.done $0x0  }
0xae: {  	[sflag:s11] =	ssyncadd.s32 $0xFFFFFC00  }
0xaf: {  	_ =	swait.ge [sflag:s3], $0x400  }
0xb0: {  	[sflag:s3] =	ssyncset.done $0x0  }
0xb1: {  	[sflag:s3] =	ssyncadd.s32 $0xFFFFFC00  }
.Ltmp0:
0xb2: {  	_ =	swait.ge [sflag:s4], $0x400;
	(pc) =	sbr.rel @p1 .LBB2_2-.Ltmp0, $4  }
0xb3: {  	[sflag:s4] =	ssyncset.done $0x0  }
0xb4: {  	[sflag:s4] =	ssyncadd.s32 $0xFFFFFC00  }
0xb5: {  	_ =	swait.ge [sflag:s5], $0x400  }
0xb6: {  	s8 =	smov.u32 s6;
	s7 =	sshra.s32 s10, $0x2;
	[sflag:s5] =	ssyncset.done $0x0  }
0xb7: {  	s6 =	sadd.s32 $0x9C8, s7;
	[sflag:s5] =	ssyncadd.s32 $0xFFFFFC00;
	s8 =	simm.s32 $0x59C8  }
0xb8: {  	[tilespmem:s8], [sflag:$0x1] =	stream.indirect.gather [hbm4b:s0+s12], $0x8, s6, s12, $0xb8;
	[tilespmem:$0x11648] =	vst v63  }
0xb9: {  	s13 =	sadd.s32 $0xA48, s7;
	s10 =	simm.s32 $0x5DC8  }
0xba: {  	[tilespmem:s10], [sflag:$0x2] =	stream.indirect.gather [hbm4b:s0+s12], $0x8, s13, s12, $0xb8;
	[tilespmem:$0x11648] =	vst v63  }
0xbb: {  	s13 =	sadd.s32 $0xAC8, s7  }
0xbc: {  	[tilespmem:s15], [sflag:$0x3] =	stream.indirect.gather [hbm4b:s0+s12], $0x8, s13, s12, $0xb8;
	[tilespmem:$0x11648] =	vst v63  }
0xbd: {  	s13 =	sadd.s32 $0xB48, s7  }
0xbe: {  	[tilespmem:s16], [sflag:$0x4] =	stream.indirect.gather [hbm4b:s0+s12], $0x8, s13, s12, $0xb8;
	[tilespmem:$0x11648] =	vst v63  }
0xbf: {  	s13 =	sadd.s32 $0xBC8, s7  }
0xc0: {  	[tilespmem:s17], [sflag:$0x5] =	stream.indirect.gather [hbm4b:s0+s12], $0x8, s13, s12, $0xb8;
	[tilespmem:$0x11648] =	vst v63  }
0xc1: {  	s13 =	sadd.s32 $0xC48, s7  }
0xc2: {  	[tilespmem:s18], [sflag:$0x6] =	stream.indirect.gather [hbm4b:s0+s12], $0x8, s13, s12, $0xb8;
	[tilespmem:$0x11648] =	vst v63  }
0xc3: {  	s13 =	sadd.s32 $0xCC8, s7  }
0xc4: {  	[tilespmem:s19], [sflag:$0x7] =	stream.indirect.gather [hbm4b:s0+s12], $0x8, s13, s12, $0xb8;
	[tilespmem:$0x11648] =	vst v63  }
0xc5: {  	s13 =	sadd.s32 $0xD48, s7  }
0xc6: {  	[tilespmem:s20], [sflag:$0x8] =	stream.indirect.gather [hbm4b:s0+s12], $0x8, s13, s12, $0xb8;
	[tilespmem:$0x11648] =	vst v63  }
0xc7: {  	_ =	swait.ge [sflag:s21], $0x400  }
0xc8: {  	[sflag:s21] =	ssyncset.done $0x0  }
0xc9: {  	s13 =	sadd.s32 $0x31C8, s7;
	[sflag:s21] =	ssyncadd.s32 $0xFFFFFC00  }
0xca: {  	[spmem:s2] =	stream.indirect.scatter.add.f32 [tilespmem:s8], [sflag:$0x9], $0x8, s13, s12, $0xb8;
	[tilespmem:$0x11648] =	vst v63  }
0xcb: {  	_ =	swait.ge [sflag:s22], $0x400  }
0xcc: {  	[sflag:s22] =	ssyncset.done $0x0  }
0xcd: {  	s8 =	sadd.s32 $0x3248, s7;
	[sflag:s22] =	ssyncadd.s32 $0xFFFFFC00  }
0xce: {  	[spmem:s2] =	stream.indirect.scatter.add.f32 [tilespmem:s10], [sflag:$0xA], $0x8, s8, s12, $0xb8;
	[tilespmem:$0x11648] =	vst v63  }
0xcf: {  	_ =	swait.ge [sflag:s23], $0x400  }
0xd0: {  	[sflag:s23] =	ssyncset.done $0x0  }
0xd1: {  	s10 =	sadd.s32 $0x32C8, s7;
	[sflag:s23] =	ssyncadd.s32 $0xFFFFFC00  }
0xd2: {  	[spmem:s2] =	stream.indirect.scatter.add.f32 [tilespmem:s15], [sflag:$0xB], $0x8, s10, s12, $0xb8;
	[tilespmem:$0x11648] =	vst v63  }
0xd3: {  	_ =	swait.ge [sflag:s24], $0x400  }
0xd4: {  	[sflag:s24] =	ssyncset.done $0x0  }
0xd5: {  	s13 =	sadd.s32 $0x3348, s7;
	[sflag:s24] =	ssyncadd.s32 $0xFFFFFC00  }
0xd6: {  	[spmem:s2] =	stream.indirect.scatter.add.f32 [tilespmem:s16], [sflag:$0xC], $0x8, s13, s12, $0xb8;
	[tilespmem:$0x11648] =	vst v63  }
0xd7: {  	_ =	swait.ge [sflag:s25], $0x400  }
0xd8: {  	[sflag:s25] =	ssyncset.done $0x0  }
0xd9: {  	s8 =	sadd.s32 $0x33C8, s7;
	[sflag:s25] =	ssyncadd.s32 $0xFFFFFC00  }
0xda: {  	[spmem:s2] =	stream.indirect.scatter.add.f32 [tilespmem:s17], [sflag:$0xD], $0x8, s8, s12, $0xb8;
	[tilespmem:$0x11648] =	vst v63  }
0xdb: {  	_ =	swait.ge [sflag:s26], $0x400  }
0xdc: {  	[sflag:s26] =	ssyncset.done $0x0  }
0xdd: {  	s10 =	sadd.s32 $0x3448, s7;
	[sflag:s26] =	ssyncadd.s32 $0xFFFFFC00  }
0xde: {  	[spmem:s2] =	stream.indirect.scatter.add.f32 [tilespmem:s18], [sflag:$0xE], $0x8, s10, s12, $0xb8;
	[tilespmem:$0x11648] =	vst v63  }
0xdf: {  	_ =	swait.ge [sflag:s28], $0x400  }
0xe0: {  	[sflag:s28] =	ssyncset.done $0x0  }
0xe1: {  	s13 =	sadd.s32 $0x34C8, s7;
	[sflag:s28] =	ssyncadd.s32 $0xFFFFFC00  }
0xe2: {  	[spmem:s2] =	stream.indirect.scatter.add.f32 [tilespmem:s19], [sflag:$0xF], $0x8, s13, s12, $0xb8;
	[tilespmem:$0x11648] =	vst v63  }
0xe3: {  	_ =	swait.ge [sflag:s29], $0x400  }
0xe4: {  	[sflag:s29] =	ssyncset.done $0x0  }
0xe5: {  	s8 =	sadd.s32 $0x3548, s7;
	[sflag:s29] =	ssyncadd.s32 $0xFFFFFC00  }
0xe6: {  	[spmem:s2] =	stream.indirect.scatter.add.f32 [tilespmem:s20], [sflag:$0x10], $0x8, s8, s12, $0xb8;
	[tilespmem:$0x11648] =	vst v63  }
0xe7: {  	_ =	swait.ge [sflag:s30], $0x400  }
0xe8: {  	[sflag:s30] =	ssyncset.done $0x0  }
0xe9: {  	[sflag:s30] =	ssyncadd.s32 $0xFFFFFC00  }
0xea: {  	_ =	swait.ge [sflag:s31], $0x400  }
0xeb: {  	[sflag:s31] =	ssyncset.done $0x0  }
0xec: {  	[sflag:s31] =	ssyncadd.s32 $0xFFFFFC00  }
0xed: {  	_ =	swait.ge [sflag:s1], $0x400  }
0xee: {  	[sflag:s1] =	ssyncset.done $0x0  }
0xef: {  	[sflag:s1] =	ssyncadd.s32 $0xFFFFFC00  }
0xf0: {  	_ =	swait.ge [sflag:s9], $0x400  }
0xf1: {  	[sflag:s9] =	ssyncset.done $0x0  }
0xf2: {  	[sflag:s9] =	ssyncadd.s32 $0xFFFFFC00  }
0xf3: {  	_ =	swait.ge [sflag:s11], $0x400  }
0xf4: {  	[sflag:s11] =	ssyncset.done $0x0  }
0xf5: {  	[sflag:s11] =	ssyncadd.s32 $0xFFFFFC00  }
0xf6: {  	_ =	swait.ge [sflag:s3], $0x400  }
0xf7: {  	[sflag:s3] =	ssyncset.done $0x0  }
0xf8: {  	[sflag:s3] =	ssyncadd.s32 $0xFFFFFC00  }
0xf9: {  	_ =	swait.ge [sflag:s4], $0x400  }
0xfa: {  	[sflag:s4] =	ssyncset.done $0x0  }
0xfb: {  	[sflag:s4] =	ssyncadd.s32 $0xFFFFFC00  }
0xfc: {  	_ =	swait.ge [sflag:s5], $0x400  }
0xfd: {  	[sflag:s5] =	ssyncset.done $0x0  }
0xfe: {  	[sflag:s5] =	ssyncadd.s32 $0xFFFFFC00  }
0xff: {  	s6 =	simm.s32 @!p0 $0x79C8;
	s7 =	simm.s32 @!p0 $0x11;
	[bflag:$0x0] =	sbarrier.arrive $0xFFFF  }
0x100: {  	[tilespmem:s6], [sflag:$0x11] =	stream.linear.gather @!p0 [spmem:s2], $0x9C80, $0x38;
	[tilespmem:$0x11648] =	vst v63  }
0x101: {  	_ =	swait.ge @!p0 [sflag:s7], $0x9C80  }
0x102: {  	[sflag:s7] =	ssyncset.done @!p0 $0x0  }
0x103: {  	s8 =	simm.s32 @!p0 $0x0;
	s10 =	rddreg [dreg:$0x7];
	[sflag:s7] =	ssyncadd.s32 @!p0 $0xFFFF6380  }
0x104: {  	[hbm4b:s10+s8] =	stream.linear.scatter @!p0 [tilespmem:s6], [sflag:$0x11], $0x9C80, $0x38;
	[tilespmem:$0x11648] =	vst v63  }
0x105: {  	_ =	swait.ge @!p0 [sflag:s7], $0x9C80  }
0x106: {  	s10 =	rddreg [dreg:$0x9]  }
0x107: {  	s13 =	rddreg [dreg:$0x8];
	s8 =	sadd.s32 $0x1, s10  }
0x108: {  	p1 =	sne.s32 s8, s13  }
.Ltmp1:
0x109: {  	_ = 	snop;
	(pc) =	sbr.rel @p1 .LBB2_1-.Ltmp1, $3  }
0x10a: {  	_ =	sdelay $0x1  }
0x10b: {  	[sflag:s7] =	ssyncset.done @!p0 $0x0  }
0x10c: {  	[sflag:s7] =	ssyncadd.s32 @!p0 $0xFFFF6380  }
0x10d: {  	_ =	sfence.sel $0x180000  }
0x10e: {  	[bflag:$0x0] =	sbarrier.arrive $0xFFFF  }
0x10f: {  	_ =	strace $0x90000047  }
0x110: {  	[bflag:$0x2] =	sbarrier.arrive $0xFFFF  }
0x111: {  	s0 =	rddreg [dreg:$0x3]  }
0x112: {  	s0 =	sadd.s32 @!p0 $0x100000, s0  }
0x113: {  	[sflag:s0] =	ssyncadd.tile.s32 @!p0 $0x1;
	_ =	shalt  }
.Lfunc_end2:
_tile_overlayer_lowered:
.L_overlay_start_2:
0x114: {  	(tag) =	ssettag $0x2  }
0x115: {  	s0 =	rddreg [dreg:$0x0];
	s2 =	stileid.u32  }
0x116: {  	s1 =	rddreg [dreg:$0x1];
	p0 =	sne.s32 s2, $0x0  }
0x117: {  	s3 =	rddreg [dreg:$0x2];
	[bflag:$0x3] =	sbarrier.arrive $0xFFFF;
	s2 =	simm.s32 @!p0 $0x1C11  }
0x118: {  	[timem:s3], [sflag:s2] =	dma.local @!p0 [hbm:s0], s1  }
0x119: {  	s0 =	simm.s32 @!p0 $0x11  }
0x11a: {  	_ =	swait.ge @!p0 [sflag:s0], s1  }
0x11b: {  	s1 =	ssub.s32 @!p0 $0x0, s1;
	[sflag:s0] =	ssyncset.done @!p0 $0x0  }
0x11c: {  	[sflag:s0] =	ssyncadd.s32 @!p0 s1  }
0x11d: {  	[bflag:$0x3] =	sbarrier.arrive $0xFFFF  }
0x11e: {  	_ =	shalt  }

// kernel: kernel.9.cloned.1.call-start
scs
__scs_entry_jumppad:
0x0: {  	(pc) =	sbr.rel $0x88, $3  }
0x1: {  	(tag) =	ssettag $0x0;
	lr =	simm.s32 $0x1  }
0x2: {  	[smem:$0x3F8E] =	sst lr;
	_ =	strace $0xD0000000  }
0x3: {  	_ = 	snop  }
0x4: {  	_ = 	snop  }
0x5: {  	_ = 	snop  }
0x6: {  	_ = 	snop  }
0x7: {  	_ = 	snop  }
__scs_overlays_trampoline_lowered:
0x8: {  	[smem:$0x3F9D] =	sst s0  }
0x9: {  	[smem:$0x3F9E] =	sst s1  }
0xa: {  	[smem:$0x3F9F] =	sst s2  }
0xb: {  	[smem:$0x3FA0] =	sst s3  }
0xc: {  	[smem:$0x3FA1] =	sst s4  }
0xd: {  	[smem:$0x3FA2] =	sst s5  }
0xe: {  	[smem:$0x3FA3] =	sst s6  }
0xf: {  	[smem:$0x3FA4] =	sst s7  }
0x10: {  	[smem:$0x3FA5] =	sst s8  }
0x11: {  	[smem:$0x3FA6] =	sst s9;
	s0 =	simm.s32 @!p0 $0x0  }
0x12: {  	s1 =	sld [smem:$0x3F8C];
	s0 =	simm.s32 @p0 $0x1  }
0x13: {  	[smem:$0x3FA7] =	sst s0;
	s0 =	simm.s32 @!p1 $0x0  }
0x14: {  	s2 =	sld [smem:$0x3F8B];
	s0 =	simm.s32 @p1 $0x1  }
0x15: {  	[smem:$0x3FA8] =	sst s0;
	s0 =	simm.s32 @!p2 $0x0  }
0x16: {  	s3 =	sld [smem:$0x3FDB];
	s0 =	simm.s32 @p2 $0x1  }
0x17: {  	s4 =	simm.s32 $0x1BF5;
	[smem:$0x3FAA] =	sst s0  }
0x18: {  	s0 =	sld [smem:$0x3F8D];
	_ =	swait.ge [sflag:s4], $0x0  }
0x19: {  	s7 =	sld [smem:$0x3F8E]  }
0x1a: {  	s8 =	sadd.s32 $0xFFFFE003, lr  }
0x1b: {  	s9 =	sadd.s32 $0xFFFFFEF7, lr;
	s5 =	simm.s32 $0xFFFFFFFF;
	p2 =	slt.u32 s8, $0xFFFFF086  }
0x1c: {  	p1 =	slt.u32 s9, $0xF7A;
	s5 =	simm.s32 @!p2 $0x0  }
0x1d: {  	s5 =	simm.s32 @p1 $0x1;
	p0 =	seq.s32 s7, s2  }
0x1e: {  	s7 =	smul.u32 @!p0 $0xF7A, s2;
	p2 =	seq.s32 @!p0 s5, $0x0  }
0x1f: {  	s9 =	smul.u32 $0xF7A, s1;
	s8 =	simm.s32 @!p0 $0x1BF5;
	p2 =	por !p2, p0  }
0x20: {  	[sflag:s8] =	ssyncset.s32 @!p0 $0xFFFFF086;
	s6 =	sadd.s32 @!p0 s3, s7;
	s7 =	simm.s32 @!p0 $0x108  }
0x21: {  	s3 =	sadd.s32 s3, s9;
	s6 =	sadd.s32 @!p0 $0x88, s6;
	s7 =	simm.s32 @p2 $0x1082  }
0x22: {  	[simem:s7], [sflag:s8] =	dma.local @!p0 [hbm:s6], $0xF7A  }
0x23: {  	s9 =	sor.u32 $0xD0000000, s2;
	s6 =	simm.s32 $0x108;
	_ =	swait.ge @!p0 [sflag:s8], $0x0  }
0x24: {  	s3 =	sadd.s32 $0x88, s3;
	s6 =	simm.s32 @!p1 $0x1082;
	[sflag:s4] =	ssyncset.s32 $0xFFFFF086  }
0x25: {  	[simem:s6], [sflag:s4] =	dma.local [hbm:s3], $0xF7A  }
0x26: {  	[smem:$0x3F8E] =	sst s1;
	(tag) =	ssettag s2;
	_ =	strace s9  }
0x27: {  	s1 =	sld [smem:$0x3F9E]  }
0x28: {  	s2 =	sld [smem:$0x3F9F]  }
0x29: {  	s4 =	sld [smem:$0x3FA1]  }
0x2a: {  	p0 =	seq.s32 s5, $0x0;
	s5 =	sld [smem:$0x3FA2]  }
0x2b: {  	s6 =	sld [smem:$0x3FA3]  }
0x2c: {  	s7 =	sld [smem:$0x3FA4]  }
0x2d: {  	s3 =	simm.s32 $0x108;
	s8 =	sld [smem:$0x3FA5]  }
0x2e: {  	s3 =	simm.s32 @!p0 $0x1082;
	s9 =	sld [smem:$0x3FA6]  }
0x2f: {  	lr =	sadd.s32 s0, s3;
	s0 =	sld [smem:$0x3F9D]  }
0x30: {  	s3 =	sld [smem:$0x3FA0]  }
0x31: {  	[smem:$0x3FA9] =	sst s10  }
0x32: {  	s10 =	sld [smem:$0x3FA7];
	_ =	sdelay $0x3  }
0x33: {  	p0 =	seq.s32 s10, $0x1;
	s10 =	sld [smem:$0x3FA9];
	_ =	sdelay $0x3  }
0x34: {  	[smem:$0x3FA9] =	sst s10  }
0x35: {  	s10 =	sld [smem:$0x3FA8];
	_ =	sdelay $0x3  }
0x36: {  	p1 =	seq.s32 s10, $0x1;
	s10 =	sld [smem:$0x3FA9];
	_ =	sdelay $0x3  }
0x37: {  	[smem:$0x3FA9] =	sst s10  }
0x38: {  	s10 =	sld [smem:$0x3FAA]  }
0x39: {  	_ = 	snop;
	(pc) =	sbr.ind lr, $3  }
0x3a: {  	_ = 	snop  }
0x3b: {  	_ = 	snop  }
0x3c: {  	p2 =	seq.s32 s10, $0x1;
	s10 =	sld [smem:$0x3FA9]  }
0x3d: {  	_ =	shalt  }
0x3e: {  	_ =	shalt  }
0x3f: {  	_ =	shalt  }
0x40: {  	_ =	shalt  }
0x41: {  	_ =	shalt  }
0x42: {  	_ =	shalt  }
0x43: {  	_ =	shalt  }
0x44: {  	_ =	shalt  }
0x45: {  	_ =	shalt  }
0x46: {  	_ =	shalt  }
0x47: {  	_ =	shalt  }
0x48: {  	_ =	shalt  }
0x49: {  	_ =	shalt  }
0x4a: {  	_ =	shalt  }
0x4b: {  	_ =	shalt  }
0x4c: {  	_ =	shalt  }
0x4d: {  	_ =	shalt  }
0x4e: {  	_ =	shalt  }
0x4f: {  	_ =	shalt  }
0x50: {  	_ =	shalt  }
0x51: {  	_ =	shalt  }
0x52: {  	_ =	shalt  }
0x53: {  	_ =	shalt  }
0x54: {  	_ =	shalt  }
0x55: {  	_ =	shalt  }
0x56: {  	_ =	shalt  }
0x57: {  	_ =	shalt  }
0x58: {  	_ =	shalt  }
0x59: {  	_ =	shalt  }
0x5a: {  	_ =	shalt  }
0x5b: {  	_ =	shalt  }
0x5c: {  	_ =	shalt  }
0x5d: {  	_ =	shalt  }
0x5e: {  	_ =	shalt  }
0x5f: {  	_ =	shalt  }
0x60: {  	_ =	shalt  }
0x61: {  	_ =	shalt  }
0x62: {  	_ =	shalt  }
0x63: {  	_ =	shalt  }
0x64: {  	_ =	shalt  }
0x65: {  	_ =	shalt  }
0x66: {  	_ =	shalt  }
0x67: {  	_ =	shalt  }
0x68: {  	_ =	shalt  }
0x69: {  	_ =	shalt  }
0x6a: {  	_ =	shalt  }
0x6b: {  	_ =	shalt  }
0x6c: {  	_ =	shalt  }
0x6d: {  	_ =	shalt  }
0x6e: {  	_ =	shalt  }
0x6f: {  	_ =	shalt  }
0x70: {  	_ =	shalt  }
0x71: {  	_ =	shalt  }
0x72: {  	_ =	shalt  }
0x73: {  	_ =	shalt  }
0x74: {  	_ =	shalt  }
0x75: {  	_ =	shalt  }
0x76: {  	_ =	shalt  }
0x77: {  	_ =	shalt  }
0x78: {  	_ =	shalt  }
0x79: {  	_ =	shalt  }
0x7a: {  	_ =	shalt  }
0x7b: {  	_ =	shalt  }
0x7c: {  	_ =	shalt  }
0x7d: {  	_ =	shalt  }
0x7e: {  	_ =	shalt  }
0x7f: {  	_ =	shalt  }
0x80: {  	_ =	shalt  }
0x81: {  	_ =	shalt  }
0x82: {  	_ =	shalt  }
0x83: {  	_ =	shalt  }
0x84: {  	_ =	shalt  }
0x85: {  	_ =	shalt  }
0x86: {  	_ =	shalt  }
0x87: {  	_ =	shalt  }
.Lfunc_end0:
.L_simem_size_0:
called_computation.1_lowered:
.L_overlay_start_0:
0x88: {  	s2 =	sld [smem:$0x3FD9]  }
0x89: {  	s3 =	sld [smem:$0x3FFE];
	_ =	sdelay $0x1  }
0x8a: {  	s1 =	srdreg.scid  }
0x8b: {  	s0 =	sand.u32 $0x1, s1  }
0x8c: {  	s16 =	sshll.u32 s0, $0xA;
	s2 =	sadd.s32 s3, s2  }
0x8d: {  	s2 =	sadd.s32 s2, s16  }
0x8e: {  	[smem:$0x3FB5] =	sst s2  }
0x8f: {  	_ = 	snop  }
0x90: {  	(tm) =	ssettm $0x1  }
0x91: {  	s17 =	sld [smem:$0x3FFB];
	_ =	sdelay $0x3  }
0x92: {  	_ =	strace s17  }
0x93: {  	s2 =	sld [smem:$0x3FFC];
	_ =	sdelay $0x3  }
0x94: {  	_ =	strace s2  }
0x95: {  	s2 =	sld [smem:$0x3FFD];
	_ =	sdelay $0x3  }
0x96: {  	_ =	strace s2  }
0x97: {  	_ =	strace $0x8FFFFFFF  }
0x98: {  	s18 =	sld [smem:$0x3FDB];
	_ =	sdelay $0x1  }
0x99: {  	s19 =	simm.s32 $_scs_section_size  }
0x9a: {  	s4 =	simm.s32 $_size__tile_overlayer_lowered;
	s5 =	simm.s32 $_tile_overlayer_lowered  }
0x9b: {  	s22 =	simm.s32 $0x1BFF;
	s21 =	sshll.u32 s5, $0x1;
	s2 =	sadd.s32 s19, s18  }
0x9c: {  	s6 =	simm.s32 $0x0;
	s20 =	sshll.u32 s4, $0x1;
	s4 =	sadd.s32 s21, s2  }
0x9d: {  	[timem:s6], [sflag:s22] =	dma.local [hbm:s4], s20  }
0x9e: {  	_ =	swait.ge [sflag:s22], s20  }
0x9f: {  	s3 =	ssub.s32 $0x0, s20;
	[sflag:s22] =	ssyncset.done $0x0  }
0xa0: {  	[sflag:s22] =	ssyncadd.s32 s3;
	_ =	sdelay $0x1  }
0xa1: {  	s23 =	simm.s32 $0x1B8B  }
0xa2: {  	_ =	swait.ge [sflag:s23], $0x1  }
0xa3: {  	[sflag:s23] =	ssyncset.done $0x0  }
0xa4: {  	s25 =	simm.s32 $0x1B8E;
	s24 =	sld [smem:$0x3FFE];
	[sflag:s23] =	ssyncadd.s32 $0xFFFFFFFF  }
0xa5: {  	s26 =	simm.s32 $execute0_lowered;
	[smem:$0x3FD2] =	sst s25  }
0xa6: {  	s4 =	sshll.u32 s26, $0x1;
	_ =	strace $0x80000049;
	[dreg:$0x1] =	wrdreg $0xFFFFFFFF  }
0xa7: {  	s28 =	simm.s32 $_size_execute0_lowered;
	s2 =	sadd.s32 s2, s4;
	[dreg:$0x0] =	wrdreg $0x0  }
0xa8: {  	s4 =	sshll.u32 s28, $0x1;
	[dreg:$0x2] =	wrdreg s2  }
0xa9: {  	[dreg:$0x3] =	wrdreg s4  }
0xaa: {  	[dreg:$0x4] =	wrdreg $0xC0  }
0xab: {  	_ =	task [dreg:s6], $0x5FFFF  }
0xac: {  	[dreg:$0x1] =	wrdreg $0xFFFFFFFF  }
0xad: {  	[dreg:$0x0] =	wrdreg $0x60  }
0xae: {  	[dreg:$0x2] =	wrdreg s24  }
0xaf: {  	[dreg:$0x3] =	wrdreg $0x0  }
0xb0: {  	[dreg:$0x4] =	wrdreg $0x9  }
0xb1: {  	_ =	task.clear_ibuf [dreg:s6], $0x5FFFF;
	_ =	strace $0x90000049  }
0xb2: {  	s29 =	simm.s32 $0x9;
	_ =	strace $0x8000004B  }
0xb3: {  	_ =	swait.ge [sflag:s29], $0x1  }
0xb4: {  	[sflag:s29] =	ssyncadd.s32 $0xFFFFFFFF  }
0xb5: {  	_ =	strace $0x9000004B  }
0xb6: {  	_ =	sfence  }
0xb7: {  	s30 =	sld [smem:$0x0];
	_ =	sdelay $0x2  }
0xb8: {  	s31 =	sshll.u32 s1, $0xD;
	s1 =	sshrl.u32 s1, $0x2  }
0xb9: {  	s3 =	sand.u32 $0x4000, s31;
	s1 =	sadd.s32 s1, s30  }
0xba: {  	s0 =	sor.u32 s3, s0;
	s1 =	sshll.u32 s1, $0x11  }
0xbb: {  	s0 =	sor.u32 s1, s0  }
0xbc: {  	s0 =	sadd.s32 $0x8F2B, s0  }
0xbd: {  	[sflag:s0] =	ssyncadd.remote.s32 $0x1  }
0xbe: {  	_ =	sfence.sel $0xFFFF  }
0xbf: {  	[dreg:$0x0] =	wrdreg $0xFFFFFFFF;
	(pc) =	sbr.abs _section_cstart, $3  }
0xc0: {  	[dreg:$0x1] =	wrdreg $0xFFFFFFFF  }
0xc1: {  	_ =	task.clear_ibuf [dreg:s6], $0x2FFFF;
	_ =	strace $0x9FFFFFFF  }
0xc2: {  	(tm) =	ssettm $0x7FFFFFFF  }
0xc3: {  	_ =	shalt  }
tec
execute0_lowered:
.L_overlay_start_1:
0x0: {  	(tag) =	ssettag $0x1  }
0x1: {  	s0 =	rddreg [dreg:$0x0];
	s2 =	srdreg.scid  }
0x2: {  	s1 =	rddreg [dreg:$0x1];
	s4 =	stileid.u32  }
0x3: {  	s6 =	simm.s32 $0x0;
	s12 =	simm.s32 $0x80;
	s15 =	simm.s32 $0x61C8  }
0x4: {  	s16 =	simm.s32 $0x65C8;
	s17 =	simm.s32 $0x69C8;
	s18 =	simm.s32 $0x6DC8  }
0x5: {  	s19 =	simm.s32 $0x71C8;
	s20 =	simm.s32 $0x75C8;
	s21 =	simm.s32 $0x1  }
0x6: {  	s22 =	simm.s32 $0x2;
	s23 =	simm.s32 $0x3;
	s28 =	simm.s32 $0x7  }
0x7: {  	s29 =	simm.s32 $0x8;
	s30 =	simm.s32 $0x9;
	s31 =	simm.s32 $0xA  }
0x8: {  	s9 =	simm.s32 $0xC;
	s11 =	simm.s32 $0xD;
	s8 =	simm.s32 $0x0  }
0x9: {  	s14 =	simm.s32 $0x59C8;
	s2 =	sand.u32 $0x1, s2;
	s5 =	smul.u32 $0x2800, s4  }
0xa: {  	[smem:$0x7FF] =	sst s6;
	p0 =	sne.s32 s4, $0x0;
	s3 =	smul.u32 $0x28000, s2  }
0xb: {  	_ =	strace $0x8000004A;
	s24 =	smul.u32 $0x1390, s2;
	s2 =	ssub.s32 $0x2, s2  }
0xc: {  	s7 =	sshrl.u32 s2, $0x1;
	s5 =	sadd.s32 s5, s3;
	s3 =	sadd.s32 $0x5A00, s0  }
0xd: {  	s2 =	ssub.s32 s2, s7;
	s5 =	sshrl.u32 s5, $0x3;
	s6 =	sadd.s32 s3, s24  }
0xe: {  	s26 =	smax.u32 s2, $0x1;
	s5 =	sadd.s32 s5, s0;
	[dreg:$0x3] =	wrdreg s6  }
0xf: {  	s4 =	simm.s32 $0xF;
	[dreg:$0x7] =	wrdreg s26;
	s25 =	sadd.s32 $0x3E400, s5  }
0x10: {  	s0 =	sadd.s32 s24, s0;
	s5 =	sadd.s32 $0x2A400, s5;
	[dreg:$0x4] =	wrdreg s25  }
0x11: {  	s2 =	simm.s32 $0xE;
	s0 =	sadd.s32 $0x3200, s0;
	[dreg:$0x5] =	wrdreg s5  }
0x12: {  	s24 =	simm.s32 $0x4;
	s26 =	simm.s32 $0x6;
	[dreg:$0x6] =	wrdreg s0  }
0x13: {  	s25 =	simm.s32 $0x5;
	s0 =	simm.s32 $0xB;
	s5 =	simm.s32 $0x10  }
.LBB2_1:
0x14: {  	[dreg:$0x8] =	wrdreg s8  }
0x15: {  	s6 =	simm.s32 @!p0 $0x0;
	s7 =	simm.s32 @!p0 $0x79C8;
	s8 =	rddreg [dreg:$0x3]  }
0x16: {  	[tilespmem:s7], [sflag:$0x11] =	stream.linear.gather @!p0 [hbm4b:s8+s6], $0x9C80, $0x38;
	[tilespmem:$0x11648] =	vst v63  }
0x17: {  	s6 =	simm.s32 @!p0 $0x11  }
0x18: {  	_ =	swait.ge @!p0 [sflag:s6], $0x9C80  }
0x19: {  	[sflag:s6] =	ssyncset.done @!p0 $0x0  }
0x1a: {  	[sflag:s6] =	ssyncadd.s32 @!p0 $0xFFFF6380  }
0x1b: {  	[spmem:s1] =	stream.linear.scatter @!p0 [tilespmem:s7], [sflag:$0x11], $0x9C80, $0x38;
	[tilespmem:$0x11648] =	vst v63  }
0x1c: {  	_ =	swait.ge @!p0 [sflag:s6], $0x9C80  }
0x1d: {  	s10 =	simm.s32 $0x9C8;
	[sflag:s6] =	ssyncset.done @!p0 $0x0  }
0x1e: {  	s8 =	rddreg [dreg:$0x4];
	[sflag:s6] =	ssyncadd.s32 @!p0 $0xFFFF6380;
	s6 =	simm.s32 $0x0  }
0x1f: {  	[tilespmem:s10], [sflag:$0x11] =	stream.linear.gather [hbm4b:s8+s6], $0x2800, $0x38;
	[tilespmem:$0x11648] =	vst v63  }
0x20: {  	s8 =	simm.s32 $0x11  }
0x21: {  	_ =	swait.ge [sflag:s8], $0x2800  }
0x22: {  	[sflag:s8] =	ssyncset.done $0x0  }
0x23: {  	s10 =	simm.s32 $0x31C8;
	s13 =	rddreg [dreg:$0x5];
	[sflag:s8] =	ssyncadd.s32 $0xFFFFD800  }
0x24: {  	[tilespmem:s10], [sflag:$0x11] =	stream.linear.gather [hbm4b:s13+s6], $0x2800, $0x38;
	[tilespmem:$0x11648] =	vst v63  }
0x25: {  	_ =	swait.ge [sflag:s8], $0x2800  }
0x26: {  	[sflag:s8] =	ssyncset.done $0x0  }
0x27: {  	[sflag:s8] =	ssyncadd.s32 $0xFFFFD800  }
0x28: {  	s7 =	simm.s32 $0x59C8;
	s8 =	simm.s32 $0x9C8;
	[bflag:$0x0] =	sbarrier.arrive $0xFFFF  }
0x29: {  	[tilespmem:s7], [sflag:$0x1] =	stream.indirect.gather [hbm4b:s3+s12], $0x8, s8, s12, $0xb8;
	[tilespmem:$0x11648] =	vst v63  }
0x2a: {  	s10 =	simm.s32 $0xA48;
	s8 =	simm.s32 $0x5DC8  }
0x2b: {  	[tilespmem:s8], [sflag:$0x2] =	stream.indirect.gather [hbm4b:s3+s12], $0x8, s10, s12, $0xb8;
	[tilespmem:$0x11648] =	vst v63  }
0x2c: {  	s13 =	simm.s32 $0xAC8  }
0x2d: {  	[tilespmem:s15], [sflag:$0x3] =	stream.indirect.gather [hbm4b:s3+s12], $0x8, s13, s12, $0xb8;
	[tilespmem:$0x11648] =	vst v63  }
0x2e: {  	s10 =	simm.s32 $0xB48  }
0x2f: {  	[tilespmem:s16], [sflag:$0x4] =	stream.indirect.gather [hbm4b:s3+s12], $0x8, s10, s12, $0xb8;
	[tilespmem:$0x11648] =	vst v63  }
0x30: {  	s13 =	simm.s32 $0xBC8  }
0x31: {  	[tilespmem:s17], [sflag:$0x5] =	stream.indirect.gather [hbm4b:s3+s12], $0x8, s13, s12, $0xb8;
	[tilespmem:$0x11648] =	vst v63  }
0x32: {  	s10 =	simm.s32 $0xC48  }
0x33: {  	[tilespmem:s18], [sflag:$0x6] =	stream.indirect.gather [hbm4b:s3+s12], $0x8, s10, s12, $0xb8;
	[tilespmem:$0x11648] =	vst v63  }
0x34: {  	s13 =	simm.s32 $0xCC8  }
0x35: {  	[tilespmem:s19], [sflag:$0x7] =	stream.indirect.gather [hbm4b:s3+s12], $0x8, s13, s12, $0xb8;
	[tilespmem:$0x11648] =	vst v63  }
0x36: {  	s10 =	simm.s32 $0xD48  }
0x37: {  	[tilespmem:s20], [sflag:$0x8] =	stream.indirect.gather [hbm4b:s3+s12], $0x8, s10, s12, $0xb8;
	[tilespmem:$0x11648] =	vst v63  }
0x38: {  	_ =	swait.ge [sflag:s21], $0x400  }
0x39: {  	[sflag:s21] =	ssyncset.done $0x0  }
0x3a: {  	s13 =	simm.s32 $0x31C8;
	[sflag:s21] =	ssyncadd.s32 $0xFFFFFC00  }
0x3b: {  	[spmem:s1] =	stream.indirect.scatter.add.f32 [tilespmem:s7], [sflag:$0x9], $0x8, s13, s12, $0xb8;
	[tilespmem:$0x11648] =	vst v63  }
0x3c: {  	_ =	swait.ge [sflag:s22], $0x400  }
0x3d: {  	[sflag:s22] =	ssyncset.done $0x0  }
0x3e: {  	s7 =	simm.s32 $0x3248;
	[sflag:s22] =	ssyncadd.s32 $0xFFFFFC00  }
0x3f: {  	[spmem:s1] =	stream.indirect.scatter.add.f32 [tilespmem:s8], [sflag:$0xA], $0x8, s7, s12, $0xb8;
	[tilespmem:$0x11648] =	vst v63  }
0x40: {  	_ =	swait.ge [sflag:s23], $0x400  }
0x41: {  	[sflag:s23] =	ssyncset.done $0x0  }
0x42: {  	s10 =	simm.s32 $0x32C8;
	[sflag:s23] =	ssyncadd.s32 $0xFFFFFC00  }
0x43: {  	[spmem:s1] =	stream.indirect.scatter.add.f32 [tilespmem:s15], [sflag:$0xB], $0x8, s10, s12, $0xb8;
	[tilespmem:$0x11648] =	vst v63  }
0x44: {  	_ =	swait.ge [sflag:s24], $0x400  }
0x45: {  	[sflag:s24] =	ssyncset.done $0x0  }
0x46: {  	s13 =	simm.s32 $0x3348;
	[sflag:s24] =	ssyncadd.s32 $0xFFFFFC00  }
0x47: {  	[spmem:s1] =	stream.indirect.scatter.add.f32 [tilespmem:s16], [sflag:$0xC], $0x8, s13, s12, $0xb8;
	[tilespmem:$0x11648] =	vst v63  }
0x48: {  	_ =	swait.ge [sflag:s25], $0x400  }
0x49: {  	[sflag:s25] =	ssyncset.done $0x0  }
0x4a: {  	s7 =	simm.s32 $0x33C8;
	[sflag:s25] =	ssyncadd.s32 $0xFFFFFC00  }
0x4b: {  	[spmem:s1] =	stream.indirect.scatter.add.f32 [tilespmem:s17], [sflag:$0xD], $0x8, s7, s12, $0xb8;
	[tilespmem:$0x11648] =	vst v63  }
0x4c: {  	_ =	swait.ge [sflag:s26], $0x400  }
0x4d: {  	[sflag:s26] =	ssyncset.done $0x0  }
0x4e: {  	s8 =	simm.s32 $0x3448;
	[sflag:s26] =	ssyncadd.s32 $0xFFFFFC00  }
0x4f: {  	[spmem:s1] =	stream.indirect.scatter.add.f32 [tilespmem:s18], [sflag:$0xE], $0x8, s8, s12, $0xb8;
	[tilespmem:$0x11648] =	vst v63  }
0x50: {  	_ =	swait.ge [sflag:s28], $0x400  }
0x51: {  	[sflag:s28] =	ssyncset.done $0x0  }
0x52: {  	s10 =	simm.s32 $0x34C8;
	[sflag:s28] =	ssyncadd.s32 $0xFFFFFC00  }
0x53: {  	[spmem:s1] =	stream.indirect.scatter.add.f32 [tilespmem:s19], [sflag:$0xF], $0x8, s10, s12, $0xb8;
	[tilespmem:$0x11648] =	vst v63  }
0x54: {  	_ =	swait.ge [sflag:s29], $0x400  }
0x55: {  	[sflag:s29] =	ssyncset.done $0x0  }
0x56: {  	s13 =	simm.s32 $0x3548;
	[sflag:s29] =	ssyncadd.s32 $0xFFFFFC00  }
0x57: {  	[spmem:s1] =	stream.indirect.scatter.add.f32 [tilespmem:s20], [sflag:$0x10], $0x8, s13, s12, $0xb8;
	[tilespmem:$0x11648] =	vst v63  }
0x58: {  	_ =	swait.ge [sflag:s30], $0x400  }
0x59: {  	[sflag:s30] =	ssyncset.done $0x0  }
0x5a: {  	[sflag:s30] =	ssyncadd.s32 $0xFFFFFC00  }
0x5b: {  	_ =	swait.ge [sflag:s31], $0x400  }
0x5c: {  	[sflag:s31] =	ssyncset.done $0x0  }
0x5d: {  	[sflag:s31] =	ssyncadd.s32 $0xFFFFFC00  }
0x5e: {  	_ =	swait.ge [sflag:s0], $0x400  }
0x5f: {  	[sflag:s0] =	ssyncset.done $0x0  }
0x60: {  	[sflag:s0] =	ssyncadd.s32 $0xFFFFFC00  }
0x61: {  	_ =	swait.ge [sflag:s9], $0x400  }
0x62: {  	[sflag:s9] =	ssyncset.done $0x0  }
0x63: {  	[sflag:s9] =	ssyncadd.s32 $0xFFFFFC00  }
0x64: {  	_ =	swait.ge [sflag:s11], $0x400  }
0x65: {  	[sflag:s11] =	ssyncset.done $0x0  }
0x66: {  	[sflag:s11] =	ssyncadd.s32 $0xFFFFFC00  }
0x67: {  	_ =	swait.ge [sflag:s2], $0x400  }
0x68: {  	[sflag:s2] =	ssyncset.done $0x0  }
0x69: {  	[sflag:s2] =	ssyncadd.s32 $0xFFFFFC00  }
0x6a: {  	_ =	swait.ge [sflag:s4], $0x400  }
0x6b: {  	[sflag:s4] =	ssyncset.done $0x0  }
0x6c: {  	[sflag:s4] =	ssyncadd.s32 $0xFFFFFC00  }
0x6d: {  	_ =	swait.ge [sflag:s5], $0x400  }
0x6e: {  	s7 =	simm.s32 $0x400;
	s8 =	simm.s32 $0x2000;
	[sflag:s5] =	ssyncset.done $0x0  }
.LBB2_2:
0x6f: {  	s13 =	sadd.s32 $0x9C8, s7  }
0x70: {  	[sflag:s5] =	ssyncadd.s32 $0xFFFFFC00;
	s10 =	smov.u32 s8;
	s6 =	sadd.s32 $0x1000, s8  }
0x71: {  	[tilespmem:s14], [sflag:$0x1] =	stream.indirect.gather [hbm4b:s3+s12], $0x8, s13, s12, $0xb8;
	[tilespmem:$0x11648] =	vst v63  }
0x72: {  	p1 =	sne.s32 s8, $0x9000;
	s8 =	sadd.s32 $0xA48, s7;
	s13 =	simm.s32 $0x5DC8  }
0x73: {  	[tilespmem:s13], [sflag:$0x2] =	stream.indirect.gather [hbm4b:s3+s12], $0x8, s8, s12, $0xb8;
	[tilespmem:$0x11648] =	vst v63  }
0x74: {  	s8 =	sadd.s32 $0xAC8, s7  }
0x75: {  	[tilespmem:s15], [sflag:$0x3] =	stream.indirect.gather [hbm4b:s3+s12], $0x8, s8, s12, $0xb8;
	[tilespmem:$0x11648] =	vst v63  }
0x76: {  	s8 =	sadd.s32 $0xB48, s7  }
0x77: {  	[tilespmem:s16], [sflag:$0x4] =	stream.indirect.gather [hbm4b:s3+s12], $0x8, s8, s12, $0xb8;
	[tilespmem:$0x11648] =	vst v63  }
0x78: {  	s8 =	sadd.s32 $0xBC8, s7  }
0x79: {  	[tilespmem:s17], [sflag:$0x5] =	stream.indirect.gather [hbm4b:s3+s12], $0x8, s8, s12, $0xb8;
	[tilespmem:$0x11648] =	vst v63  }
0x7a: {  	s8 =	sadd.s32 $0xC48, s7  }
0x7b: {  	[tilespmem:s18], [sflag:$0x6] =	stream.indirect.gather [hbm4b:s3+s12], $0x8, s8, s12, $0xb8;
	[tilespmem:$0x11648] =	vst v63  }
0x7c: {  	s8 =	sadd.s32 $0xCC8, s7  }
0x7d: {  	[tilespmem:s19], [sflag:$0x7] =	stream.indirect.gather [hbm4b:s3+s12], $0x8, s8, s12, $0xb8;
	[tilespmem:$0x11648] =	vst v63  }
0x7e: {  	s8 =	sadd.s32 $0xD48, s7  }
0x7f: {  	[tilespmem:s20], [sflag:$0x8] =	stream.indirect.gather [hbm4b:s3+s12], $0x8, s8, s12, $0xb8;
	[tilespmem:$0x11648] =	vst v63  }
0x80: {  	_ =	swait.ge [sflag:s21], $0x400  }
0x81: {  	[sflag:s21] =	ssyncset.done $0x0  }
0x82: {  	s8 =	sadd.s32 $0x31C8, s7;
	[sflag:s21] =	ssyncadd.s32 $0xFFFFFC00  }
0x83: {  	[spmem:s1] =	stream.indirect.scatter.add.f32 [tilespmem:s14], [sflag:$0x9], $0x8, s8, s12, $0xb8;
	[tilespmem:$0x11648] =	vst v63  }
0x84: {  	_ =	swait.ge [sflag:s22], $0x400  }
0x85: {  	[sflag:s22] =	ssyncset.done $0x0  }
0x86: {  	s8 =	sadd.s32 $0x3248, s7;
	[sflag:s22] =	ssyncadd.s32 $0xFFFFFC00  }
0x87: {  	[spmem:s1] =	stream.indirect.scatter.add.f32 [tilespmem:s13], [sflag:$0xA], $0x8, s8, s12, $0xb8;
	[tilespmem:$0x11648] =	vst v63  }
0x88: {  	_ =	swait.ge [sflag:s23], $0x400  }
0x89: {  	[sflag:s23] =	ssyncset.done $0x0  }
0x8a: {  	s8 =	sadd.s32 $0x32C8, s7;
	[sflag:s23] =	ssyncadd.s32 $0xFFFFFC00  }
0x8b: {  	[spmem:s1] =	stream.indirect.scatter.add.f32 [tilespmem:s15], [sflag:$0xB], $0x8, s8, s12, $0xb8;
	[tilespmem:$0x11648] =	vst v63  }
0x8c: {  	_ =	swait.ge [sflag:s24], $0x400  }
0x8d: {  	[sflag:s24] =	ssyncset.done $0x0  }
0x8e: {  	s8 =	sadd.s32 $0x3348, s7;
	[sflag:s24] =	ssyncadd.s32 $0xFFFFFC00  }
0x8f: {  	[spmem:s1] =	stream.indirect.scatter.add.f32 [tilespmem:s16], [sflag:$0xC], $0x8, s8, s12, $0xb8;
	[tilespmem:$0x11648] =	vst v63  }
0x90: {  	_ =	swait.ge [sflag:s25], $0x400  }
0x91: {  	[sflag:s25] =	ssyncset.done $0x0  }
0x92: {  	s8 =	sadd.s32 $0x33C8, s7;
	[sflag:s25] =	ssyncadd.s32 $0xFFFFFC00  }
0x93: {  	[spmem:s1] =	stream.indirect.scatter.add.f32 [tilespmem:s17], [sflag:$0xD], $0x8, s8, s12, $0xb8;
	[tilespmem:$0x11648] =	vst v63  }
0x94: {  	_ =	swait.ge [sflag:s26], $0x400  }
0x95: {  	[sflag:s26] =	ssyncset.done $0x0  }
0x96: {  	s8 =	sadd.s32 $0x3448, s7;
	[sflag:s26] =	ssyncadd.s32 $0xFFFFFC00  }
0x97: {  	[spmem:s1] =	stream.indirect.scatter.add.f32 [tilespmem:s18], [sflag:$0xE], $0x8, s8, s12, $0xb8;
	[tilespmem:$0x11648] =	vst v63  }
0x98: {  	_ =	swait.ge [sflag:s28], $0x400  }
0x99: {  	[sflag:s28] =	ssyncset.done $0x0  }
0x9a: {  	s8 =	sadd.s32 $0x34C8, s7;
	[sflag:s28] =	ssyncadd.s32 $0xFFFFFC00  }
0x9b: {  	[spmem:s1] =	stream.indirect.scatter.add.f32 [tilespmem:s19], [sflag:$0xF], $0x8, s8, s12, $0xb8;
	[tilespmem:$0x11648] =	vst v63  }
0x9c: {  	_ =	swait.ge [sflag:s29], $0x400  }
0x9d: {  	[sflag:s29] =	ssyncset.done $0x0  }
0x9e: {  	s7 =	sadd.s32 $0x3548, s7;
	[sflag:s29] =	ssyncadd.s32 $0xFFFFFC00  }
0x9f: {  	[spmem:s1] =	stream.indirect.scatter.add.f32 [tilespmem:s20], [sflag:$0x10], $0x8, s7, s12, $0xb8;
	[tilespmem:$0x11648] =	vst v63  }
0xa0: {  	_ =	swait.ge [sflag:s30], $0x400  }
0xa1: {  	[sflag:s30] =	ssyncset.done $0x0  }
0xa2: {  	[sflag:s30] =	ssyncadd.s32 $0xFFFFFC00  }
0xa3: {  	_ =	swait.ge [sflag:s31], $0x400  }
0xa4: {  	[sflag:s31] =	ssyncset.done $0x0  }
0xa5: {  	[sflag:s31] =	ssyncadd.s32 $0xFFFFFC00  }
0xa6: {  	_ =	swait.ge [sflag:s0], $0x400  }
0xa7: {  	[sflag:s0] =	ssyncset.done $0x0  }
0xa8: {  	[sflag:s0] =	ssyncadd.s32 $0xFFFFFC00  }
0xa9: {  	_ =	swait.ge [sflag:s9], $0x400  }
0xaa: {  	[sflag:s9] =	ssyncset.done $0x0  }
0xab: {  	[sflag:s9] =	ssyncadd.s32 $0xFFFFFC00  }
0xac: {  	_ =	swait.ge [sflag:s11], $0x400  }
0xad: {  	[sflag:s11] =	ssyncset.done $0x0  }
0xae: {  	[sflag:s11] =	ssyncadd.s32 $0xFFFFFC00  }
0xaf: {  	_ =	swait.ge [sflag:s2], $0x400  }
0xb0: {  	[sflag:s2] =	ssyncset.done $0x0  }
0xb1: {  	[sflag:s2] =	ssyncadd.s32 $0xFFFFFC00  }
.Ltmp0:
0xb2: {  	_ =	swait.ge [sflag:s4], $0x400;
	(pc) =	sbr.rel @p1 .LBB2_2-.Ltmp0, $4  }
0xb3: {  	[sflag:s4] =	ssyncset.done $0x0  }
0xb4: {  	[sflag:s4] =	ssyncadd.s32 $0xFFFFFC00  }
0xb5: {  	_ =	swait.ge [sflag:s5], $0x400  }
0xb6: {  	s8 =	smov.u32 s6;
	s7 =	sshra.s32 s10, $0x2;
	[sflag:s5] =	ssyncset.done $0x0  }
0xb7: {  	s6 =	sadd.s32 $0x9C8, s7;
	[sflag:s5] =	ssyncadd.s32 $0xFFFFFC00;
	s8 =	simm.s32 $0x59C8  }
0xb8: {  	[tilespmem:s8], [sflag:$0x1] =	stream.indirect.gather [hbm4b:s3+s12], $0x8, s6, s12, $0xb8;
	[tilespmem:$0x11648] =	vst v63  }
0xb9: {  	s13 =	sadd.s32 $0xA48, s7;
	s10 =	simm.s32 $0x5DC8  }
0xba: {  	[tilespmem:s10], [sflag:$0x2] =	stream.indirect.gather [hbm4b:s3+s12], $0x8, s13, s12, $0xb8;
	[tilespmem:$0x11648] =	vst v63  }
0xbb: {  	s13 =	sadd.s32 $0xAC8, s7  }
0xbc: {  	[tilespmem:s15], [sflag:$0x3] =	stream.indirect.gather [hbm4b:s3+s12], $0x8, s13, s12, $0xb8;
	[tilespmem:$0x11648] =	vst v63  }
0xbd: {  	s13 =	sadd.s32 $0xB48, s7  }
0xbe: {  	[tilespmem:s16], [sflag:$0x4] =	stream.indirect.gather [hbm4b:s3+s12], $0x8, s13, s12, $0xb8;
	[tilespmem:$0x11648] =	vst v63  }
0xbf: {  	s13 =	sadd.s32 $0xBC8, s7  }
0xc0: {  	[tilespmem:s17], [sflag:$0x5] =	stream.indirect.gather [hbm4b:s3+s12], $0x8, s13, s12, $0xb8;
	[tilespmem:$0x11648] =	vst v63  }
0xc1: {  	s13 =	sadd.s32 $0xC48, s7  }
0xc2: {  	[tilespmem:s18], [sflag:$0x6] =	stream.indirect.gather [hbm4b:s3+s12], $0x8, s13, s12, $0xb8;
	[tilespmem:$0x11648] =	vst v63  }
0xc3: {  	s13 =	sadd.s32 $0xCC8, s7  }
0xc4: {  	[tilespmem:s19], [sflag:$0x7] =	stream.indirect.gather [hbm4b:s3+s12], $0x8, s13, s12, $0xb8;
	[tilespmem:$0x11648] =	vst v63  }
0xc5: {  	s13 =	sadd.s32 $0xD48, s7  }
0xc6: {  	[tilespmem:s20], [sflag:$0x8] =	stream.indirect.gather [hbm4b:s3+s12], $0x8, s13, s12, $0xb8;
	[tilespmem:$0x11648] =	vst v63  }
0xc7: {  	_ =	swait.ge [sflag:s21], $0x400  }
0xc8: {  	[sflag:s21] =	ssyncset.done $0x0  }
0xc9: {  	s13 =	sadd.s32 $0x31C8, s7;
	[sflag:s21] =	ssyncadd.s32 $0xFFFFFC00  }
0xca: {  	[spmem:s1] =	stream.indirect.scatter.add.f32 [tilespmem:s8], [sflag:$0x9], $0x8, s13, s12, $0xb8;
	[tilespmem:$0x11648] =	vst v63  }
0xcb: {  	_ =	swait.ge [sflag:s22], $0x400  }
0xcc: {  	[sflag:s22] =	ssyncset.done $0x0  }
0xcd: {  	s8 =	sadd.s32 $0x3248, s7;
	[sflag:s22] =	ssyncadd.s32 $0xFFFFFC00  }
0xce: {  	[spmem:s1] =	stream.indirect.scatter.add.f32 [tilespmem:s10], [sflag:$0xA], $0x8, s8, s12, $0xb8;
	[tilespmem:$0x11648] =	vst v63  }
0xcf: {  	_ =	swait.ge [sflag:s23], $0x400  }
0xd0: {  	[sflag:s23] =	ssyncset.done $0x0  }
0xd1: {  	s10 =	sadd.s32 $0x32C8, s7;
	[sflag:s23] =	ssyncadd.s32 $0xFFFFFC00  }
0xd2: {  	[spmem:s1] =	stream.indirect.scatter.add.f32 [tilespmem:s15], [sflag:$0xB], $0x8, s10, s12, $0xb8;
	[tilespmem:$0x11648] =	vst v63  }
0xd3: {  	_ =	swait.ge [sflag:s24], $0x400  }
0xd4: {  	[sflag:s24] =	ssyncset.done $0x0  }
0xd5: {  	s13 =	sadd.s32 $0x3348, s7;
	[sflag:s24] =	ssyncadd.s32 $0xFFFFFC00  }
0xd6: {  	[spmem:s1] =	stream.indirect.scatter.add.f32 [tilespmem:s16], [sflag:$0xC], $0x8, s13, s12, $0xb8;
	[tilespmem:$0x11648] =	vst v63  }
0xd7: {  	_ =	swait.ge [sflag:s25], $0x400  }
0xd8: {  	[sflag:s25] =	ssyncset.done $0x0  }
0xd9: {  	s8 =	sadd.s32 $0x33C8, s7;
	[sflag:s25] =	ssyncadd.s32 $0xFFFFFC00  }
0xda: {  	[spmem:s1] =	stream.indirect.scatter.add.f32 [tilespmem:s17], [sflag:$0xD], $0x8, s8, s12, $0xb8;
	[tilespmem:$0x11648] =	vst v63  }
0xdb: {  	_ =	swait.ge [sflag:s26], $0x400  }
0xdc: {  	[sflag:s26] =	ssyncset.done $0x0  }
0xdd: {  	s10 =	sadd.s32 $0x3448, s7;
	[sflag:s26] =	ssyncadd.s32 $0xFFFFFC00  }
0xde: {  	[spmem:s1] =	stream.indirect.scatter.add.f32 [tilespmem:s18], [sflag:$0xE], $0x8, s10, s12, $0xb8;
	[tilespmem:$0x11648] =	vst v63  }
0xdf: {  	_ =	swait.ge [sflag:s28], $0x400  }
0xe0: {  	[sflag:s28] =	ssyncset.done $0x0  }
0xe1: {  	s13 =	sadd.s32 $0x34C8, s7;
	[sflag:s28] =	ssyncadd.s32 $0xFFFFFC00  }
0xe2: {  	[spmem:s1] =	stream.indirect.scatter.add.f32 [tilespmem:s19], [sflag:$0xF], $0x8, s13, s12, $0xb8;
	[tilespmem:$0x11648] =	vst v63  }
0xe3: {  	_ =	swait.ge [sflag:s29], $0x400  }
0xe4: {  	[sflag:s29] =	ssyncset.done $0x0  }
0xe5: {  	s8 =	sadd.s32 $0x3548, s7;
	[sflag:s29] =	ssyncadd.s32 $0xFFFFFC00  }
0xe6: {  	[spmem:s1] =	stream.indirect.scatter.add.f32 [tilespmem:s20], [sflag:$0x10], $0x8, s8, s12, $0xb8;
	[tilespmem:$0x11648] =	vst v63  }
0xe7: {  	_ =	swait.ge [sflag:s30], $0x400  }
0xe8: {  	[sflag:s30] =	ssyncset.done $0x0  }
0xe9: {  	[sflag:s30] =	ssyncadd.s32 $0xFFFFFC00  }
0xea: {  	_ =	swait.ge [sflag:s31], $0x400  }
0xeb: {  	[sflag:s31] =	ssyncset.done $0x0  }
0xec: {  	[sflag:s31] =	ssyncadd.s32 $0xFFFFFC00  }
0xed: {  	_ =	swait.ge [sflag:s0], $0x400  }
0xee: {  	[sflag:s0] =	ssyncset.done $0x0  }
0xef: {  	[sflag:s0] =	ssyncadd.s32 $0xFFFFFC00  }
0xf0: {  	_ =	swait.ge [sflag:s9], $0x400  }
0xf1: {  	[sflag:s9] =	ssyncset.done $0x0  }
0xf2: {  	[sflag:s9] =	ssyncadd.s32 $0xFFFFFC00  }
0xf3: {  	_ =	swait.ge [sflag:s11], $0x400  }
0xf4: {  	[sflag:s11] =	ssyncset.done $0x0  }
0xf5: {  	[sflag:s11] =	ssyncadd.s32 $0xFFFFFC00  }
0xf6: {  	_ =	swait.ge [sflag:s2], $0x400  }
0xf7: {  	[sflag:s2] =	ssyncset.done $0x0  }
0xf8: {  	[sflag:s2] =	ssyncadd.s32 $0xFFFFFC00  }
0xf9: {  	_ =	swait.ge [sflag:s4], $0x400  }
0xfa: {  	[sflag:s4] =	ssyncset.done $0x0  }
0xfb: {  	[sflag:s4] =	ssyncadd.s32 $0xFFFFFC00  }
0xfc: {  	_ =	swait.ge [sflag:s5], $0x400  }
0xfd: {  	[sflag:s5] =	ssyncset.done $0x0  }
0xfe: {  	[sflag:s5] =	ssyncadd.s32 $0xFFFFFC00  }
0xff: {  	s6 =	simm.s32 @!p0 $0x79C8;
	s7 =	simm.s32 @!p0 $0x11;
	[bflag:$0x0] =	sbarrier.arrive $0xFFFF  }
0x100: {  	[tilespmem:s6], [sflag:$0x11] =	stream.linear.gather @!p0 [spmem:s1], $0x9C80, $0x38;
	[tilespmem:$0x11648] =	vst v63  }
0x101: {  	_ =	swait.ge @!p0 [sflag:s7], $0x9C80  }
0x102: {  	[sflag:s7] =	ssyncset.done @!p0 $0x0  }
0x103: {  	s8 =	simm.s32 @!p0 $0x0;
	s10 =	rddreg [dreg:$0x6];
	[sflag:s7] =	ssyncadd.s32 @!p0 $0xFFFF6380  }
0x104: {  	[hbm4b:s10+s8] =	stream.linear.scatter @!p0 [tilespmem:s6], [sflag:$0x11], $0x9C80, $0x38;
	[tilespmem:$0x11648] =	vst v63  }
0x105: {  	_ =	swait.ge @!p0 [sflag:s7], $0x9C80  }
0x106: {  	s10 =	rddreg [dreg:$0x8]  }
0x107: {  	s13 =	rddreg [dreg:$0x7];
	s8 =	sadd.s32 $0x1, s10  }
0x108: {  	p1 =	sne.s32 s8, s13  }
.Ltmp1:
0x109: {  	_ = 	snop;
	(pc) =	sbr.rel @p1 .LBB2_1-.Ltmp1, $3  }
0x10a: {  	_ =	sdelay $0x1  }
0x10b: {  	[sflag:s7] =	ssyncset.done @!p0 $0x0  }
0x10c: {  	[sflag:s7] =	ssyncadd.s32 @!p0 $0xFFFF6380  }
0x10d: {  	_ =	sfence.sel $0x180000  }
0x10e: {  	[bflag:$0x0] =	sbarrier.arrive $0xFFFF  }
0x10f: {  	_ =	strace $0x9000004A  }
0x110: {  	[bflag:$0x2] =	sbarrier.arrive $0xFFFF  }
0x111: {  	s0 =	rddreg [dreg:$0x2]  }
0x112: {  	s0 =	sadd.s32 @!p0 $0x100000, s0  }
0x113: {  	[sflag:s0] =	ssyncadd.tile.s32 @!p0 $0x1;
	_ =	shalt  }
.Lfunc_end2:
_tile_overlayer_lowered:
.L_overlay_start_2:
0x114: {  	(tag) =	ssettag $0x2  }
0x115: {  	s0 =	rddreg [dreg:$0x0];
	s2 =	stileid.u32  }
0x116: {  	s1 =	rddreg [dreg:$0x1];
	p0 =	sne.s32 s2, $0x0  }
0x117: {  	s3 =	rddreg [dreg:$0x2];
	[bflag:$0x3] =	sbarrier.arrive $0xFFFF;
	s2 =	simm.s32 @!p0 $0x1C11  }
0x118: {  	[timem:s3], [sflag:s2] =	dma.local @!p0 [hbm:s0], s1  }
0x119: {  	s0 =	simm.s32 @!p0 $0x11  }
0x11a: {  	_ =	swait.ge @!p0 [sflag:s0], s1  }
0x11b: {  	s1 =	ssub.s32 @!p0 $0x0, s1;
	[sflag:s0] =	ssyncset.done @!p0 $0x0  }
0x11c: {  	[sflag:s0] =	ssyncadd.s32 @!p0 s1  }
0x11d: {  	[bflag:$0x3] =	sbarrier.arrive $0xFFFF  }
0x11e: {  	_ =	shalt  }

</sc_bundles>
